<compile_context>
chip_gen: v7x
topology: tpu7x:2x2x1
jax: 0.10.2.dev20260603
libtpu: 0.0.44.dev20260713+nightly
codegen_flags: <defaults>
</compile_context>

<pallas_src>
import functools

import jax
import jax.numpy as jnp
from jax import lax
from jax.experimental import pallas as pl
from jax.experimental.pallas import tpu as pltpu
from jax.experimental.pallas import tpu_sc as plsc

N = 10000
D = 128
NC = 2
NS = 16
NW = NC * NS
K = 128
NPAD = 10112
RT = NPAD // NS
PAD_DST = N + 16
DD = 128
CHUNK = 48



def _deg_body(dst_hbm, zeros_hbm, ones_hbm, out_hbm,
              idx_dst, ones_v, sem, acc, *, nb):
    c = lax.axis_index("c")
    s = lax.axis_index("s")
    tile = c * NS + s
    pltpu.sync_copy(zeros_hbm, acc.at[pl.ds(s * RT, RT)])
    pltpu.sync_copy(ones_hbm, ones_v)
    pltpu.sync_copy(dst_hbm.at[pl.ds(tile * nb, nb)], idx_dst)
    plsc.subcore_barrier()

    def body(j, carry):
        pltpu.sync_copy(ones_v, acc.at[idx_dst.at[j]], add=True)
        return carry

    lax.fori_loop(0, nb, body, 0)
    plsc.subcore_barrier()
    pltpu.sync_copy(acc.at[pl.ds(s * RT, RT)],
                    out_hbm.at[c, pl.ds(s * RT, RT)])


def _spmm_body(y_hbm, src_hbm, dst_hbm, zeros_hbm, out_hbm,
               idx_src, idx_dst, rows0, rows1, sem, acc, *, nb0, nb1):
    c = lax.axis_index("c")
    s = lax.axis_index("s")
    pltpu.sync_copy(zeros_hbm, acc.at[pl.ds(s * RT, RT)])
    plsc.subcore_barrier()

    def run(blk0, nbc):
        base = blk0
        rem = nbc
        while rem > 0:
            ch = min(CHUNK, rem)
            pltpu.sync_copy(src_hbm.at[pl.ds(base, ch)],
                            idx_src.at[pl.ds(0, ch)])
            pltpu.sync_copy(dst_hbm.at[pl.ds(base, ch)],
                            idx_dst.at[pl.ds(0, ch)])
            pltpu.async_copy(y_hbm.at[idx_src.at[0]], rows0, sem).wait()

            def body(p, carry):
                for b, (buf, nxt) in enumerate(((rows0, rows1),
                                                (rows1, rows0))):
                    j = p * 2 + b

                    @pl.when(j + 1 < ch)
                    def _():
                        pltpu.async_copy(y_hbm.at[idx_src.at[j + 1]], nxt,
                                         sem)

                    pltpu.sync_copy(buf, acc.at[idx_dst.at[j]], add=True)

                    @pl.when(j + 1 < ch)
                    def _():
                        pltpu.make_async_copy(y_hbm.at[idx_src.at[j + 1]],
                                              nxt, sem).wait()
                return carry

            lax.fori_loop(0, ch // 2, body, 0)
            base += ch
            rem -= ch

    @pl.when(c == 0)
    def _():
        run(s * nb0, nb0)

    @pl.when(c == 1)
    def _():
        run(NS * nb0 + s * nb1, nb1)
    plsc.subcore_barrier()
    pltpu.sync_copy(acc.at[pl.ds(s * RT, RT)],
                    out_hbm.at[c, pl.ds(s * RT, RT)])


def _make_sc_kernels(nb, nb0, nb1):
    mesh = plsc.VectorSubcoreMesh(core_axis_name="c", subcore_axis_name="s")
    deg = pl.kernel(
        functools.partial(_deg_body, nb=nb),
        out_type=jax.ShapeDtypeStruct((NC, NPAD, DD), jnp.float32),
        mesh=mesh,
        scratch_types=[
            pltpu.VMEM((nb, K), jnp.int32),
            pltpu.VMEM((K, DD), jnp.float32),
            pltpu.SemaphoreType.DMA,
            pltpu.VMEM_SHARED((NPAD, DD), jnp.float32),
        ],
    )
    spmm = pl.kernel(
        functools.partial(_spmm_body, nb0=nb0, nb1=nb1),
        out_type=jax.ShapeDtypeStruct((NC, NPAD, D), jnp.float32),
        mesh=mesh,
        scratch_types=[
            pltpu.VMEM((CHUNK, K), jnp.int32),
            pltpu.VMEM((CHUNK, K), jnp.int32),
            pltpu.VMEM((K, D), jnp.float32),
            pltpu.VMEM((K, D), jnp.float32),
            pltpu.SemaphoreType.DMA,
            pltpu.VMEM_SHARED((NPAD, D), jnp.float32),
        ],
    )
    return deg, spmm



def _prep_body(d0_ref, d1_ref, x_ref, y_ref, dinv_ref):
    deg = d0_ref[...][:, :1] + d1_ref[...][:, :1] + 1.0
    dv = lax.rsqrt(deg)
    dinv_ref[...] = dv
    y_ref[...] = x_ref[...] * dv


def _dense_body(s0_ref, s1_ref, y_ref, dinv_ref, w_ref, b_ref, out_ref,
                *, relu_scale):
    dv = dinv_ref[...]
    t = (s0_ref[...] + s1_ref[...] + y_ref[...]) * dv
    h = jnp.dot(t, w_ref[...], preferred_element_type=jnp.float32)
    h = h + b_ref[...]
    if relu_scale:
        h = jnp.maximum(h, 0.0) * dv
    out_ref[...] = h


_R = 1000


def _make_prep():
    return pl.pallas_call(
        _prep_body,
        grid=(N // _R,),
        in_specs=[
            pl.BlockSpec((_R, DD), lambda i: (i, 0)),
            pl.BlockSpec((_R, DD), lambda i: (i, 0)),
            pl.BlockSpec((_R, D), lambda i: (i, 0)),
        ],
        out_specs=[
            pl.BlockSpec((_R, D), lambda i: (i, 0)),
            pl.BlockSpec((_R, 1), lambda i: (i, 0)),
        ],
        out_shape=[
            jax.ShapeDtypeStruct((N, D), jnp.float32),
            jax.ShapeDtypeStruct((N, 1), jnp.float32),
        ],
    )


def _make_dense(relu_scale):
    return pl.pallas_call(
        functools.partial(_dense_body, relu_scale=relu_scale),
        grid=(N // _R,),
        in_specs=[
            pl.BlockSpec((_R, D), lambda i: (i, 0)),
            pl.BlockSpec((_R, D), lambda i: (i, 0)),
            pl.BlockSpec((_R, D), lambda i: (i, 0)),
            pl.BlockSpec((_R, 1), lambda i: (i, 0)),
            pl.BlockSpec((D, D), lambda i: (0, 0)),
            pl.BlockSpec((1, D), lambda i: (0, 0)),
        ],
        out_specs=pl.BlockSpec((_R, D), lambda i: (i, 0)),
        out_shape=jax.ShapeDtypeStruct((N, D), jnp.float32),
    )



def kernel(vert_features, edges, W1, b1, W2, b2):
    x = vert_features
    src = edges[0].astype(jnp.int32)
    dst = edges[1].astype(jnp.int32)
    e = src.shape[0]
    nb = -(-e // (NW * K))
    nb = ((nb + 7) // 8) * 8
    pad = NW * K * nb - e
    src_p = jnp.concatenate(
        [src, jnp.zeros((pad,), jnp.int32)]).reshape(NW * nb, K)
    dst_p = jnp.concatenate(
        [dst, jnp.full((pad,), PAD_DST, jnp.int32)]).reshape(NW * nb, K)

    t_blocks = 2 * nb
    nb0 = (9 * t_blocks // 10 // 8) * 8
    nb1 = t_blocks - nb0

    zeros_deg = jnp.zeros((RT, DD), jnp.float32)
    ones_deg = jnp.ones((K, DD), jnp.float32)
    zeros_rows = jnp.zeros((RT, D), jnp.float32)

    deg_fn, spmm_fn = _make_sc_kernels(nb, nb0, nb1)
    prep_fn = _make_prep()
    dense1_fn = _make_dense(True)
    dense2_fn = _make_dense(False)

    degp = deg_fn(dst_p, zeros_deg, ones_deg)
    y1, dinv = prep_fn(degp[0, :N], degp[1, :N], x)

    sp1 = spmm_fn(y1, src_p, dst_p, zeros_rows)
    y2 = dense1_fn(sp1[0, :N], sp1[1, :N], y1, dinv,
                   W1, b1.reshape(1, D))

    sp2 = spmm_fn(y2, src_p, dst_p, zeros_rows)
    out = dense2_fn(sp2[0, :N], sp2[1, :N], y2, dinv,
                    W2, b2.reshape(1, D))
    return out

# --- scband reference (transcript-rebuilt; emitter-appended) ---
"""Pipeline reference for scband-graph-conv-block-82051055222845 (READ-ONLY COPY).

The authoritative reference and input builder live on the scoring server;
editing this copy changes nothing except your own understanding.
"""

import jax, jax.numpy as jnp
import numpy as np

N_NODES = 10000
D_IN = 128
D_HID = 128
D_OUT = 128
N_EDGES = 320000


def gcn_conv(x, edge_index, W, b):
    # GCN conv with self-loops and symmetric normalization (normalize=True)
    n = x.shape[0]
    loop = jnp.arange(n, dtype=edge_index.dtype)
    src = jnp.concatenate([edge_index[0], loop])
    dst = jnp.concatenate([edge_index[1], loop])
    deg = jnp.zeros((n,), dtype=x.dtype).at[dst].add(1.0)
    dinv = jnp.where(deg > 0, jax.lax.rsqrt(deg), 0.0)
    norm = dinv[src] * dinv[dst]
    msg = x[src] * norm[:, None]
    agg = jnp.zeros_like(x).at[dst].add(msg)
    return agg @ W + b


def setup_inputs(seed: int = 0) -> dict:
    key = jax.random.key(seed)
    k1, k2, k3, k4 = jax.random.split(key, 4)
    vert_features = jax.random.normal(k1, (N_NODES, D_IN), dtype=jnp.float32)
    edges = jax.random.randint(k2, (2, N_EDGES), 0, N_NODES, dtype=jnp.int64)
    s1 = (2.0 / (D_IN + D_HID)) ** 0.5
    s2 = (2.0 / (D_HID + D_OUT)) ** 0.5
    W1 = jax.random.normal(k3, (D_IN, D_HID), dtype=jnp.float32) * s1
    b1 = jnp.zeros((D_HID,), dtype=jnp.float32)
    W2 = jax.random.normal(k4, (D_HID, D_OUT), dtype=jnp.float32) * s2
    b2 = jnp.zeros((D_OUT,), dtype=jnp.float32)
    return {"vert_features": vert_features, "edges": edges, "W1": W1, "b1": b1, "W2": W2, "b2": b2}


def reference(vert_features, edges, W1, b1, W2, b2):
    # GraphConvBlock with hidden_features=[128], norm='n' (Identity):
    # conv1 -> Identity -> ReLU -> conv2
    h = gcn_conv(vert_features, edges, W1, b1)
    h = jax.nn.relu(h)
    out = gcn_conv(h, edges, W2, b2)
    return out

if __name__ == "__main__":
    import jax
    _d = setup_inputs()
    print(jax.jit(kernel)(*tuple(_d.values())))

</pallas_src>

<mosaic_0001>
#map = affine_map<(d0, d1) -> (0, 0)>
#map1 = affine_map<(d0, d1) -> (0, 0, 0)>
module attributes {stable_mosaic.version = 14 : i64} {
  func.func @_spmm_body(%arg0: i32, %arg1: i32, %arg2: memref<10000x128xf32, #tpu.memory_space<hbm>>, %arg3: memref<2560x128xi32, #tpu.memory_space<hbm>>, %arg4: memref<2560x128xi32, #tpu.memory_space<hbm>>, %arg5: memref<632x128xf32, #tpu.memory_space<hbm>>, %arg6: memref<2x10112x128xf32, #tpu.memory_space<hbm>>, %arg7: memref<48x128xi32, #tpu.memory_space<vmem>>, %arg8: memref<48x128xi32, #tpu.memory_space<vmem>>, %arg9: memref<128x128xf32, #tpu.memory_space<vmem>>, %arg10: memref<128x128xf32, #tpu.memory_space<vmem>>, %arg11: memref<!tpu.dma_semaphore, #tpu.memory_space<semaphore_mem>>, %arg12: memref<10112x128xf32, #tpu.memory_space<vmem_shared>>) attributes {dimension_semantics = [#tpu.dimension_semantics<core_parallel>, #tpu.dimension_semantics<subcore_parallel>], iteration_bounds = array<i64: 2, 16>, scalar_prefetch = 0 : i64, scratch_operands = 6 : i64, tpu.core_type = #tpu.core_type<sc_vector_subcore>, window_params = [{transform_indices = #map}, {transform_indices = #map}, {transform_indices = #map}, {transform_indices = #map}, {transform_indices = #map1}]} {
    %mul3A = arith.constant 632 : i32
    %mul3A_0 = arith.muli %arg1, %mul3A : i32
    "tpu.region"() ({
      %run_scoped3A = tpu.sem_alloc : memref<!tpu.dma_semaphore, #tpu.memory_space<semaphore_mem>>
      %dma_start3A = arith.constant 0 : i32
      %dma_start3A_13 = tpu.memref_slice %arg12[%mul3A_0, %dma_start3A] : memref<10112x128xf32, #tpu.memory_space<vmem_shared>> -> memref<632x128xf32, #tpu.memory_space<vmem_shared>>
      tpu.enqueue_dma source(%arg5 : memref<632x128xf32, #tpu.memory_space<hbm>>) target(%dma_start3A_13 : memref<632x128xf32, #tpu.memory_space<vmem_shared>>) target_semaphore(%run_scoped3A : memref<!tpu.dma_semaphore, #tpu.memory_space<semaphore_mem>>)
      %dma_wait3A = arith.constant 0 : i32
      %dma_wait3A_14 = tpu.memref_slice %arg12[%mul3A_0, %dma_wait3A] : memref<10112x128xf32, #tpu.memory_space<vmem_shared>> -> memref<632x128xf32, #tpu.memory_space<vmem_shared>>
      tpu.wait_dma2 semaphore(%run_scoped3A : memref<!tpu.dma_semaphore, #tpu.memory_space<semaphore_mem>>) src(%arg5 : memref<632x128xf32, #tpu.memory_space<hbm>>) dst(%dma_wait3A_14 : memref<632x128xf32, #tpu.memory_space<vmem_shared>>)
      tpu.yield
    }) : () -> ()
    %barrier3A = arith.constant 0 : index
    tpu.barrier barrier_id(%barrier3A)
    %eq3A = arith.constant 0 : i32
    %eq3A_1 = arith.cmpi eq, %arg0, %eq3A : i32
    %convert_element_type3A = arith.extui %eq3A_1 : i1 to i32
    %cond3A = arith.constant 0 : i32
    %cond3A_2 = arith.cmpi ne, %convert_element_type3A, %cond3A : i32
    scf.if %cond3A_2 {
      %mul3A_13 = arith.constant 144 : i32
      %mul3A_14 = arith.muli %arg1, %mul3A_13 : i32
      "tpu.region"() ({
        %run_scoped3A = tpu.sem_alloc : memref<!tpu.dma_semaphore, #tpu.memory_space<semaphore_mem>>
        %dma_start3A_77 = arith.constant 0 : i32
        %dma_start3A_78 = arith.constant 0 : i32
        %dma_start3A_79 = tpu.memref_slice %arg7[%dma_start3A_77, %dma_start3A_78] : memref<48x128xi32, #tpu.memory_space<vmem>> -> memref<48x128xi32, #tpu.memory_space<vmem>>
        %dma_start3A_80 = arith.constant 0 : i32
        %dma_start3A_81 = tpu.memref_slice %arg3[%mul3A_14, %dma_start3A_80] : memref<2560x128xi32, #tpu.memory_space<hbm>> -> memref<48x128xi32, #tpu.memory_space<hbm>>
        %dma_start3A_82 = arith.constant 0 : i32
        %dma_start3A_83 = arith.constant 0 : i32
        %dma_start3A_84 = tpu.memref_slice %arg7[%dma_start3A_82, %dma_start3A_83] : memref<48x128xi32, #tpu.memory_space<vmem>> -> memref<48x128xi32, #tpu.memory_space<vmem>>
        %dma_start3A_85 = arith.constant 0 : i32
        %dma_start3A_86 = tpu.memref_slice %arg3[%mul3A_14, %dma_start3A_85] : memref<2560x128xi32, #tpu.memory_space<hbm>> -> memref<48x128xi32, #tpu.memory_space<hbm>>
        tpu.enqueue_dma source(%dma_start3A_86 : memref<48x128xi32, #tpu.memory_space<hbm>>) target(%dma_start3A_84 : memref<48x128xi32, #tpu.memory_space<vmem>>) target_semaphore(%run_scoped3A : memref<!tpu.dma_semaphore, #tpu.memory_space<semaphore_mem>>)
        %dma_wait3A_87 = arith.constant 0 : i32
        %dma_wait3A_88 = arith.constant 0 : i32
        %dma_wait3A_89 = tpu.memref_slice %arg7[%dma_wait3A_87, %dma_wait3A_88] : memref<48x128xi32, #tpu.memory_space<vmem>> -> memref<48x128xi32, #tpu.memory_space<vmem>>
        %dma_wait3A_90 = arith.constant 0 : i32
        %dma_wait3A_91 = tpu.memref_slice %arg3[%mul3A_14, %dma_wait3A_90] : memref<2560x128xi32, #tpu.memory_space<hbm>> -> memref<48x128xi32, #tpu.memory_space<hbm>>
        %dma_wait3A_92 = arith.constant 0 : i32
        %dma_wait3A_93 = arith.constant 0 : i32
        %dma_wait3A_94 = tpu.memref_slice %arg7[%dma_wait3A_92, %dma_wait3A_93] : memref<48x128xi32, #tpu.memory_space<vmem>> -> memref<48x128xi32, #tpu.memory_space<vmem>>
        %dma_wait3A_95 = arith.constant 0 : i32
        %dma_wait3A_96 = tpu.memref_slice %arg3[%mul3A_14, %dma_wait3A_95] : memref<2560x128xi32, #tpu.memory_space<hbm>> -> memref<48x128xi32, #tpu.memory_space<hbm>>
        tpu.wait_dma2 semaphore(%run_scoped3A : memref<!tpu.dma_semaphore, #tpu.memory_space<semaphore_mem>>) src(%dma_wait3A_96 : memref<48x128xi32, #tpu.memory_space<hbm>>) dst(%dma_wait3A_94 : memref<48x128xi32, #tpu.memory_space<vmem>>)
        tpu.yield
      }) : () -> ()
      "tpu.region"() ({
        %run_scoped3A = tpu.sem_alloc : memref<!tpu.dma_semaphore, #tpu.memory_space<semaphore_mem>>
        %dma_start3A_77 = arith.constant 0 : i32
        %dma_start3A_78 = arith.constant 0 : i32
        %dma_start3A_79 = tpu.memref_slice %arg8[%dma_start3A_77, %dma_start3A_78] : memref<48x128xi32, #tpu.memory_space<vmem>> -> memref<48x128xi32, #tpu.memory_space<vmem>>
        %dma_start3A_80 = arith.constant 0 : i32
        %dma_start3A_81 = tpu.memref_slice %arg4[%mul3A_14, %dma_start3A_80] : memref<2560x128xi32, #tpu.memory_space<hbm>> -> memref<48x128xi32, #tpu.memory_space<hbm>>
        %dma_start3A_82 = arith.constant 0 : i32
        %dma_start3A_83 = arith.constant 0 : i32
        %dma_start3A_84 = tpu.memref_slice %arg8[%dma_start3A_82, %dma_start3A_83] : memref<48x128xi32, #tpu.memory_space<vmem>> -> memref<48x128xi32, #tpu.memory_space<vmem>>
        %dma_start3A_85 = arith.constant 0 : i32
        %dma_start3A_86 = tpu.memref_slice %arg4[%mul3A_14, %dma_start3A_85] : memref<2560x128xi32, #tpu.memory_space<hbm>> -> memref<48x128xi32, #tpu.memory_space<hbm>>
        tpu.enqueue_dma source(%dma_start3A_86 : memref<48x128xi32, #tpu.memory_space<hbm>>) target(%dma_start3A_84 : memref<48x128xi32, #tpu.memory_space<vmem>>) target_semaphore(%run_scoped3A : memref<!tpu.dma_semaphore, #tpu.memory_space<semaphore_mem>>)
        %dma_wait3A_87 = arith.constant 0 : i32
        %dma_wait3A_88 = arith.constant 0 : i32
        %dma_wait3A_89 = tpu.memref_slice %arg8[%dma_wait3A_87, %dma_wait3A_88] : memref<48x128xi32, #tpu.memory_space<vmem>> -> memref<48x128xi32, #tpu.memory_space<vmem>>
        %dma_wait3A_90 = arith.constant 0 : i32
        %dma_wait3A_91 = tpu.memref_slice %arg4[%mul3A_14, %dma_wait3A_90] : memref<2560x128xi32, #tpu.memory_space<hbm>> -> memref<48x128xi32, #tpu.memory_space<hbm>>
        %dma_wait3A_92 = arith.constant 0 : i32
        %dma_wait3A_93 = arith.constant 0 : i32
        %dma_wait3A_94 = tpu.memref_slice %arg8[%dma_wait3A_92, %dma_wait3A_93] : memref<48x128xi32, #tpu.memory_space<vmem>> -> memref<48x128xi32, #tpu.memory_space<vmem>>
        %dma_wait3A_95 = arith.constant 0 : i32
        %dma_wait3A_96 = tpu.memref_slice %arg4[%mul3A_14, %dma_wait3A_95] : memref<2560x128xi32, #tpu.memory_space<hbm>> -> memref<48x128xi32, #tpu.memory_space<hbm>>
        tpu.wait_dma2 semaphore(%run_scoped3A : memref<!tpu.dma_semaphore, #tpu.memory_space<semaphore_mem>>) src(%dma_wait3A_96 : memref<48x128xi32, #tpu.memory_space<hbm>>) dst(%dma_wait3A_94 : memref<48x128xi32, #tpu.memory_space<vmem>>)
        tpu.yield
      }) : () -> ()
      %dma_start3A = arith.constant 0 : i32
      %dma_start3A_15 = arith.constant 0 : i32
      %dma_start3A_16 = tpu.memref_slice %arg7[%dma_start3A, %dma_start3A_15] : memref<48x128xi32, #tpu.memory_space<vmem>> -> memref<1x128xi32, #tpu.memory_space<vmem>>
      %dma_start3A_17 = tpu.memref_squeeze %dma_start3A_16 : memref<1x128xi32, #tpu.memory_space<vmem>> -> memref<128xi32, #tpu.memory_space<vmem>>
      %dma_start3A_18 = arith.constant 0 : i32
      %dma_start3A_19 = arith.constant 0 : i32
      %dma_start3A_20 = tpu.memref_slice %arg2[%dma_start3A_18, %dma_start3A_19] : memref<10000x128xf32, #tpu.memory_space<hbm>> -> memref<10000x128xf32, #tpu.memory_space<hbm>>
      tpu.enqueue_indirect_dma source(%dma_start3A_20 : memref<10000x128xf32, #tpu.memory_space<hbm>>) target(%arg9 : memref<128x128xf32, #tpu.memory_space<vmem>>) offsets(%dma_start3A_17 : memref<128xi32, #tpu.memory_space<vmem>>) semaphore(%arg11 : memref<!tpu.dma_semaphore, #tpu.memory_space<semaphore_mem>>)
      %dma_wait3A = arith.constant 0 : i32
      %dma_wait3A_21 = arith.constant 0 : i32
      %dma_wait3A_22 = tpu.memref_slice %arg7[%dma_wait3A, %dma_wait3A_21] : memref<48x128xi32, #tpu.memory_space<vmem>> -> memref<1x128xi32, #tpu.memory_space<vmem>>
      %dma_wait3A_23 = tpu.memref_squeeze %dma_wait3A_22 : memref<1x128xi32, #tpu.memory_space<vmem>> -> memref<128xi32, #tpu.memory_space<vmem>>
      %dma_wait3A_24 = arith.constant 0 : i32
      %dma_wait3A_25 = arith.constant 0 : i32
      %dma_wait3A_26 = tpu.memref_slice %arg2[%dma_wait3A_24, %dma_wait3A_25] : memref<10000x128xf32, #tpu.memory_space<hbm>> -> memref<10000x128xf32, #tpu.memory_space<hbm>>
      tpu.wait_indirect_dma semaphore(%arg11 : memref<!tpu.dma_semaphore, #tpu.memory_space<semaphore_mem>>) src(%dma_wait3A_26 : memref<10000x128xf32, #tpu.memory_space<hbm>>) dst(%arg9 : memref<128x128xf32, #tpu.memory_space<vmem>>)
      %scan3A = arith.constant 0 : i32
      %scan3A_27 = arith.constant 0 : i32
      %scan3A_28 = arith.constant 24 : i32
      %scan3A_29 = arith.addi %scan3A_27, %scan3A_28 : i32
      %scan3A_30 = arith.constant 1 : i32
      scf.for %scan3A_77 = %scan3A_27 to %scan3A_29 step %scan3A_30  : i32 {
        %mul3A_78 = arith.constant 2 : i32
        %mul3A_79 = arith.muli %scan3A_77, %mul3A_78 : i32
        %add3A_80 = arith.constant 0 : i32
        %add3A_81 = arith.addi %mul3A_79, %add3A_80 : i32
        %add3A_82 = arith.constant 1 : i32
        %add3A_83 = arith.addi %add3A_81, %add3A_82 : i32
        %lt3A = arith.constant 48 : i32
        %lt3A_84 = arith.cmpi slt, %add3A_83, %lt3A : i32
        %convert_element_type3A_85 = arith.extui %lt3A_84 : i1 to i32
        %cond3A_86 = arith.constant 0 : i32
        %cond3A_87 = arith.cmpi ne, %convert_element_type3A_85, %cond3A_86 : i32
        scf.if %cond3A_87 {
          %add3A_113 = arith.constant 1 : i32
          %add3A_114 = arith.addi %add3A_81, %add3A_113 : i32
          %dma_start3A_115 = arith.constant 0 : i32
          %dma_start3A_116 = tpu.memref_slice %arg7[%add3A_114, %dma_start3A_115] : memref<48x128xi32, #tpu.memory_space<vmem>> -> memref<1x128xi32, #tpu.memory_space<vmem>>
          %dma_start3A_117 = tpu.memref_squeeze %dma_start3A_116 : memref<1x128xi32, #tpu.memory_space<vmem>> -> memref<128xi32, #tpu.memory_space<vmem>>
          %dma_start3A_118 = arith.constant 0 : i32
          %dma_start3A_119 = arith.constant 0 : i32
          %dma_start3A_120 = tpu.memref_slice %arg2[%dma_start3A_118, %dma_start3A_119] : memref<10000x128xf32, #tpu.memory_space<hbm>> -> memref<10000x128xf32, #tpu.memory_space<hbm>>
          tpu.enqueue_indirect_dma source(%dma_start3A_120 : memref<10000x128xf32, #tpu.memory_space<hbm>>) target(%arg10 : memref<128x128xf32, #tpu.memory_space<vmem>>) offsets(%dma_start3A_117 : memref<128xi32, #tpu.memory_space<vmem>>) semaphore(%arg11 : memref<!tpu.dma_semaphore, #tpu.memory_space<semaphore_mem>>)
        } else {
        }
        "tpu.region"() ({
          %run_scoped3A = tpu.sem_alloc : memref<!tpu.dma_semaphore, #tpu.memory_space<semaphore_mem>>
          %dma_start3A_113 = arith.constant 0 : i32
          %dma_start3A_114 = tpu.memref_slice %arg8[%add3A_81, %dma_start3A_113] : memref<48x128xi32, #tpu.memory_space<vmem>> -> memref<1x128xi32, #tpu.memory_space<vmem>>
          %dma_start3A_115 = tpu.memref_squeeze %dma_start3A_114 : memref<1x128xi32, #tpu.memory_space<vmem>> -> memref<128xi32, #tpu.memory_space<vmem>>
          %dma_start3A_116 = arith.constant 0 : i32
          %dma_start3A_117 = arith.constant 0 : i32
          %dma_start3A_118 = tpu.memref_slice %arg12[%dma_start3A_116, %dma_start3A_117] : memref<10112x128xf32, #tpu.memory_space<vmem_shared>> -> memref<10112x128xf32, #tpu.memory_space<vmem_shared>>
          tpu.enqueue_indirect_dma source(%arg9 : memref<128x128xf32, #tpu.memory_space<vmem>>) target(%dma_start3A_118 : memref<10112x128xf32, #tpu.memory_space<vmem_shared>>) offsets(%dma_start3A_115 : memref<128xi32, #tpu.memory_space<vmem>>) semaphore(%run_scoped3A : memref<!tpu.dma_semaphore, #tpu.memory_space<semaphore_mem>>) {add = true}
          %dma_wait3A_119 = arith.constant 0 : i32
          %dma_wait3A_120 = tpu.memref_slice %arg8[%add3A_81, %dma_wait3A_119] : memref<48x128xi32, #tpu.memory_space<vmem>> -> memref<1x128xi32, #tpu.memory_space<vmem>>
          %dma_wait3A_121 = tpu.memref_squeeze %dma_wait3A_120 : memref<1x128xi32, #tpu.memory_space<vmem>> -> memref<128xi32, #tpu.memory_space<vmem>>
          %dma_wait3A_122 = arith.constant 0 : i32
          %dma_wait3A_123 = arith.constant 0 : i32
          %dma_wait3A_124 = tpu.memref_slice %arg12[%dma_wait3A_122, %dma_wait3A_123] : memref<10112x128xf32, #tpu.memory_space<vmem_shared>> -> memref<10112x128xf32, #tpu.memory_space<vmem_shared>>
          tpu.wait_indirect_dma semaphore(%run_scoped3A : memref<!tpu.dma_semaphore, #tpu.memory_space<semaphore_mem>>) src(%arg9 : memref<128x128xf32, #tpu.memory_space<vmem>>) dst(%dma_wait3A_124 : memref<10112x128xf32, #tpu.memory_space<vmem_shared>>)
          tpu.yield
        }) : () -> ()
        %add3A_88 = arith.constant 1 : i32
        %add3A_89 = arith.addi %add3A_81, %add3A_88 : i32
        %lt3A_90 = arith.constant 48 : i32
        %lt3A_91 = arith.cmpi slt, %add3A_89, %lt3A_90 : i32
        %convert_element_type3A_92 = arith.extui %lt3A_91 : i1 to i32
        %cond3A_93 = arith.constant 0 : i32
        %cond3A_94 = arith.cmpi ne, %convert_element_type3A_92, %cond3A_93 : i32
        scf.if %cond3A_94 {
          %add3A_113 = arith.constant 1 : i32
          %add3A_114 = arith.addi %add3A_81, %add3A_113 : i32
          %dma_wait3A_115 = arith.constant 0 : i32
          %dma_wait3A_116 = tpu.memref_slice %arg7[%add3A_114, %dma_wait3A_115] : memref<48x128xi32, #tpu.memory_space<vmem>> -> memref<1x128xi32, #tpu.memory_space<vmem>>
          %dma_wait3A_117 = tpu.memref_squeeze %dma_wait3A_116 : memref<1x128xi32, #tpu.memory_space<vmem>> -> memref<128xi32, #tpu.memory_space<vmem>>
          %dma_wait3A_118 = arith.constant 0 : i32
          %dma_wait3A_119 = arith.constant 0 : i32
          %dma_wait3A_120 = tpu.memref_slice %arg2[%dma_wait3A_118, %dma_wait3A_119] : memref<10000x128xf32, #tpu.memory_space<hbm>> -> memref<10000x128xf32, #tpu.memory_space<hbm>>
          tpu.wait_indirect_dma semaphore(%arg11 : memref<!tpu.dma_semaphore, #tpu.memory_space<semaphore_mem>>) src(%dma_wait3A_120 : memref<10000x128xf32, #tpu.memory_space<hbm>>) dst(%arg10 : memref<128x128xf32, #tpu.memory_space<vmem>>)
        } else {
        }
        %mul3A_95 = arith.constant 2 : i32
        %mul3A_96 = arith.muli %scan3A_77, %mul3A_95 : i32
        %add3A_97 = arith.constant 1 : i32
        %add3A_98 = arith.addi %mul3A_96, %add3A_97 : i32
        %add3A_99 = arith.constant 1 : i32
        %add3A_100 = arith.addi %add3A_98, %add3A_99 : i32
        %lt3A_101 = arith.constant 48 : i32
        %lt3A_102 = arith.cmpi slt, %add3A_100, %lt3A_101 : i32
        %convert_element_type3A_103 = arith.extui %lt3A_102 : i1 to i32
        %cond3A_104 = arith.constant 0 : i32
        %cond3A_105 = arith.cmpi ne, %convert_element_type3A_103, %cond3A_104 : i32
        scf.if %cond3A_105 {
          %add3A_113 = arith.constant 1 : i32
          %add3A_114 = arith.addi %add3A_98, %add3A_113 : i32
          %dma_start3A_115 = arith.constant 0 : i32
          %dma_start3A_116 = tpu.memref_slice %arg7[%add3A_114, %dma_start3A_115] : memref<48x128xi32, #tpu.memory_space<vmem>> -> memref<1x128xi32, #tpu.memory_space<vmem>>
          %dma_start3A_117 = tpu.memref_squeeze %dma_start3A_116 : memref<1x128xi32, #tpu.memory_space<vmem>> -> memref<128xi32, #tpu.memory_space<vmem>>
          %dma_start3A_118 = arith.constant 0 : i32
          %dma_start3A_119 = arith.constant 0 : i32
          %dma_start3A_120 = tpu.memref_slice %arg2[%dma_start3A_118, %dma_start3A_119] : memref<10000x128xf32, #tpu.memory_space<hbm>> -> memref<10000x128xf32, #tpu.memory_space<hbm>>
          tpu.enqueue_indirect_dma source(%dma_start3A_120 : memref<10000x128xf32, #tpu.memory_space<hbm>>) target(%arg9 : memref<128x128xf32, #tpu.memory_space<vmem>>) offsets(%dma_start3A_117 : memref<128xi32, #tpu.memory_space<vmem>>) semaphore(%arg11 : memref<!tpu.dma_semaphore, #tpu.memory_space<semaphore_mem>>)
        } else {
        }
        "tpu.region"() ({
          %run_scoped3A = tpu.sem_alloc : memref<!tpu.dma_semaphore, #tpu.memory_space<semaphore_mem>>
          %dma_start3A_113 = arith.constant 0 : i32
          %dma_start3A_114 = tpu.memref_slice %arg8[%add3A_98, %dma_start3A_113] : memref<48x128xi32, #tpu.memory_space<vmem>> -> memref<1x128xi32, #tpu.memory_space<vmem>>
          %dma_start3A_115 = tpu.memref_squeeze %dma_start3A_114 : memref<1x128xi32, #tpu.memory_space<vmem>> -> memref<128xi32, #tpu.memory_space<vmem>>
          %dma_start3A_116 = arith.constant 0 : i32
          %dma_start3A_117 = arith.constant 0 : i32
          %dma_start3A_118 = tpu.memref_slice %arg12[%dma_start3A_116, %dma_start3A_117] : memref<10112x128xf32, #tpu.memory_space<vmem_shared>> -> memref<10112x128xf32, #tpu.memory_space<vmem_shared>>
          tpu.enqueue_indirect_dma source(%arg10 : memref<128x128xf32, #tpu.memory_space<vmem>>) target(%dma_start3A_118 : memref<10112x128xf32, #tpu.memory_space<vmem_shared>>) offsets(%dma_start3A_115 : memref<128xi32, #tpu.memory_space<vmem>>) semaphore(%run_scoped3A : memref<!tpu.dma_semaphore, #tpu.memory_space<semaphore_mem>>) {add = true}
          %dma_wait3A_119 = arith.constant 0 : i32
          %dma_wait3A_120 = tpu.memref_slice %arg8[%add3A_98, %dma_wait3A_119] : memref<48x128xi32, #tpu.memory_space<vmem>> -> memref<1x128xi32, #tpu.memory_space<vmem>>
          %dma_wait3A_121 = tpu.memref_squeeze %dma_wait3A_120 : memref<1x128xi32, #tpu.memory_space<vmem>> -> memref<128xi32, #tpu.memory_space<vmem>>
          %dma_wait3A_122 = arith.constant 0 : i32
          %dma_wait3A_123 = arith.constant 0 : i32
          %dma_wait3A_124 = tpu.memref_slice %arg12[%dma_wait3A_122, %dma_wait3A_123] : memref<10112x128xf32, #tpu.memory_space<vmem_shared>> -> memref<10112x128xf32, #tpu.memory_space<vmem_shared>>
          tpu.wait_indirect_dma semaphore(%run_scoped3A : memref<!tpu.dma_semaphore, #tpu.memory_space<semaphore_mem>>) src(%arg10 : memref<128x128xf32, #tpu.memory_space<vmem>>) dst(%dma_wait3A_124 : memref<10112x128xf32, #tpu.memory_space<vmem_shared>>)
          tpu.yield
        }) : () -> ()
        %add3A_106 = arith.constant 1 : i32
        %add3A_107 = arith.addi %add3A_98, %add3A_106 : i32
        %lt3A_108 = arith.constant 48 : i32
        %lt3A_109 = arith.cmpi slt, %add3A_107, %lt3A_108 : i32
        %convert_element_type3A_110 = arith.extui %lt3A_109 : i1 to i32
        %cond3A_111 = arith.constant 0 : i32
        %cond3A_112 = arith.cmpi ne, %convert_element_type3A_110, %cond3A_111 : i32
        scf.if %cond3A_112 {
          %add3A_113 = arith.constant 1 : i32
          %add3A_114 = arith.addi %add3A_98, %add3A_113 : i32
          %dma_wait3A_115 = arith.constant 0 : i32
          %dma_wait3A_116 = tpu.memref_slice %arg7[%add3A_114, %dma_wait3A_115] : memref<48x128xi32, #tpu.memory_space<vmem>> -> memref<1x128xi32, #tpu.memory_space<vmem>>
          %dma_wait3A_117 = tpu.memref_squeeze %dma_wait3A_116 : memref<1x128xi32, #tpu.memory_space<vmem>> -> memref<128xi32, #tpu.memory_space<vmem>>
          %dma_wait3A_118 = arith.constant 0 : i32
          %dma_wait3A_119 = arith.constant 0 : i32
          %dma_wait3A_120 = tpu.memref_slice %arg2[%dma_wait3A_118, %dma_wait3A_119] : memref<10000x128xf32, #tpu.memory_space<hbm>> -> memref<10000x128xf32, #tpu.memory_space<hbm>>
          tpu.wait_indirect_dma semaphore(%arg11 : memref<!tpu.dma_semaphore, #tpu.memory_space<semaphore_mem>>) src(%dma_wait3A_120 : memref<10000x128xf32, #tpu.memory_space<hbm>>) dst(%arg9 : memref<128x128xf32, #tpu.memory_space<vmem>>)
        } else {
        }
      }
      %scan3A_31 = arith.constant 24 : i32
      %add3A = arith.constant 48 : i32
      %add3A_32 = arith.addi %mul3A_14, %add3A : i32
      "tpu.region"() ({
        %run_scoped3A = tpu.sem_alloc : memref<!tpu.dma_semaphore, #tpu.memory_space<semaphore_mem>>
        %dma_start3A_77 = arith.constant 0 : i32
        %dma_start3A_78 = arith.constant 0 : i32
        %dma_start3A_79 = tpu.memref_slice %arg7[%dma_start3A_77, %dma_start3A_78] : memref<48x128xi32, #tpu.memory_space<vmem>> -> memref<48x128xi32, #tpu.memory_space<vmem>>
        %dma_start3A_80 = arith.constant 0 : i32
        %dma_start3A_81 = tpu.memref_slice %arg3[%add3A_32, %dma_start3A_80] : memref<2560x128xi32, #tpu.memory_space<hbm>> -> memref<48x128xi32, #tpu.memory_space<hbm>>
        %dma_start3A_82 = arith.constant 0 : i32
        %dma_start3A_83 = arith.constant 0 : i32
        %dma_start3A_84 = tpu.memref_slice %arg7[%dma_start3A_82, %dma_start3A_83] : memref<48x128xi32, #tpu.memory_space<vmem>> -> memref<48x128xi32, #tpu.memory_space<vmem>>
        %dma_start3A_85 = arith.constant 0 : i32
        %dma_start3A_86 = tpu.memref_slice %arg3[%add3A_32, %dma_start3A_85] : memref<2560x128xi32, #tpu.memory_space<hbm>> -> memref<48x128xi32, #tpu.memory_space<hbm>>
        tpu.enqueue_dma source(%dma_start3A_86 : memref<48x128xi32, #tpu.memory_space<hbm>>) target(%dma_start3A_84 : memref<48x128xi32, #tpu.memory_space<vmem>>) target_semaphore(%run_scoped3A : memref<!tpu.dma_semaphore, #tpu.memory_space<semaphore_mem>>)
        %dma_wait3A_87 = arith.constant 0 : i32
        %dma_wait3A_88 = arith.constant 0 : i32
        %dma_wait3A_89 = tpu.memref_slice %arg7[%dma_wait3A_87, %dma_wait3A_88] : memref<48x128xi32, #tpu.memory_space<vmem>> -> memref<48x128xi32, #tpu.memory_space<vmem>>
        %dma_wait3A_90 = arith.constant 0 : i32
        %dma_wait3A_91 = tpu.memref_slice %arg3[%add3A_32, %dma_wait3A_90] : memref<2560x128xi32, #tpu.memory_space<hbm>> -> memref<48x128xi32, #tpu.memory_space<hbm>>
        %dma_wait3A_92 = arith.constant 0 : i32
        %dma_wait3A_93 = arith.constant 0 : i32
        %dma_wait3A_94 = tpu.memref_slice %arg7[%dma_wait3A_92, %dma_wait3A_93] : memref<48x128xi32, #tpu.memory_space<vmem>> -> memref<48x128xi32, #tpu.memory_space<vmem>>
        %dma_wait3A_95 = arith.constant 0 : i32
        %dma_wait3A_96 = tpu.memref_slice %arg3[%add3A_32, %dma_wait3A_95] : memref<2560x128xi32, #tpu.memory_space<hbm>> -> memref<48x128xi32, #tpu.memory_space<hbm>>
        tpu.wait_dma2 semaphore(%run_scoped3A : memref<!tpu.dma_semaphore, #tpu.memory_space<semaphore_mem>>) src(%dma_wait3A_96 : memref<48x128xi32, #tpu.memory_space<hbm>>) dst(%dma_wait3A_94 : memref<48x128xi32, #tpu.memory_space<vmem>>)
        tpu.yield
      }) : () -> ()
      "tpu.region"() ({
        %run_scoped3A = tpu.sem_alloc : memref<!tpu.dma_semaphore, #tpu.memory_space<semaphore_mem>>
        %dma_start3A_77 = arith.constant 0 : i32
        %dma_start3A_78 = arith.constant 0 : i32
        %dma_start3A_79 = tpu.memref_slice %arg8[%dma_start3A_77, %dma_start3A_78] : memref<48x128xi32, #tpu.memory_space<vmem>> -> memref<48x128xi32, #tpu.memory_space<vmem>>
        %dma_start3A_80 = arith.constant 0 : i32
        %dma_start3A_81 = tpu.memref_slice %arg4[%add3A_32, %dma_start3A_80] : memref<2560x128xi32, #tpu.memory_space<hbm>> -> memref<48x128xi32, #tpu.memory_space<hbm>>
        %dma_start3A_82 = arith.constant 0 : i32
        %dma_start3A_83 = arith.constant 0 : i32
        %dma_start3A_84 = tpu.memref_slice %arg8[%dma_start3A_82, %dma_start3A_83] : memref<48x128xi32, #tpu.memory_space<vmem>> -> memref<48x128xi32, #tpu.memory_space<vmem>>
        %dma_start3A_85 = arith.constant 0 : i32
        %dma_start3A_86 = tpu.memref_slice %arg4[%add3A_32, %dma_start3A_85] : memref<2560x128xi32, #tpu.memory_space<hbm>> -> memref<48x128xi32, #tpu.memory_space<hbm>>
        tpu.enqueue_dma source(%dma_start3A_86 : memref<48x128xi32, #tpu.memory_space<hbm>>) target(%dma_start3A_84 : memref<48x128xi32, #tpu.memory_space<vmem>>) target_semaphore(%run_scoped3A : memref<!tpu.dma_semaphore, #tpu.memory_space<semaphore_mem>>)
        %dma_wait3A_87 = arith.constant 0 : i32
        %dma_wait3A_88 = arith.constant 0 : i32
        %dma_wait3A_89 = tpu.memref_slice %arg8[%dma_wait3A_87, %dma_wait3A_88] : memref<48x128xi32, #tpu.memory_space<vmem>> -> memref<48x128xi32, #tpu.memory_space<vmem>>
        %dma_wait3A_90 = arith.constant 0 : i32
        %dma_wait3A_91 = tpu.memref_slice %arg4[%add3A_32, %dma_wait3A_90] : memref<2560x128xi32, #tpu.memory_space<hbm>> -> memref<48x128xi32, #tpu.memory_space<hbm>>
        %dma_wait3A_92 = arith.constant 0 : i32
        %dma_wait3A_93 = arith.constant 0 : i32
        %dma_wait3A_94 = tpu.memref_slice %arg8[%dma_wait3A_92, %dma_wait3A_93] : memref<48x128xi32, #tpu.memory_space<vmem>> -> memref<48x128xi32, #tpu.memory_space<vmem>>
        %dma_wait3A_95 = arith.constant 0 : i32
        %dma_wait3A_96 = tpu.memref_slice %arg4[%add3A_32, %dma_wait3A_95] : memref<2560x128xi32, #tpu.memory_space<hbm>> -> memref<48x128xi32, #tpu.memory_space<hbm>>
        tpu.wait_dma2 semaphore(%run_scoped3A : memref<!tpu.dma_semaphore, #tpu.memory_space<semaphore_mem>>) src(%dma_wait3A_96 : memref<48x128xi32, #tpu.memory_space<hbm>>) dst(%dma_wait3A_94 : memref<48x128xi32, #tpu.memory_space<vmem>>)
        tpu.yield
      }) : () -> ()
      %dma_start3A_33 = arith.constant 0 : i32
      %dma_start3A_34 = arith.constant 0 : i32
      %dma_start3A_35 = tpu.memref_slice %arg7[%dma_start3A_33, %dma_start3A_34] : memref<48x128xi32, #tpu.memory_space<vmem>> -> memref<1x128xi32, #tpu.memory_space<vmem>>
      %dma_start3A_36 = tpu.memref_squeeze %dma_start3A_35 : memref<1x128xi32, #tpu.memory_space<vmem>> -> memref<128xi32, #tpu.memory_space<vmem>>
      %dma_start3A_37 = arith.constant 0 : i32
      %dma_start3A_38 = arith.constant 0 : i32
      %dma_start3A_39 = tpu.memref_slice %arg2[%dma_start3A_37, %dma_start3A_38] : memref<10000x128xf32, #tpu.memory_space<hbm>> -> memref<10000x128xf32, #tpu.memory_space<hbm>>
      tpu.enqueue_indirect_dma source(%dma_start3A_39 : memref<10000x128xf32, #tpu.memory_space<hbm>>) target(%arg9 : memref<128x128xf32, #tpu.memory_space<vmem>>) offsets(%dma_start3A_36 : memref<128xi32, #tpu.memory_space<vmem>>) semaphore(%arg11 : memref<!tpu.dma_semaphore, #tpu.memory_space<semaphore_mem>>)
      %dma_wait3A_40 = arith.constant 0 : i32
      %dma_wait3A_41 = arith.constant 0 : i32
      %dma_wait3A_42 = tpu.memref_slice %arg7[%dma_wait3A_40, %dma_wait3A_41] : memref<48x128xi32, #tpu.memory_space<vmem>> -> memref<1x128xi32, #tpu.memory_space<vmem>>
      %dma_wait3A_43 = tpu.memref_squeeze %dma_wait3A_42 : memref<1x128xi32, #tpu.memory_space<vmem>> -> memref<128xi32, #tpu.memory_space<vmem>>
      %dma_wait3A_44 = arith.constant 0 : i32
      %dma_wait3A_45 = arith.constant 0 : i32
      %dma_wait3A_46 = tpu.memref_slice %arg2[%dma_wait3A_44, %dma_wait3A_45] : memref<10000x128xf32, #tpu.memory_space<hbm>> -> memref<10000x128xf32, #tpu.memory_space<hbm>>
      tpu.wait_indirect_dma semaphore(%arg11 : memref<!tpu.dma_semaphore, #tpu.memory_space<semaphore_mem>>) src(%dma_wait3A_46 : memref<10000x128xf32, #tpu.memory_space<hbm>>) dst(%arg9 : memref<128x128xf32, #tpu.memory_space<vmem>>)
      %scan3A_47 = arith.constant 0 : i32
      %scan3A_48 = arith.constant 0 : i32
      %scan3A_49 = arith.constant 24 : i32
      %scan3A_50 = arith.addi %scan3A_48, %scan3A_49 : i32
      %scan3A_51 = arith.constant 1 : i32
      scf.for %scan3A_77 = %scan3A_48 to %scan3A_50 step %scan3A_51  : i32 {
        %mul3A_78 = arith.constant 2 : i32
        %mul3A_79 = arith.muli %scan3A_77, %mul3A_78 : i32
        %add3A_80 = arith.constant 0 : i32
        %add3A_81 = arith.addi %mul3A_79, %add3A_80 : i32
        %add3A_82 = arith.constant 1 : i32
        %add3A_83 = arith.addi %add3A_81, %add3A_82 : i32
        %lt3A = arith.constant 48 : i32
        %lt3A_84 = arith.cmpi slt, %add3A_83, %lt3A : i32
        %convert_element_type3A_85 = arith.extui %lt3A_84 : i1 to i32
        %cond3A_86 = arith.constant 0 : i32
        %cond3A_87 = arith.cmpi ne, %convert_element_type3A_85, %cond3A_86 : i32
        scf.if %cond3A_87 {
          %add3A_113 = arith.constant 1 : i32
          %add3A_114 = arith.addi %add3A_81, %add3A_113 : i32
          %dma_start3A_115 = arith.constant 0 : i32
          %dma_start3A_116 = tpu.memref_slice %arg7[%add3A_114, %dma_start3A_115] : memref<48x128xi32, #tpu.memory_space<vmem>> -> memref<1x128xi32, #tpu.memory_space<vmem>>
          %dma_start3A_117 = tpu.memref_squeeze %dma_start3A_116 : memref<1x128xi32, #tpu.memory_space<vmem>> -> memref<128xi32, #tpu.memory_space<vmem>>
          %dma_start3A_118 = arith.constant 0 : i32
          %dma_start3A_119 = arith.constant 0 : i32
          %dma_start3A_120 = tpu.memref_slice %arg2[%dma_start3A_118, %dma_start3A_119] : memref<10000x128xf32, #tpu.memory_space<hbm>> -> memref<10000x128xf32, #tpu.memory_space<hbm>>
          tpu.enqueue_indirect_dma source(%dma_start3A_120 : memref<10000x128xf32, #tpu.memory_space<hbm>>) target(%arg10 : memref<128x128xf32, #tpu.memory_space<vmem>>) offsets(%dma_start3A_117 : memref<128xi32, #tpu.memory_space<vmem>>) semaphore(%arg11 : memref<!tpu.dma_semaphore, #tpu.memory_space<semaphore_mem>>)
        } else {
        }
        "tpu.region"() ({
          %run_scoped3A = tpu.sem_alloc : memref<!tpu.dma_semaphore, #tpu.memory_space<semaphore_mem>>
          %dma_start3A_113 = arith.constant 0 : i32
          %dma_start3A_114 = tpu.memref_slice %arg8[%add3A_81, %dma_start3A_113] : memref<48x128xi32, #tpu.memory_space<vmem>> -> memref<1x128xi32, #tpu.memory_space<vmem>>
          %dma_start3A_115 = tpu.memref_squeeze %dma_start3A_114 : memref<1x128xi32, #tpu.memory_space<vmem>> -> memref<128xi32, #tpu.memory_space<vmem>>
          %dma_start3A_116 = arith.constant 0 : i32
          %dma_start3A_117 = arith.constant 0 : i32
          %dma_start3A_118 = tpu.memref_slice %arg12[%dma_start3A_116, %dma_start3A_117] : memref<10112x128xf32, #tpu.memory_space<vmem_shared>> -> memref<10112x128xf32, #tpu.memory_space<vmem_shared>>
          tpu.enqueue_indirect_dma source(%arg9 : memref<128x128xf32, #tpu.memory_space<vmem>>) target(%dma_start3A_118 : memref<10112x128xf32, #tpu.memory_space<vmem_shared>>) offsets(%dma_start3A_115 : memref<128xi32, #tpu.memory_space<vmem>>) semaphore(%run_scoped3A : memref<!tpu.dma_semaphore, #tpu.memory_space<semaphore_mem>>) {add = true}
          %dma_wait3A_119 = arith.constant 0 : i32
          %dma_wait3A_120 = tpu.memref_slice %arg8[%add3A_81, %dma_wait3A_119] : memref<48x128xi32, #tpu.memory_space<vmem>> -> memref<1x128xi32, #tpu.memory_space<vmem>>
          %dma_wait3A_121 = tpu.memref_squeeze %dma_wait3A_120 : memref<1x128xi32, #tpu.memory_space<vmem>> -> memref<128xi32, #tpu.memory_space<vmem>>
          %dma_wait3A_122 = arith.constant 0 : i32
          %dma_wait3A_123 = arith.constant 0 : i32
          %dma_wait3A_124 = tpu.memref_slice %arg12[%dma_wait3A_122, %dma_wait3A_123] : memref<10112x128xf32, #tpu.memory_space<vmem_shared>> -> memref<10112x128xf32, #tpu.memory_space<vmem_shared>>
          tpu.wait_indirect_dma semaphore(%run_scoped3A : memref<!tpu.dma_semaphore, #tpu.memory_space<semaphore_mem>>) src(%arg9 : memref<128x128xf32, #tpu.memory_space<vmem>>) dst(%dma_wait3A_124 : memref<10112x128xf32, #tpu.memory_space<vmem_shared>>)
          tpu.yield
        }) : () -> ()
        %add3A_88 = arith.constant 1 : i32
        %add3A_89 = arith.addi %add3A_81, %add3A_88 : i32
        %lt3A_90 = arith.constant 48 : i32
        %lt3A_91 = arith.cmpi slt, %add3A_89, %lt3A_90 : i32
        %convert_element_type3A_92 = arith.extui %lt3A_91 : i1 to i32
        %cond3A_93 = arith.constant 0 : i32
        %cond3A_94 = arith.cmpi ne, %convert_element_type3A_92, %cond3A_93 : i32
        scf.if %cond3A_94 {
          %add3A_113 = arith.constant 1 : i32
          %add3A_114 = arith.addi %add3A_81, %add3A_113 : i32
          %dma_wait3A_115 = arith.constant 0 : i32
          %dma_wait3A_116 = tpu.memref_slice %arg7[%add3A_114, %dma_wait3A_115] : memref<48x128xi32, #tpu.memory_space<vmem>> -> memref<1x128xi32, #tpu.memory_space<vmem>>
          %dma_wait3A_117 = tpu.memref_squeeze %dma_wait3A_116 : memref<1x128xi32, #tpu.memory_space<vmem>> -> memref<128xi32, #tpu.memory_space<vmem>>
          %dma_wait3A_118 = arith.constant 0 : i32
          %dma_wait3A_119 = arith.constant 0 : i32
          %dma_wait3A_120 = tpu.memref_slice %arg2[%dma_wait3A_118, %dma_wait3A_119] : memref<10000x128xf32, #tpu.memory_space<hbm>> -> memref<10000x128xf32, #tpu.memory_space<hbm>>
          tpu.wait_indirect_dma semaphore(%arg11 : memref<!tpu.dma_semaphore, #tpu.memory_space<semaphore_mem>>) src(%dma_wait3A_120 : memref<10000x128xf32, #tpu.memory_space<hbm>>) dst(%arg10 : memref<128x128xf32, #tpu.memory_space<vmem>>)
        } else {
        }
        %mul3A_95 = arith.constant 2 : i32
        %mul3A_96 = arith.muli %scan3A_77, %mul3A_95 : i32
        %add3A_97 = arith.constant 1 : i32
        %add3A_98 = arith.addi %mul3A_96, %add3A_97 : i32
        %add3A_99 = arith.constant 1 : i32
        %add3A_100 = arith.addi %add3A_98, %add3A_99 : i32
        %lt3A_101 = arith.constant 48 : i32
        %lt3A_102 = arith.cmpi slt, %add3A_100, %lt3A_101 : i32
        %convert_element_type3A_103 = arith.extui %lt3A_102 : i1 to i32
        %cond3A_104 = arith.constant 0 : i32
        %cond3A_105 = arith.cmpi ne, %convert_element_type3A_103, %cond3A_104 : i32
        scf.if %cond3A_105 {
          %add3A_113 = arith.constant 1 : i32
          %add3A_114 = arith.addi %add3A_98, %add3A_113 : i32
          %dma_start3A_115 = arith.constant 0 : i32
          %dma_start3A_116 = tpu.memref_slice %arg7[%add3A_114, %dma_start3A_115] : memref<48x128xi32, #tpu.memory_space<vmem>> -> memref<1x128xi32, #tpu.memory_space<vmem>>
          %dma_start3A_117 = tpu.memref_squeeze %dma_start3A_116 : memref<1x128xi32, #tpu.memory_space<vmem>> -> memref<128xi32, #tpu.memory_space<vmem>>
          %dma_start3A_118 = arith.constant 0 : i32
          %dma_start3A_119 = arith.constant 0 : i32
          %dma_start3A_120 = tpu.memref_slice %arg2[%dma_start3A_118, %dma_start3A_119] : memref<10000x128xf32, #tpu.memory_space<hbm>> -> memref<10000x128xf32, #tpu.memory_space<hbm>>
          tpu.enqueue_indirect_dma source(%dma_start3A_120 : memref<10000x128xf32, #tpu.memory_space<hbm>>) target(%arg9 : memref<128x128xf32, #tpu.memory_space<vmem>>) offsets(%dma_start3A_117 : memref<128xi32, #tpu.memory_space<vmem>>) semaphore(%arg11 : memref<!tpu.dma_semaphore, #tpu.memory_space<semaphore_mem>>)
        } else {
        }
        "tpu.region"() ({
          %run_scoped3A = tpu.sem_alloc : memref<!tpu.dma_semaphore, #tpu.memory_space<semaphore_mem>>
          %dma_start3A_113 = arith.constant 0 : i32
          %dma_start3A_114 = tpu.memref_slice %arg8[%add3A_98, %dma_start3A_113] : memref<48x128xi32, #tpu.memory_space<vmem>> -> memref<1x128xi32, #tpu.memory_space<vmem>>
          %dma_start3A_115 = tpu.memref_squeeze %dma_start3A_114 : memref<1x128xi32, #tpu.memory_space<vmem>> -> memref<128xi32, #tpu.memory_space<vmem>>
          %dma_start3A_116 = arith.constant 0 : i32
          %dma_start3A_117 = arith.constant 0 : i32
          %dma_start3A_118 = tpu.memref_slice %arg12[%dma_start3A_116, %dma_start3A_117] : memref<10112x128xf32, #tpu.memory_space<vmem_shared>> -> memref<10112x128xf32, #tpu.memory_space<vmem_shared>>
          tpu.enqueue_indirect_dma source(%arg10 : memref<128x128xf32, #tpu.memory_space<vmem>>) target(%dma_start3A_118 : memref<10112x128xf32, #tpu.memory_space<vmem_shared>>) offsets(%dma_start3A_115 : memref<128xi32, #tpu.memory_space<vmem>>) semaphore(%run_scoped3A : memref<!tpu.dma_semaphore, #tpu.memory_space<semaphore_mem>>) {add = true}
          %dma_wait3A_119 = arith.constant 0 : i32
          %dma_wait3A_120 = tpu.memref_slice %arg8[%add3A_98, %dma_wait3A_119] : memref<48x128xi32, #tpu.memory_space<vmem>> -> memref<1x128xi32, #tpu.memory_space<vmem>>
          %dma_wait3A_121 = tpu.memref_squeeze %dma_wait3A_120 : memref<1x128xi32, #tpu.memory_space<vmem>> -> memref<128xi32, #tpu.memory_space<vmem>>
          %dma_wait3A_122 = arith.constant 0 : i32
          %dma_wait3A_123 = arith.constant 0 : i32
          %dma_wait3A_124 = tpu.memref_slice %arg12[%dma_wait3A_122, %dma_wait3A_123] : memref<10112x128xf32, #tpu.memory_space<vmem_shared>> -> memref<10112x128xf32, #tpu.memory_space<vmem_shared>>
          tpu.wait_indirect_dma semaphore(%run_scoped3A : memref<!tpu.dma_semaphore, #tpu.memory_space<semaphore_mem>>) src(%arg10 : memref<128x128xf32, #tpu.memory_space<vmem>>) dst(%dma_wait3A_124 : memref<10112x128xf32, #tpu.memory_space<vmem_shared>>)
          tpu.yield
        }) : () -> ()
        %add3A_106 = arith.constant 1 : i32
        %add3A_107 = arith.addi %add3A_98, %add3A_106 : i32
        %lt3A_108 = arith.constant 48 : i32
        %lt3A_109 = arith.cmpi slt, %add3A_107, %lt3A_108 : i32
        %convert_element_type3A_110 = arith.extui %lt3A_109 : i1 to i32
        %cond3A_111 = arith.constant 0 : i32
        %cond3A_112 = arith.cmpi ne, %convert_element_type3A_110, %cond3A_111 : i32
        scf.if %cond3A_112 {
          %add3A_113 = arith.constant 1 : i32
          %add3A_114 = arith.addi %add3A_98, %add3A_113 : i32
          %dma_wait3A_115 = arith.constant 0 : i32
          %dma_wait3A_116 = tpu.memref_slice %arg7[%add3A_114, %dma_wait3A_115] : memref<48x128xi32, #tpu.memory_space<vmem>> -> memref<1x128xi32, #tpu.memory_space<vmem>>
          %dma_wait3A_117 = tpu.memref_squeeze %dma_wait3A_116 : memref<1x128xi32, #tpu.memory_space<vmem>> -> memref<128xi32, #tpu.memory_space<vmem>>
          %dma_wait3A_118 = arith.constant 0 : i32
          %dma_wait3A_119 = arith.constant 0 : i32
          %dma_wait3A_120 = tpu.memref_slice %arg2[%dma_wait3A_118, %dma_wait3A_119] : memref<10000x128xf32, #tpu.memory_space<hbm>> -> memref<10000x128xf32, #tpu.memory_space<hbm>>
          tpu.wait_indirect_dma semaphore(%arg11 : memref<!tpu.dma_semaphore, #tpu.memory_space<semaphore_mem>>) src(%dma_wait3A_120 : memref<10000x128xf32, #tpu.memory_space<hbm>>) dst(%arg9 : memref<128x128xf32, #tpu.memory_space<vmem>>)
        } else {
        }
      }
      %scan3A_52 = arith.constant 24 : i32
      %add3A_53 = arith.constant 48 : i32
      %add3A_54 = arith.addi %add3A_32, %add3A_53 : i32
      "tpu.region"() ({
        %run_scoped3A = tpu.sem_alloc : memref<!tpu.dma_semaphore, #tpu.memory_space<semaphore_mem>>
        %dma_start3A_77 = arith.constant 0 : i32
        %dma_start3A_78 = arith.constant 0 : i32
        %dma_start3A_79 = tpu.memref_slice %arg7[%dma_start3A_77, %dma_start3A_78] : memref<48x128xi32, #tpu.memory_space<vmem>> -> memref<48x128xi32, #tpu.memory_space<vmem>>
        %dma_start3A_80 = arith.constant 0 : i32
        %dma_start3A_81 = tpu.memref_slice %arg3[%add3A_54, %dma_start3A_80] : memref<2560x128xi32, #tpu.memory_space<hbm>> -> memref<48x128xi32, #tpu.memory_space<hbm>>
        %dma_start3A_82 = arith.constant 0 : i32
        %dma_start3A_83 = arith.constant 0 : i32
        %dma_start3A_84 = tpu.memref_slice %arg7[%dma_start3A_82, %dma_start3A_83] : memref<48x128xi32, #tpu.memory_space<vmem>> -> memref<48x128xi32, #tpu.memory_space<vmem>>
        %dma_start3A_85 = arith.constant 0 : i32
        %dma_start3A_86 = tpu.memref_slice %arg3[%add3A_54, %dma_start3A_85] : memref<2560x128xi32, #tpu.memory_space<hbm>> -> memref<48x128xi32, #tpu.memory_space<hbm>>
        tpu.enqueue_dma source(%dma_start3A_86 : memref<48x128xi32, #tpu.memory_space<hbm>>) target(%dma_start3A_84 : memref<48x128xi32, #tpu.memory_space<vmem>>) target_semaphore(%run_scoped3A : memref<!tpu.dma_semaphore, #tpu.memory_space<semaphore_mem>>)
        %dma_wait3A_87 = arith.constant 0 : i32
        %dma_wait3A_88 = arith.constant 0 : i32
        %dma_wait3A_89 = tpu.memref_slice %arg7[%dma_wait3A_87, %dma_wait3A_88] : memref<48x128xi32, #tpu.memory_space<vmem>> -> memref<48x128xi32, #tpu.memory_space<vmem>>
        %dma_wait3A_90 = arith.constant 0 : i32
        %dma_wait3A_91 = tpu.memref_slice %arg3[%add3A_54, %dma_wait3A_90] : memref<2560x128xi32, #tpu.memory_space<hbm>> -> memref<48x128xi32, #tpu.memory_space<hbm>>
        %dma_wait3A_92 = arith.constant 0 : i32
        %dma_wait3A_93 = arith.constant 0 : i32
        %dma_wait3A_94 = tpu.memref_slice %arg7[%dma_wait3A_92, %dma_wait3A_93] : memref<48x128xi32, #tpu.memory_space<vmem>> -> memref<48x128xi32, #tpu.memory_space<vmem>>
        %dma_wait3A_95 = arith.constant 0 : i32
        %dma_wait3A_96 = tpu.memref_slice %arg3[%add3A_54, %dma_wait3A_95] : memref<2560x128xi32, #tpu.memory_space<hbm>> -> memref<48x128xi32, #tpu.memory_space<hbm>>
        tpu.wait_dma2 semaphore(%run_scoped3A : memref<!tpu.dma_semaphore, #tpu.memory_space<semaphore_mem>>) src(%dma_wait3A_96 : memref<48x128xi32, #tpu.memory_space<hbm>>) dst(%dma_wait3A_94 : memref<48x128xi32, #tpu.memory_space<vmem>>)
        tpu.yield
      }) : () -> ()
      "tpu.region"() ({
        %run_scoped3A = tpu.sem_alloc : memref<!tpu.dma_semaphore, #tpu.memory_space<semaphore_mem>>
        %dma_start3A_77 = arith.constant 0 : i32
        %dma_start3A_78 = arith.constant 0 : i32
        %dma_start3A_79 = tpu.memref_slice %arg8[%dma_start3A_77, %dma_start3A_78] : memref<48x128xi32, #tpu.memory_space<vmem>> -> memref<48x128xi32, #tpu.memory_space<vmem>>
        %dma_start3A_80 = arith.constant 0 : i32
        %dma_start3A_81 = tpu.memref_slice %arg4[%add3A_54, %dma_start3A_80] : memref<2560x128xi32, #tpu.memory_space<hbm>> -> memref<48x128xi32, #tpu.memory_space<hbm>>
        %dma_start3A_82 = arith.constant 0 : i32
        %dma_start3A_83 = arith.constant 0 : i32
        %dma_start3A_84 = tpu.memref_slice %arg8[%dma_start3A_82, %dma_start3A_83] : memref<48x128xi32, #tpu.memory_space<vmem>> -> memref<48x128xi32, #tpu.memory_space<vmem>>
        %dma_start3A_85 = arith.constant 0 : i32
        %dma_start3A_86 = tpu.memref_slice %arg4[%add3A_54, %dma_start3A_85] : memref<2560x128xi32, #tpu.memory_space<hbm>> -> memref<48x128xi32, #tpu.memory_space<hbm>>
        tpu.enqueue_dma source(%dma_start3A_86 : memref<48x128xi32, #tpu.memory_space<hbm>>) target(%dma_start3A_84 : memref<48x128xi32, #tpu.memory_space<vmem>>) target_semaphore(%run_scoped3A : memref<!tpu.dma_semaphore, #tpu.memory_space<semaphore_mem>>)
        %dma_wait3A_87 = arith.constant 0 : i32
        %dma_wait3A_88 = arith.constant 0 : i32
        %dma_wait3A_89 = tpu.memref_slice %arg8[%dma_wait3A_87, %dma_wait3A_88] : memref<48x128xi32, #tpu.memory_space<vmem>> -> memref<48x128xi32, #tpu.memory_space<vmem>>
        %dma_wait3A_90 = arith.constant 0 : i32
        %dma_wait3A_91 = tpu.memref_slice %arg4[%add3A_54, %dma_wait3A_90] : memref<2560x128xi32, #tpu.memory_space<hbm>> -> memref<48x128xi32, #tpu.memory_space<hbm>>
        %dma_wait3A_92 = arith.constant 0 : i32
        %dma_wait3A_93 = arith.constant 0 : i32
        %dma_wait3A_94 = tpu.memref_slice %arg8[%dma_wait3A_92, %dma_wait3A_93] : memref<48x128xi32, #tpu.memory_space<vmem>> -> memref<48x128xi32, #tpu.memory_space<vmem>>
        %dma_wait3A_95 = arith.constant 0 : i32
        %dma_wait3A_96 = tpu.memref_slice %arg4[%add3A_54, %dma_wait3A_95] : memref<2560x128xi32, #tpu.memory_space<hbm>> -> memref<48x128xi32, #tpu.memory_space<hbm>>
        tpu.wait_dma2 semaphore(%run_scoped3A : memref<!tpu.dma_semaphore, #tpu.memory_space<semaphore_mem>>) src(%dma_wait3A_96 : memref<48x128xi32, #tpu.memory_space<hbm>>) dst(%dma_wait3A_94 : memref<48x128xi32, #tpu.memory_space<vmem>>)
        tpu.yield
      }) : () -> ()
      %dma_start3A_55 = arith.constant 0 : i32
      %dma_start3A_56 = arith.constant 0 : i32
      %dma_start3A_57 = tpu.memref_slice %arg7[%dma_start3A_55, %dma_start3A_56] : memref<48x128xi32, #tpu.memory_space<vmem>> -> memref<1x128xi32, #tpu.memory_space<vmem>>
      %dma_start3A_58 = tpu.memref_squeeze %dma_start3A_57 : memref<1x128xi32, #tpu.memory_space<vmem>> -> memref<128xi32, #tpu.memory_space<vmem>>
      %dma_start3A_59 = arith.constant 0 : i32
      %dma_start3A_60 = arith.constant 0 : i32
      %dma_start3A_61 = tpu.memref_slice %arg2[%dma_start3A_59, %dma_start3A_60] : memref<10000x128xf32, #tpu.memory_space<hbm>> -> memref<10000x128xf32, #tpu.memory_space<hbm>>
      tpu.enqueue_indirect_dma source(%dma_start3A_61 : memref<10000x128xf32, #tpu.memory_space<hbm>>) target(%arg9 : memref<128x128xf32, #tpu.memory_space<vmem>>) offsets(%dma_start3A_58 : memref<128xi32, #tpu.memory_space<vmem>>) semaphore(%arg11 : memref<!tpu.dma_semaphore, #tpu.memory_space<semaphore_mem>>)
      %dma_wait3A_62 = arith.constant 0 : i32
      %dma_wait3A_63 = arith.constant 0 : i32
      %dma_wait3A_64 = tpu.memref_slice %arg7[%dma_wait3A_62, %dma_wait3A_63] : memref<48x128xi32, #tpu.memory_space<vmem>> -> memref<1x128xi32, #tpu.memory_space<vmem>>
      %dma_wait3A_65 = tpu.memref_squeeze %dma_wait3A_64 : memref<1x128xi32, #tpu.memory_space<vmem>> -> memref<128xi32, #tpu.memory_space<vmem>>
      %dma_wait3A_66 = arith.constant 0 : i32
      %dma_wait3A_67 = arith.constant 0 : i32
      %dma_wait3A_68 = tpu.memref_slice %arg2[%dma_wait3A_66, %dma_wait3A_67] : memref<10000x128xf32, #tpu.memory_space<hbm>> -> memref<10000x128xf32, #tpu.memory_space<hbm>>
      tpu.wait_indirect_dma semaphore(%arg11 : memref<!tpu.dma_semaphore, #tpu.memory_space<semaphore_mem>>) src(%dma_wait3A_68 : memref<10000x128xf32, #tpu.memory_space<hbm>>) dst(%arg9 : memref<128x128xf32, #tpu.memory_space<vmem>>)
      %scan3A_69 = arith.constant 0 : i32
      %scan3A_70 = arith.constant 0 : i32
      %scan3A_71 = arith.constant 24 : i32
      %scan3A_72 = arith.addi %scan3A_70, %scan3A_71 : i32
      %scan3A_73 = arith.constant 1 : i32
      scf.for %scan3A_77 = %scan3A_70 to %scan3A_72 step %scan3A_73  : i32 {
        %mul3A_78 = arith.constant 2 : i32
        %mul3A_79 = arith.muli %scan3A_77, %mul3A_78 : i32
        %add3A_80 = arith.constant 0 : i32
        %add3A_81 = arith.addi %mul3A_79, %add3A_80 : i32
        %add3A_82 = arith.constant 1 : i32
        %add3A_83 = arith.addi %add3A_81, %add3A_82 : i32
        %lt3A = arith.constant 48 : i32
        %lt3A_84 = arith.cmpi slt, %add3A_83, %lt3A : i32
        %convert_element_type3A_85 = arith.extui %lt3A_84 : i1 to i32
        %cond3A_86 = arith.constant 0 : i32
        %cond3A_87 = arith.cmpi ne, %convert_element_type3A_85, %cond3A_86 : i32
        scf.if %cond3A_87 {
          %add3A_113 = arith.constant 1 : i32
          %add3A_114 = arith.addi %add3A_81, %add3A_113 : i32
          %dma_start3A_115 = arith.constant 0 : i32
          %dma_start3A_116 = tpu.memref_slice %arg7[%add3A_114, %dma_start3A_115] : memref<48x128xi32, #tpu.memory_space<vmem>> -> memref<1x128xi32, #tpu.memory_space<vmem>>
          %dma_start3A_117 = tpu.memref_squeeze %dma_start3A_116 : memref<1x128xi32, #tpu.memory_space<vmem>> -> memref<128xi32, #tpu.memory_space<vmem>>
          %dma_start3A_118 = arith.constant 0 : i32
          %dma_start3A_119 = arith.constant 0 : i32
          %dma_start3A_120 = tpu.memref_slice %arg2[%dma_start3A_118, %dma_start3A_119] : memref<10000x128xf32, #tpu.memory_space<hbm>> -> memref<10000x128xf32, #tpu.memory_space<hbm>>
          tpu.enqueue_indirect_dma source(%dma_start3A_120 : memref<10000x128xf32, #tpu.memory_space<hbm>>) target(%arg10 : memref<128x128xf32, #tpu.memory_space<vmem>>) offsets(%dma_start3A_117 : memref<128xi32, #tpu.memory_space<vmem>>) semaphore(%arg11 : memref<!tpu.dma_semaphore, #tpu.memory_space<semaphore_mem>>)
        } else {
        }
        "tpu.region"() ({
          %run_scoped3A = tpu.sem_alloc : memref<!tpu.dma_semaphore, #tpu.memory_space<semaphore_mem>>
          %dma_start3A_113 = arith.constant 0 : i32
          %dma_start3A_114 = tpu.memref_slice %arg8[%add3A_81, %dma_start3A_113] : memref<48x128xi32, #tpu.memory_space<vmem>> -> memref<1x128xi32, #tpu.memory_space<vmem>>
          %dma_start3A_115 = tpu.memref_squeeze %dma_start3A_114 : memref<1x128xi32, #tpu.memory_space<vmem>> -> memref<128xi32, #tpu.memory_space<vmem>>
          %dma_start3A_116 = arith.constant 0 : i32
          %dma_start3A_117 = arith.constant 0 : i32
          %dma_start3A_118 = tpu.memref_slice %arg12[%dma_start3A_116, %dma_start3A_117] : memref<10112x128xf32, #tpu.memory_space<vmem_shared>> -> memref<10112x128xf32, #tpu.memory_space<vmem_shared>>
          tpu.enqueue_indirect_dma source(%arg9 : memref<128x128xf32, #tpu.memory_space<vmem>>) target(%dma_start3A_118 : memref<10112x128xf32, #tpu.memory_space<vmem_shared>>) offsets(%dma_start3A_115 : memref<128xi32, #tpu.memory_space<vmem>>) semaphore(%run_scoped3A : memref<!tpu.dma_semaphore, #tpu.memory_space<semaphore_mem>>) {add = true}
          %dma_wait3A_119 = arith.constant 0 : i32
          %dma_wait3A_120 = tpu.memref_slice %arg8[%add3A_81, %dma_wait3A_119] : memref<48x128xi32, #tpu.memory_space<vmem>> -> memref<1x128xi32, #tpu.memory_space<vmem>>
          %dma_wait3A_121 = tpu.memref_squeeze %dma_wait3A_120 : memref<1x128xi32, #tpu.memory_space<vmem>> -> memref<128xi32, #tpu.memory_space<vmem>>
          %dma_wait3A_122 = arith.constant 0 : i32
          %dma_wait3A_123 = arith.constant 0 : i32
          %dma_wait3A_124 = tpu.memref_slice %arg12[%dma_wait3A_122, %dma_wait3A_123] : memref<10112x128xf32, #tpu.memory_space<vmem_shared>> -> memref<10112x128xf32, #tpu.memory_space<vmem_shared>>
          tpu.wait_indirect_dma semaphore(%run_scoped3A : memref<!tpu.dma_semaphore, #tpu.memory_space<semaphore_mem>>) src(%arg9 : memref<128x128xf32, #tpu.memory_space<vmem>>) dst(%dma_wait3A_124 : memref<10112x128xf32, #tpu.memory_space<vmem_shared>>)
          tpu.yield
        }) : () -> ()
        %add3A_88 = arith.constant 1 : i32
        %add3A_89 = arith.addi %add3A_81, %add3A_88 : i32
        %lt3A_90 = arith.constant 48 : i32
        %lt3A_91 = arith.cmpi slt, %add3A_89, %lt3A_90 : i32
        %convert_element_type3A_92 = arith.extui %lt3A_91 : i1 to i32
        %cond3A_93 = arith.constant 0 : i32
        %cond3A_94 = arith.cmpi ne, %convert_element_type3A_92, %cond3A_93 : i32
        scf.if %cond3A_94 {
          %add3A_113 = arith.constant 1 : i32
          %add3A_114 = arith.addi %add3A_81, %add3A_113 : i32
          %dma_wait3A_115 = arith.constant 0 : i32
          %dma_wait3A_116 = tpu.memref_slice %arg7[%add3A_114, %dma_wait3A_115] : memref<48x128xi32, #tpu.memory_space<vmem>> -> memref<1x128xi32, #tpu.memory_space<vmem>>
          %dma_wait3A_117 = tpu.memref_squeeze %dma_wait3A_116 : memref<1x128xi32, #tpu.memory_space<vmem>> -> memref<128xi32, #tpu.memory_space<vmem>>
          %dma_wait3A_118 = arith.constant 0 : i32
          %dma_wait3A_119 = arith.constant 0 : i32
          %dma_wait3A_120 = tpu.memref_slice %arg2[%dma_wait3A_118, %dma_wait3A_119] : memref<10000x128xf32, #tpu.memory_space<hbm>> -> memref<10000x128xf32, #tpu.memory_space<hbm>>
          tpu.wait_indirect_dma semaphore(%arg11 : memref<!tpu.dma_semaphore, #tpu.memory_space<semaphore_mem>>) src(%dma_wait3A_120 : memref<10000x128xf32, #tpu.memory_space<hbm>>) dst(%arg10 : memref<128x128xf32, #tpu.memory_space<vmem>>)
        } else {
        }
        %mul3A_95 = arith.constant 2 : i32
        %mul3A_96 = arith.muli %scan3A_77, %mul3A_95 : i32
        %add3A_97 = arith.constant 1 : i32
        %add3A_98 = arith.addi %mul3A_96, %add3A_97 : i32
        %add3A_99 = arith.constant 1 : i32
        %add3A_100 = arith.addi %add3A_98, %add3A_99 : i32
        %lt3A_101 = arith.constant 48 : i32
        %lt3A_102 = arith.cmpi slt, %add3A_100, %lt3A_101 : i32
        %convert_element_type3A_103 = arith.extui %lt3A_102 : i1 to i32
        %cond3A_104 = arith.constant 0 : i32
        %cond3A_105 = arith.cmpi ne, %convert_element_type3A_103, %cond3A_104 : i32
        scf.if %cond3A_105 {
          %add3A_113 = arith.constant 1 : i32
          %add3A_114 = arith.addi %add3A_98, %add3A_113 : i32
          %dma_start3A_115 = arith.constant 0 : i32
          %dma_start3A_116 = tpu.memref_slice %arg7[%add3A_114, %dma_start3A_115] : memref<48x128xi32, #tpu.memory_space<vmem>> -> memref<1x128xi32, #tpu.memory_space<vmem>>
          %dma_start3A_117 = tpu.memref_squeeze %dma_start3A_116 : memref<1x128xi32, #tpu.memory_space<vmem>> -> memref<128xi32, #tpu.memory_space<vmem>>
          %dma_start3A_118 = arith.constant 0 : i32
          %dma_start3A_119 = arith.constant 0 : i32
          %dma_start3A_120 = tpu.memref_slice %arg2[%dma_start3A_118, %dma_start3A_119] : memref<10000x128xf32, #tpu.memory_space<hbm>> -> memref<10000x128xf32, #tpu.memory_space<hbm>>
          tpu.enqueue_indirect_dma source(%dma_start3A_120 : memref<10000x128xf32, #tpu.memory_space<hbm>>) target(%arg9 : memref<128x128xf32, #tpu.memory_space<vmem>>) offsets(%dma_start3A_117 : memref<128xi32, #tpu.memory_space<vmem>>) semaphore(%arg11 : memref<!tpu.dma_semaphore, #tpu.memory_space<semaphore_mem>>)
        } else {
        }
        "tpu.region"() ({
          %run_scoped3A = tpu.sem_alloc : memref<!tpu.dma_semaphore, #tpu.memory_space<semaphore_mem>>
          %dma_start3A_113 = arith.constant 0 : i32
          %dma_start3A_114 = tpu.memref_slice %arg8[%add3A_98, %dma_start3A_113] : memref<48x128xi32, #tpu.memory_space<vmem>> -> memref<1x128xi32, #tpu.memory_space<vmem>>
          %dma_start3A_115 = tpu.memref_squeeze %dma_start3A_114 : memref<1x128xi32, #tpu.memory_space<vmem>> -> memref<128xi32, #tpu.memory_space<vmem>>
          %dma_start3A_116 = arith.constant 0 : i32
          %dma_start3A_117 = arith.constant 0 : i32
          %dma_start3A_118 = tpu.memref_slice %arg12[%dma_start3A_116, %dma_start3A_117] : memref<10112x128xf32, #tpu.memory_space<vmem_shared>> -> memref<10112x128xf32, #tpu.memory_space<vmem_shared>>
          tpu.enqueue_indirect_dma source(%arg10 : memref<128x128xf32, #tpu.memory_space<vmem>>) target(%dma_start3A_118 : memref<10112x128xf32, #tpu.memory_space<vmem_shared>>) offsets(%dma_start3A_115 : memref<128xi32, #tpu.memory_space<vmem>>) semaphore(%run_scoped3A : memref<!tpu.dma_semaphore, #tpu.memory_space<semaphore_mem>>) {add = true}
          %dma_wait3A_119 = arith.constant 0 : i32
          %dma_wait3A_120 = tpu.memref_slice %arg8[%add3A_98, %dma_wait3A_119] : memref<48x128xi32, #tpu.memory_space<vmem>> -> memref<1x128xi32, #tpu.memory_space<vmem>>
          %dma_wait3A_121 = tpu.memref_squeeze %dma_wait3A_120 : memref<1x128xi32, #tpu.memory_space<vmem>> -> memref<128xi32, #tpu.memory_space<vmem>>
          %dma_wait3A_122 = arith.constant 0 : i32
          %dma_wait3A_123 = arith.constant 0 : i32
          %dma_wait3A_124 = tpu.memref_slice %arg12[%dma_wait3A_122, %dma_wait3A_123] : memref<10112x128xf32, #tpu.memory_space<vmem_shared>> -> memref<10112x128xf32, #tpu.memory_space<vmem_shared>>
          tpu.wait_indirect_dma semaphore(%run_scoped3A : memref<!tpu.dma_semaphore, #tpu.memory_space<semaphore_mem>>) src(%arg10 : memref<128x128xf32, #tpu.memory_space<vmem>>) dst(%dma_wait3A_124 : memref<10112x128xf32, #tpu.memory_space<vmem_shared>>)
          tpu.yield
        }) : () -> ()
        %add3A_106 = arith.constant 1 : i32
        %add3A_107 = arith.addi %add3A_98, %add3A_106 : i32
        %lt3A_108 = arith.constant 48 : i32
        %lt3A_109 = arith.cmpi slt, %add3A_107, %lt3A_108 : i32
        %convert_element_type3A_110 = arith.extui %lt3A_109 : i1 to i32
        %cond3A_111 = arith.constant 0 : i32
        %cond3A_112 = arith.cmpi ne, %convert_element_type3A_110, %cond3A_111 : i32
        scf.if %cond3A_112 {
          %add3A_113 = arith.constant 1 : i32
          %add3A_114 = arith.addi %add3A_98, %add3A_113 : i32
          %dma_wait3A_115 = arith.constant 0 : i32
          %dma_wait3A_116 = tpu.memref_slice %arg7[%add3A_114, %dma_wait3A_115] : memref<48x128xi32, #tpu.memory_space<vmem>> -> memref<1x128xi32, #tpu.memory_space<vmem>>
          %dma_wait3A_117 = tpu.memref_squeeze %dma_wait3A_116 : memref<1x128xi32, #tpu.memory_space<vmem>> -> memref<128xi32, #tpu.memory_space<vmem>>
          %dma_wait3A_118 = arith.constant 0 : i32
          %dma_wait3A_119 = arith.constant 0 : i32
          %dma_wait3A_120 = tpu.memref_slice %arg2[%dma_wait3A_118, %dma_wait3A_119] : memref<10000x128xf32, #tpu.memory_space<hbm>> -> memref<10000x128xf32, #tpu.memory_space<hbm>>
          tpu.wait_indirect_dma semaphore(%arg11 : memref<!tpu.dma_semaphore, #tpu.memory_space<semaphore_mem>>) src(%dma_wait3A_120 : memref<10000x128xf32, #tpu.memory_space<hbm>>) dst(%arg9 : memref<128x128xf32, #tpu.memory_space<vmem>>)
        } else {
        }
      }
      %scan3A_74 = arith.constant 24 : i32
      %add3A_75 = arith.constant 48 : i32
      %add3A_76 = arith.addi %add3A_54, %add3A_75 : i32
    } else {
    }
    %eq3A_3 = arith.constant 1 : i32
    %eq3A_4 = arith.cmpi eq, %arg0, %eq3A_3 : i32
    %convert_element_type3A_5 = arith.extui %eq3A_4 : i1 to i32
    %cond3A_6 = arith.constant 0 : i32
    %cond3A_7 = arith.cmpi ne, %convert_element_type3A_5, %cond3A_6 : i32
    scf.if %cond3A_7 {
      %mul3A_13 = arith.constant 16 : i32
      %mul3A_14 = arith.muli %arg1, %mul3A_13 : i32
      %add3A = arith.constant 2304 : i32
      %add3A_15 = arith.addi %add3A, %mul3A_14 : i32
      "tpu.region"() ({
        %run_scoped3A = tpu.sem_alloc : memref<!tpu.dma_semaphore, #tpu.memory_space<semaphore_mem>>
        %dma_start3A_35 = arith.constant 0 : i32
        %dma_start3A_36 = arith.constant 0 : i32
        %dma_start3A_37 = tpu.memref_slice %arg7[%dma_start3A_35, %dma_start3A_36] : memref<48x128xi32, #tpu.memory_space<vmem>> -> memref<16x128xi32, #tpu.memory_space<vmem>>
        %dma_start3A_38 = arith.constant 0 : i32
        %dma_start3A_39 = tpu.memref_slice %arg3[%add3A_15, %dma_start3A_38] : memref<2560x128xi32, #tpu.memory_space<hbm>> -> memref<16x128xi32, #tpu.memory_space<hbm>>
        %dma_start3A_40 = arith.constant 0 : i32
        %dma_start3A_41 = arith.constant 0 : i32
        %dma_start3A_42 = tpu.memref_slice %arg7[%dma_start3A_40, %dma_start3A_41] : memref<48x128xi32, #tpu.memory_space<vmem>> -> memref<16x128xi32, #tpu.memory_space<vmem>>
        %dma_start3A_43 = arith.constant 0 : i32
        %dma_start3A_44 = tpu.memref_slice %arg3[%add3A_15, %dma_start3A_43] : memref<2560x128xi32, #tpu.memory_space<hbm>> -> memref<16x128xi32, #tpu.memory_space<hbm>>
        tpu.enqueue_dma source(%dma_start3A_44 : memref<16x128xi32, #tpu.memory_space<hbm>>) target(%dma_start3A_42 : memref<16x128xi32, #tpu.memory_space<vmem>>) target_semaphore(%run_scoped3A : memref<!tpu.dma_semaphore, #tpu.memory_space<semaphore_mem>>)
        %dma_wait3A_45 = arith.constant 0 : i32
        %dma_wait3A_46 = arith.constant 0 : i32
        %dma_wait3A_47 = tpu.memref_slice %arg7[%dma_wait3A_45, %dma_wait3A_46] : memref<48x128xi32, #tpu.memory_space<vmem>> -> memref<16x128xi32, #tpu.memory_space<vmem>>
        %dma_wait3A_48 = arith.constant 0 : i32
        %dma_wait3A_49 = tpu.memref_slice %arg3[%add3A_15, %dma_wait3A_48] : memref<2560x128xi32, #tpu.memory_space<hbm>> -> memref<16x128xi32, #tpu.memory_space<hbm>>
        %dma_wait3A_50 = arith.constant 0 : i32
        %dma_wait3A_51 = arith.constant 0 : i32
        %dma_wait3A_52 = tpu.memref_slice %arg7[%dma_wait3A_50, %dma_wait3A_51] : memref<48x128xi32, #tpu.memory_space<vmem>> -> memref<16x128xi32, #tpu.memory_space<vmem>>
        %dma_wait3A_53 = arith.constant 0 : i32
        %dma_wait3A_54 = tpu.memref_slice %arg3[%add3A_15, %dma_wait3A_53] : memref<2560x128xi32, #tpu.memory_space<hbm>> -> memref<16x128xi32, #tpu.memory_space<hbm>>
        tpu.wait_dma2 semaphore(%run_scoped3A : memref<!tpu.dma_semaphore, #tpu.memory_space<semaphore_mem>>) src(%dma_wait3A_54 : memref<16x128xi32, #tpu.memory_space<hbm>>) dst(%dma_wait3A_52 : memref<16x128xi32, #tpu.memory_space<vmem>>)
        tpu.yield
      }) : () -> ()
      "tpu.region"() ({
        %run_scoped3A = tpu.sem_alloc : memref<!tpu.dma_semaphore, #tpu.memory_space<semaphore_mem>>
        %dma_start3A_35 = arith.constant 0 : i32
        %dma_start3A_36 = arith.constant 0 : i32
        %dma_start3A_37 = tpu.memref_slice %arg8[%dma_start3A_35, %dma_start3A_36] : memref<48x128xi32, #tpu.memory_space<vmem>> -> memref<16x128xi32, #tpu.memory_space<vmem>>
        %dma_start3A_38 = arith.constant 0 : i32
        %dma_start3A_39 = tpu.memref_slice %arg4[%add3A_15, %dma_start3A_38] : memref<2560x128xi32, #tpu.memory_space<hbm>> -> memref<16x128xi32, #tpu.memory_space<hbm>>
        %dma_start3A_40 = arith.constant 0 : i32
        %dma_start3A_41 = arith.constant 0 : i32
        %dma_start3A_42 = tpu.memref_slice %arg8[%dma_start3A_40, %dma_start3A_41] : memref<48x128xi32, #tpu.memory_space<vmem>> -> memref<16x128xi32, #tpu.memory_space<vmem>>
        %dma_start3A_43 = arith.constant 0 : i32
        %dma_start3A_44 = tpu.memref_slice %arg4[%add3A_15, %dma_start3A_43] : memref<2560x128xi32, #tpu.memory_space<hbm>> -> memref<16x128xi32, #tpu.memory_space<hbm>>
        tpu.enqueue_dma source(%dma_start3A_44 : memref<16x128xi32, #tpu.memory_space<hbm>>) target(%dma_start3A_42 : memref<16x128xi32, #tpu.memory_space<vmem>>) target_semaphore(%run_scoped3A : memref<!tpu.dma_semaphore, #tpu.memory_space<semaphore_mem>>)
        %dma_wait3A_45 = arith.constant 0 : i32
        %dma_wait3A_46 = arith.constant 0 : i32
        %dma_wait3A_47 = tpu.memref_slice %arg8[%dma_wait3A_45, %dma_wait3A_46] : memref<48x128xi32, #tpu.memory_space<vmem>> -> memref<16x128xi32, #tpu.memory_space<vmem>>
        %dma_wait3A_48 = arith.constant 0 : i32
        %dma_wait3A_49 = tpu.memref_slice %arg4[%add3A_15, %dma_wait3A_48] : memref<2560x128xi32, #tpu.memory_space<hbm>> -> memref<16x128xi32, #tpu.memory_space<hbm>>
        %dma_wait3A_50 = arith.constant 0 : i32
        %dma_wait3A_51 = arith.constant 0 : i32
        %dma_wait3A_52 = tpu.memref_slice %arg8[%dma_wait3A_50, %dma_wait3A_51] : memref<48x128xi32, #tpu.memory_space<vmem>> -> memref<16x128xi32, #tpu.memory_space<vmem>>
        %dma_wait3A_53 = arith.constant 0 : i32
        %dma_wait3A_54 = tpu.memref_slice %arg4[%add3A_15, %dma_wait3A_53] : memref<2560x128xi32, #tpu.memory_space<hbm>> -> memref<16x128xi32, #tpu.memory_space<hbm>>
        tpu.wait_dma2 semaphore(%run_scoped3A : memref<!tpu.dma_semaphore, #tpu.memory_space<semaphore_mem>>) src(%dma_wait3A_54 : memref<16x128xi32, #tpu.memory_space<hbm>>) dst(%dma_wait3A_52 : memref<16x128xi32, #tpu.memory_space<vmem>>)
        tpu.yield
      }) : () -> ()
      %dma_start3A = arith.constant 0 : i32
      %dma_start3A_16 = arith.constant 0 : i32
      %dma_start3A_17 = tpu.memref_slice %arg7[%dma_start3A, %dma_start3A_16] : memref<48x128xi32, #tpu.memory_space<vmem>> -> memref<1x128xi32, #tpu.memory_space<vmem>>
      %dma_start3A_18 = tpu.memref_squeeze %dma_start3A_17 : memref<1x128xi32, #tpu.memory_space<vmem>> -> memref<128xi32, #tpu.memory_space<vmem>>
      %dma_start3A_19 = arith.constant 0 : i32
      %dma_start3A_20 = arith.constant 0 : i32
      %dma_start3A_21 = tpu.memref_slice %arg2[%dma_start3A_19, %dma_start3A_20] : memref<10000x128xf32, #tpu.memory_space<hbm>> -> memref<10000x128xf32, #tpu.memory_space<hbm>>
      tpu.enqueue_indirect_dma source(%dma_start3A_21 : memref<10000x128xf32, #tpu.memory_space<hbm>>) target(%arg9 : memref<128x128xf32, #tpu.memory_space<vmem>>) offsets(%dma_start3A_18 : memref<128xi32, #tpu.memory_space<vmem>>) semaphore(%arg11 : memref<!tpu.dma_semaphore, #tpu.memory_space<semaphore_mem>>)
      %dma_wait3A = arith.constant 0 : i32
      %dma_wait3A_22 = arith.constant 0 : i32
      %dma_wait3A_23 = tpu.memref_slice %arg7[%dma_wait3A, %dma_wait3A_22] : memref<48x128xi32, #tpu.memory_space<vmem>> -> memref<1x128xi32, #tpu.memory_space<vmem>>
      %dma_wait3A_24 = tpu.memref_squeeze %dma_wait3A_23 : memref<1x128xi32, #tpu.memory_space<vmem>> -> memref<128xi32, #tpu.memory_space<vmem>>
      %dma_wait3A_25 = arith.constant 0 : i32
      %dma_wait3A_26 = arith.constant 0 : i32
      %dma_wait3A_27 = tpu.memref_slice %arg2[%dma_wait3A_25, %dma_wait3A_26] : memref<10000x128xf32, #tpu.memory_space<hbm>> -> memref<10000x128xf32, #tpu.memory_space<hbm>>
      tpu.wait_indirect_dma semaphore(%arg11 : memref<!tpu.dma_semaphore, #tpu.memory_space<semaphore_mem>>) src(%dma_wait3A_27 : memref<10000x128xf32, #tpu.memory_space<hbm>>) dst(%arg9 : memref<128x128xf32, #tpu.memory_space<vmem>>)
      %scan3A = arith.constant 0 : i32
      %scan3A_28 = arith.constant 0 : i32
      %scan3A_29 = arith.constant 8 : i32
      %scan3A_30 = arith.addi %scan3A_28, %scan3A_29 : i32
      %scan3A_31 = arith.constant 1 : i32
      scf.for %scan3A_35 = %scan3A_28 to %scan3A_30 step %scan3A_31  : i32 {
        %mul3A_36 = arith.constant 2 : i32
        %mul3A_37 = arith.muli %scan3A_35, %mul3A_36 : i32
        %add3A_38 = arith.constant 0 : i32
        %add3A_39 = arith.addi %mul3A_37, %add3A_38 : i32
        %add3A_40 = arith.constant 1 : i32
        %add3A_41 = arith.addi %add3A_39, %add3A_40 : i32
        %lt3A = arith.constant 16 : i32
        %lt3A_42 = arith.cmpi slt, %add3A_41, %lt3A : i32
        %convert_element_type3A_43 = arith.extui %lt3A_42 : i1 to i32
        %cond3A_44 = arith.constant 0 : i32
        %cond3A_45 = arith.cmpi ne, %convert_element_type3A_43, %cond3A_44 : i32
        scf.if %cond3A_45 {
          %add3A_71 = arith.constant 1 : i32
          %add3A_72 = arith.addi %add3A_39, %add3A_71 : i32
          %dma_start3A_73 = arith.constant 0 : i32
          %dma_start3A_74 = tpu.memref_slice %arg7[%add3A_72, %dma_start3A_73] : memref<48x128xi32, #tpu.memory_space<vmem>> -> memref<1x128xi32, #tpu.memory_space<vmem>>
          %dma_start3A_75 = tpu.memref_squeeze %dma_start3A_74 : memref<1x128xi32, #tpu.memory_space<vmem>> -> memref<128xi32, #tpu.memory_space<vmem>>
          %dma_start3A_76 = arith.constant 0 : i32
          %dma_start3A_77 = arith.constant 0 : i32
          %dma_start3A_78 = tpu.memref_slice %arg2[%dma_start3A_76, %dma_start3A_77] : memref<10000x128xf32, #tpu.memory_space<hbm>> -> memref<10000x128xf32, #tpu.memory_space<hbm>>
          tpu.enqueue_indirect_dma source(%dma_start3A_78 : memref<10000x128xf32, #tpu.memory_space<hbm>>) target(%arg10 : memref<128x128xf32, #tpu.memory_space<vmem>>) offsets(%dma_start3A_75 : memref<128xi32, #tpu.memory_space<vmem>>) semaphore(%arg11 : memref<!tpu.dma_semaphore, #tpu.memory_space<semaphore_mem>>)
        } else {
        }
        "tpu.region"() ({
          %run_scoped3A = tpu.sem_alloc : memref<!tpu.dma_semaphore, #tpu.memory_space<semaphore_mem>>
          %dma_start3A_71 = arith.constant 0 : i32
          %dma_start3A_72 = tpu.memref_slice %arg8[%add3A_39, %dma_start3A_71] : memref<48x128xi32, #tpu.memory_space<vmem>> -> memref<1x128xi32, #tpu.memory_space<vmem>>
          %dma_start3A_73 = tpu.memref_squeeze %dma_start3A_72 : memref<1x128xi32, #tpu.memory_space<vmem>> -> memref<128xi32, #tpu.memory_space<vmem>>
          %dma_start3A_74 = arith.constant 0 : i32
          %dma_start3A_75 = arith.constant 0 : i32
          %dma_start3A_76 = tpu.memref_slice %arg12[%dma_start3A_74, %dma_start3A_75] : memref<10112x128xf32, #tpu.memory_space<vmem_shared>> -> memref<10112x128xf32, #tpu.memory_space<vmem_shared>>
          tpu.enqueue_indirect_dma source(%arg9 : memref<128x128xf32, #tpu.memory_space<vmem>>) target(%dma_start3A_76 : memref<10112x128xf32, #tpu.memory_space<vmem_shared>>) offsets(%dma_start3A_73 : memref<128xi32, #tpu.memory_space<vmem>>) semaphore(%run_scoped3A : memref<!tpu.dma_semaphore, #tpu.memory_space<semaphore_mem>>) {add = true}
          %dma_wait3A_77 = arith.constant 0 : i32
          %dma_wait3A_78 = tpu.memref_slice %arg8[%add3A_39, %dma_wait3A_77] : memref<48x128xi32, #tpu.memory_space<vmem>> -> memref<1x128xi32, #tpu.memory_space<vmem>>
          %dma_wait3A_79 = tpu.memref_squeeze %dma_wait3A_78 : memref<1x128xi32, #tpu.memory_space<vmem>> -> memref<128xi32, #tpu.memory_space<vmem>>
          %dma_wait3A_80 = arith.constant 0 : i32
          %dma_wait3A_81 = arith.constant 0 : i32
          %dma_wait3A_82 = tpu.memref_slice %arg12[%dma_wait3A_80, %dma_wait3A_81] : memref<10112x128xf32, #tpu.memory_space<vmem_shared>> -> memref<10112x128xf32, #tpu.memory_space<vmem_shared>>
          tpu.wait_indirect_dma semaphore(%run_scoped3A : memref<!tpu.dma_semaphore, #tpu.memory_space<semaphore_mem>>) src(%arg9 : memref<128x128xf32, #tpu.memory_space<vmem>>) dst(%dma_wait3A_82 : memref<10112x128xf32, #tpu.memory_space<vmem_shared>>)
          tpu.yield
        }) : () -> ()
        %add3A_46 = arith.constant 1 : i32
        %add3A_47 = arith.addi %add3A_39, %add3A_46 : i32
        %lt3A_48 = arith.constant 16 : i32
        %lt3A_49 = arith.cmpi slt, %add3A_47, %lt3A_48 : i32
        %convert_element_type3A_50 = arith.extui %lt3A_49 : i1 to i32
        %cond3A_51 = arith.constant 0 : i32
        %cond3A_52 = arith.cmpi ne, %convert_element_type3A_50, %cond3A_51 : i32
        scf.if %cond3A_52 {
          %add3A_71 = arith.constant 1 : i32
          %add3A_72 = arith.addi %add3A_39, %add3A_71 : i32
          %dma_wait3A_73 = arith.constant 0 : i32
          %dma_wait3A_74 = tpu.memref_slice %arg7[%add3A_72, %dma_wait3A_73] : memref<48x128xi32, #tpu.memory_space<vmem>> -> memref<1x128xi32, #tpu.memory_space<vmem>>
          %dma_wait3A_75 = tpu.memref_squeeze %dma_wait3A_74 : memref<1x128xi32, #tpu.memory_space<vmem>> -> memref<128xi32, #tpu.memory_space<vmem>>
          %dma_wait3A_76 = arith.constant 0 : i32
          %dma_wait3A_77 = arith.constant 0 : i32
          %dma_wait3A_78 = tpu.memref_slice %arg2[%dma_wait3A_76, %dma_wait3A_77] : memref<10000x128xf32, #tpu.memory_space<hbm>> -> memref<10000x128xf32, #tpu.memory_space<hbm>>
          tpu.wait_indirect_dma semaphore(%arg11 : memref<!tpu.dma_semaphore, #tpu.memory_space<semaphore_mem>>) src(%dma_wait3A_78 : memref<10000x128xf32, #tpu.memory_space<hbm>>) dst(%arg10 : memref<128x128xf32, #tpu.memory_space<vmem>>)
        } else {
        }
        %mul3A_53 = arith.constant 2 : i32
        %mul3A_54 = arith.muli %scan3A_35, %mul3A_53 : i32
        %add3A_55 = arith.constant 1 : i32
        %add3A_56 = arith.addi %mul3A_54, %add3A_55 : i32
        %add3A_57 = arith.constant 1 : i32
        %add3A_58 = arith.addi %add3A_56, %add3A_57 : i32
        %lt3A_59 = arith.constant 16 : i32
        %lt3A_60 = arith.cmpi slt, %add3A_58, %lt3A_59 : i32
        %convert_element_type3A_61 = arith.extui %lt3A_60 : i1 to i32
        %cond3A_62 = arith.constant 0 : i32
        %cond3A_63 = arith.cmpi ne, %convert_element_type3A_61, %cond3A_62 : i32
        scf.if %cond3A_63 {
          %add3A_71 = arith.constant 1 : i32
          %add3A_72 = arith.addi %add3A_56, %add3A_71 : i32
          %dma_start3A_73 = arith.constant 0 : i32
          %dma_start3A_74 = tpu.memref_slice %arg7[%add3A_72, %dma_start3A_73] : memref<48x128xi32, #tpu.memory_space<vmem>> -> memref<1x128xi32, #tpu.memory_space<vmem>>
          %dma_start3A_75 = tpu.memref_squeeze %dma_start3A_74 : memref<1x128xi32, #tpu.memory_space<vmem>> -> memref<128xi32, #tpu.memory_space<vmem>>
          %dma_start3A_76 = arith.constant 0 : i32
          %dma_start3A_77 = arith.constant 0 : i32
          %dma_start3A_78 = tpu.memref_slice %arg2[%dma_start3A_76, %dma_start3A_77] : memref<10000x128xf32, #tpu.memory_space<hbm>> -> memref<10000x128xf32, #tpu.memory_space<hbm>>
          tpu.enqueue_indirect_dma source(%dma_start3A_78 : memref<10000x128xf32, #tpu.memory_space<hbm>>) target(%arg9 : memref<128x128xf32, #tpu.memory_space<vmem>>) offsets(%dma_start3A_75 : memref<128xi32, #tpu.memory_space<vmem>>) semaphore(%arg11 : memref<!tpu.dma_semaphore, #tpu.memory_space<semaphore_mem>>)
        } else {
        }
        "tpu.region"() ({
          %run_scoped3A = tpu.sem_alloc : memref<!tpu.dma_semaphore, #tpu.memory_space<semaphore_mem>>
          %dma_start3A_71 = arith.constant 0 : i32
          %dma_start3A_72 = tpu.memref_slice %arg8[%add3A_56, %dma_start3A_71] : memref<48x128xi32, #tpu.memory_space<vmem>> -> memref<1x128xi32, #tpu.memory_space<vmem>>
          %dma_start3A_73 = tpu.memref_squeeze %dma_start3A_72 : memref<1x128xi32, #tpu.memory_space<vmem>> -> memref<128xi32, #tpu.memory_space<vmem>>
          %dma_start3A_74 = arith.constant 0 : i32
          %dma_start3A_75 = arith.constant 0 : i32
          %dma_start3A_76 = tpu.memref_slice %arg12[%dma_start3A_74, %dma_start3A_75] : memref<10112x128xf32, #tpu.memory_space<vmem_shared>> -> memref<10112x128xf32, #tpu.memory_space<vmem_shared>>
          tpu.enqueue_indirect_dma source(%arg10 : memref<128x128xf32, #tpu.memory_space<vmem>>) target(%dma_start3A_76 : memref<10112x128xf32, #tpu.memory_space<vmem_shared>>) offsets(%dma_start3A_73 : memref<128xi32, #tpu.memory_space<vmem>>) semaphore(%run_scoped3A : memref<!tpu.dma_semaphore, #tpu.memory_space<semaphore_mem>>) {add = true}
          %dma_wait3A_77 = arith.constant 0 : i32
          %dma_wait3A_78 = tpu.memref_slice %arg8[%add3A_56, %dma_wait3A_77] : memref<48x128xi32, #tpu.memory_space<vmem>> -> memref<1x128xi32, #tpu.memory_space<vmem>>
          %dma_wait3A_79 = tpu.memref_squeeze %dma_wait3A_78 : memref<1x128xi32, #tpu.memory_space<vmem>> -> memref<128xi32, #tpu.memory_space<vmem>>
          %dma_wait3A_80 = arith.constant 0 : i32
          %dma_wait3A_81 = arith.constant 0 : i32
          %dma_wait3A_82 = tpu.memref_slice %arg12[%dma_wait3A_80, %dma_wait3A_81] : memref<10112x128xf32, #tpu.memory_space<vmem_shared>> -> memref<10112x128xf32, #tpu.memory_space<vmem_shared>>
          tpu.wait_indirect_dma semaphore(%run_scoped3A : memref<!tpu.dma_semaphore, #tpu.memory_space<semaphore_mem>>) src(%arg10 : memref<128x128xf32, #tpu.memory_space<vmem>>) dst(%dma_wait3A_82 : memref<10112x128xf32, #tpu.memory_space<vmem_shared>>)
          tpu.yield
        }) : () -> ()
        %add3A_64 = arith.constant 1 : i32
        %add3A_65 = arith.addi %add3A_56, %add3A_64 : i32
        %lt3A_66 = arith.constant 16 : i32
        %lt3A_67 = arith.cmpi slt, %add3A_65, %lt3A_66 : i32
        %convert_element_type3A_68 = arith.extui %lt3A_67 : i1 to i32
        %cond3A_69 = arith.constant 0 : i32
        %cond3A_70 = arith.cmpi ne, %convert_element_type3A_68, %cond3A_69 : i32
        scf.if %cond3A_70 {
          %add3A_71 = arith.constant 1 : i32
          %add3A_72 = arith.addi %add3A_56, %add3A_71 : i32
          %dma_wait3A_73 = arith.constant 0 : i32
          %dma_wait3A_74 = tpu.memref_slice %arg7[%add3A_72, %dma_wait3A_73] : memref<48x128xi32, #tpu.memory_space<vmem>> -> memref<1x128xi32, #tpu.memory_space<vmem>>
          %dma_wait3A_75 = tpu.memref_squeeze %dma_wait3A_74 : memref<1x128xi32, #tpu.memory_space<vmem>> -> memref<128xi32, #tpu.memory_space<vmem>>
          %dma_wait3A_76 = arith.constant 0 : i32
          %dma_wait3A_77 = arith.constant 0 : i32
          %dma_wait3A_78 = tpu.memref_slice %arg2[%dma_wait3A_76, %dma_wait3A_77] : memref<10000x128xf32, #tpu.memory_space<hbm>> -> memref<10000x128xf32, #tpu.memory_space<hbm>>
          tpu.wait_indirect_dma semaphore(%arg11 : memref<!tpu.dma_semaphore, #tpu.memory_space<semaphore_mem>>) src(%dma_wait3A_78 : memref<10000x128xf32, #tpu.memory_space<hbm>>) dst(%arg9 : memref<128x128xf32, #tpu.memory_space<vmem>>)
        } else {
        }
      }
      %scan3A_32 = arith.constant 8 : i32
      %add3A_33 = arith.constant 16 : i32
      %add3A_34 = arith.addi %add3A_15, %add3A_33 : i32
    } else {
    }
    %barrier3A_8 = arith.constant 0 : index
    tpu.barrier barrier_id(%barrier3A_8)
    %mul3A_9 = arith.constant 632 : i32
    %mul3A_10 = arith.muli %arg1, %mul3A_9 : i32
    %mul3A_11 = arith.constant 632 : i32
    %mul3A_12 = arith.muli %arg1, %mul3A_11 : i32
    "tpu.region"() ({
      %run_scoped3A = tpu.sem_alloc : memref<!tpu.dma_semaphore, #tpu.memory_space<semaphore_mem>>
      %dma_start3A = arith.constant 0 : i32
      %dma_start3A_13 = tpu.memref_slice %arg6[%arg0, %mul3A_12, %dma_start3A] : memref<2x10112x128xf32, #tpu.memory_space<hbm>> -> memref<1x632x128xf32, #tpu.memory_space<hbm>>
      %dma_start3A_14 = tpu.memref_squeeze %dma_start3A_13 : memref<1x632x128xf32, #tpu.memory_space<hbm>> -> memref<632x128xf32, #tpu.memory_space<hbm>>
      %dma_start3A_15 = arith.constant 0 : i32
      %dma_start3A_16 = tpu.memref_slice %arg12[%mul3A_10, %dma_start3A_15] : memref<10112x128xf32, #tpu.memory_space<vmem_shared>> -> memref<632x128xf32, #tpu.memory_space<vmem_shared>>
      tpu.enqueue_dma source(%dma_start3A_16 : memref<632x128xf32, #tpu.memory_space<vmem_shared>>) target(%dma_start3A_14 : memref<632x128xf32, #tpu.memory_space<hbm>>) target_semaphore(%run_scoped3A : memref<!tpu.dma_semaphore, #tpu.memory_space<semaphore_mem>>)
      %dma_wait3A = arith.constant 0 : i32
      %dma_wait3A_17 = tpu.memref_slice %arg6[%arg0, %mul3A_12, %dma_wait3A] : memref<2x10112x128xf32, #tpu.memory_space<hbm>> -> memref<1x632x128xf32, #tpu.memory_space<hbm>>
      %dma_wait3A_18 = tpu.memref_squeeze %dma_wait3A_17 : memref<1x632x128xf32, #tpu.memory_space<hbm>> -> memref<632x128xf32, #tpu.memory_space<hbm>>
      %dma_wait3A_19 = arith.constant 0 : i32
      %dma_wait3A_20 = tpu.memref_slice %arg12[%mul3A_10, %dma_wait3A_19] : memref<10112x128xf32, #tpu.memory_space<vmem_shared>> -> memref<632x128xf32, #tpu.memory_space<vmem_shared>>
      tpu.wait_dma2 semaphore(%run_scoped3A : memref<!tpu.dma_semaphore, #tpu.memory_space<semaphore_mem>>) src(%dma_wait3A_20 : memref<632x128xf32, #tpu.memory_space<vmem_shared>>) dst(%dma_wait3A_18 : memref<632x128xf32, #tpu.memory_space<hbm>>)
      tpu.yield
    }) : () -> ()
    return
  }
}

#map = affine_map<(d0, d1) -> (0, 0)>
#map1 = affine_map<(d0, d1) -> (0, 0, 0)>
module attributes {stable_mosaic.version = 14 : i64} {
  func.func @_deg_body(%arg0: i32, %arg1: i32, %arg2: memref<2560x128xi32, #tpu.memory_space<hbm>>, %arg3: memref<632x128xf32, #tpu.memory_space<hbm>>, %arg4: memref<128x128xf32, #tpu.memory_space<hbm>>, %arg5: memref<2x10112x128xf32, #tpu.memory_space<hbm>>, %arg6: memref<80x128xi32, #tpu.memory_space<vmem>>, %arg7: memref<128x128xf32, #tpu.memory_space<vmem>>, %arg8: memref<!tpu.dma_semaphore, #tpu.memory_space<semaphore_mem>>, %arg9: memref<10112x128xf32, #tpu.memory_space<vmem_shared>>) attributes {dimension_semantics = [#tpu.dimension_semantics<core_parallel>, #tpu.dimension_semantics<subcore_parallel>], iteration_bounds = array<i64: 2, 16>, scalar_prefetch = 0 : i64, scratch_operands = 4 : i64, tpu.core_type = #tpu.core_type<sc_vector_subcore>, window_params = [{transform_indices = #map}, {transform_indices = #map}, {transform_indices = #map}, {transform_indices = #map1}]} {
    %mul3A = arith.constant 16 : i32
    %mul3A_0 = arith.muli %arg0, %mul3A : i32
    %add3A = arith.addi %mul3A_0, %arg1 : i32
    %mul3A_1 = arith.constant 632 : i32
    %mul3A_2 = arith.muli %arg1, %mul3A_1 : i32
    "tpu.region"() ({
      %run_scoped3A = tpu.sem_alloc : memref<!tpu.dma_semaphore, #tpu.memory_space<semaphore_mem>>
      %dma_start3A = arith.constant 0 : i32
      %dma_start3A_15 = tpu.memref_slice %arg9[%mul3A_2, %dma_start3A] : memref<10112x128xf32, #tpu.memory_space<vmem_shared>> -> memref<632x128xf32, #tpu.memory_space<vmem_shared>>
      tpu.enqueue_dma source(%arg3 : memref<632x128xf32, #tpu.memory_space<hbm>>) target(%dma_start3A_15 : memref<632x128xf32, #tpu.memory_space<vmem_shared>>) target_semaphore(%run_scoped3A : memref<!tpu.dma_semaphore, #tpu.memory_space<semaphore_mem>>)
      %dma_wait3A = arith.constant 0 : i32
      %dma_wait3A_16 = tpu.memref_slice %arg9[%mul3A_2, %dma_wait3A] : memref<10112x128xf32, #tpu.memory_space<vmem_shared>> -> memref<632x128xf32, #tpu.memory_space<vmem_shared>>
      tpu.wait_dma2 semaphore(%run_scoped3A : memref<!tpu.dma_semaphore, #tpu.memory_space<semaphore_mem>>) src(%arg3 : memref<632x128xf32, #tpu.memory_space<hbm>>) dst(%dma_wait3A_16 : memref<632x128xf32, #tpu.memory_space<vmem_shared>>)
      tpu.yield
    }) : () -> ()
    "tpu.region"() ({
      %run_scoped3A = tpu.sem_alloc : memref<!tpu.dma_semaphore, #tpu.memory_space<semaphore_mem>>
      tpu.enqueue_dma source(%arg4 : memref<128x128xf32, #tpu.memory_space<hbm>>) target(%arg7 : memref<128x128xf32, #tpu.memory_space<vmem>>) target_semaphore(%run_scoped3A : memref<!tpu.dma_semaphore, #tpu.memory_space<semaphore_mem>>)
      tpu.wait_dma2 semaphore(%run_scoped3A : memref<!tpu.dma_semaphore, #tpu.memory_space<semaphore_mem>>) src(%arg4 : memref<128x128xf32, #tpu.memory_space<hbm>>) dst(%arg7 : memref<128x128xf32, #tpu.memory_space<vmem>>)
      tpu.yield
    }) : () -> ()
    %mul3A_3 = arith.constant 80 : i32
    %mul3A_4 = arith.muli %add3A, %mul3A_3 : i32
    "tpu.region"() ({
      %run_scoped3A = tpu.sem_alloc : memref<!tpu.dma_semaphore, #tpu.memory_space<semaphore_mem>>
      %dma_start3A = arith.constant 0 : i32
      %dma_start3A_15 = tpu.memref_slice %arg2[%mul3A_4, %dma_start3A] : memref<2560x128xi32, #tpu.memory_space<hbm>> -> memref<80x128xi32, #tpu.memory_space<hbm>>
      %dma_start3A_16 = arith.constant 0 : i32
      %dma_start3A_17 = tpu.memref_slice %arg2[%mul3A_4, %dma_start3A_16] : memref<2560x128xi32, #tpu.memory_space<hbm>> -> memref<80x128xi32, #tpu.memory_space<hbm>>
      tpu.enqueue_dma source(%dma_start3A_17 : memref<80x128xi32, #tpu.memory_space<hbm>>) target(%arg6 : memref<80x128xi32, #tpu.memory_space<vmem>>) target_semaphore(%run_scoped3A : memref<!tpu.dma_semaphore, #tpu.memory_space<semaphore_mem>>)
      %dma_wait3A = arith.constant 0 : i32
      %dma_wait3A_18 = tpu.memref_slice %arg2[%mul3A_4, %dma_wait3A] : memref<2560x128xi32, #tpu.memory_space<hbm>> -> memref<80x128xi32, #tpu.memory_space<hbm>>
      %dma_wait3A_19 = arith.constant 0 : i32
      %dma_wait3A_20 = tpu.memref_slice %arg2[%mul3A_4, %dma_wait3A_19] : memref<2560x128xi32, #tpu.memory_space<hbm>> -> memref<80x128xi32, #tpu.memory_space<hbm>>
      tpu.wait_dma2 semaphore(%run_scoped3A : memref<!tpu.dma_semaphore, #tpu.memory_space<semaphore_mem>>) src(%dma_wait3A_20 : memref<80x128xi32, #tpu.memory_space<hbm>>) dst(%arg6 : memref<80x128xi32, #tpu.memory_space<vmem>>)
      tpu.yield
    }) : () -> ()
    %barrier3A = arith.constant 0 : index
    tpu.barrier barrier_id(%barrier3A)
    %scan3A = arith.constant 0 : i32
    %scan3A_5 = arith.constant 0 : i32
    %scan3A_6 = arith.constant 80 : i32
    %scan3A_7 = arith.addi %scan3A_5, %scan3A_6 : i32
    %scan3A_8 = arith.constant 1 : i32
    scf.for %scan3A_15 = %scan3A_5 to %scan3A_7 step %scan3A_8  : i32 {
      "tpu.region"() ({
        %run_scoped3A = tpu.sem_alloc : memref<!tpu.dma_semaphore, #tpu.memory_space<semaphore_mem>>
        %dma_start3A = arith.constant 0 : i32
        %dma_start3A_16 = tpu.memref_slice %arg6[%scan3A_15, %dma_start3A] : memref<80x128xi32, #tpu.memory_space<vmem>> -> memref<1x128xi32, #tpu.memory_space<vmem>>
        %dma_start3A_17 = tpu.memref_squeeze %dma_start3A_16 : memref<1x128xi32, #tpu.memory_space<vmem>> -> memref<128xi32, #tpu.memory_space<vmem>>
        %dma_start3A_18 = arith.constant 0 : i32
        %dma_start3A_19 = arith.constant 0 : i32
        %dma_start3A_20 = tpu.memref_slice %arg9[%dma_start3A_18, %dma_start3A_19] : memref<10112x128xf32, #tpu.memory_space<vmem_shared>> -> memref<10112x128xf32, #tpu.memory_space<vmem_shared>>
        tpu.enqueue_indirect_dma source(%arg7 : memref<128x128xf32, #tpu.memory_space<vmem>>) target(%dma_start3A_20 : memref<10112x128xf32, #tpu.memory_space<vmem_shared>>) offsets(%dma_start3A_17 : memref<128xi32, #tpu.memory_space<vmem>>) semaphore(%run_scoped3A : memref<!tpu.dma_semaphore, #tpu.memory_space<semaphore_mem>>) {add = true}
        %dma_wait3A = arith.constant 0 : i32
        %dma_wait3A_21 = tpu.memref_slice %arg6[%scan3A_15, %dma_wait3A] : memref<80x128xi32, #tpu.memory_space<vmem>> -> memref<1x128xi32, #tpu.memory_space<vmem>>
        %dma_wait3A_22 = tpu.memref_squeeze %dma_wait3A_21 : memref<1x128xi32, #tpu.memory_space<vmem>> -> memref<128xi32, #tpu.memory_space<vmem>>
        %dma_wait3A_23 = arith.constant 0 : i32
        %dma_wait3A_24 = arith.constant 0 : i32
        %dma_wait3A_25 = tpu.memref_slice %arg9[%dma_wait3A_23, %dma_wait3A_24] : memref<10112x128xf32, #tpu.memory_space<vmem_shared>> -> memref<10112x128xf32, #tpu.memory_space<vmem_shared>>
        tpu.wait_indirect_dma semaphore(%run_scoped3A : memref<!tpu.dma_semaphore, #tpu.memory_space<semaphore_mem>>) src(%arg7 : memref<128x128xf32, #tpu.memory_space<vmem>>) dst(%dma_wait3A_25 : memref<10112x128xf32, #tpu.memory_space<vmem_shared>>)
        tpu.yield
      }) : () -> ()
    }
    %scan3A_9 = arith.constant 80 : i32
    %barrier3A_10 = arith.constant 0 : index
    tpu.barrier barrier_id(%barrier3A_10)
    %mul3A_11 = arith.constant 632 : i32
    %mul3A_12 = arith.muli %arg1, %mul3A_11 : i32
    %mul3A_13 = arith.constant 632 : i32
    %mul3A_14 = arith.muli %arg1, %mul3A_13 : i32
    "tpu.region"() ({
      %run_scoped3A = tpu.sem_alloc : memref<!tpu.dma_semaphore, #tpu.memory_space<semaphore_mem>>
      %dma_start3A = arith.constant 0 : i32
      %dma_start3A_15 = tpu.memref_slice %arg5[%arg0, %mul3A_14, %dma_start3A] : memref<2x10112x128xf32, #tpu.memory_space<hbm>> -> memref<1x632x128xf32, #tpu.memory_space<hbm>>
      %dma_start3A_16 = tpu.memref_squeeze %dma_start3A_15 : memref<1x632x128xf32, #tpu.memory_space<hbm>> -> memref<632x128xf32, #tpu.memory_space<hbm>>
      %dma_start3A_17 = arith.constant 0 : i32
      %dma_start3A_18 = tpu.memref_slice %arg9[%mul3A_12, %dma_start3A_17] : memref<10112x128xf32, #tpu.memory_space<vmem_shared>> -> memref<632x128xf32, #tpu.memory_space<vmem_shared>>
      tpu.enqueue_dma source(%dma_start3A_18 : memref<632x128xf32, #tpu.memory_space<vmem_shared>>) target(%dma_start3A_16 : memref<632x128xf32, #tpu.memory_space<hbm>>) target_semaphore(%run_scoped3A : memref<!tpu.dma_semaphore, #tpu.memory_space<semaphore_mem>>)
      %dma_wait3A = arith.constant 0 : i32
      %dma_wait3A_19 = tpu.memref_slice %arg5[%arg0, %mul3A_14, %dma_wait3A] : memref<2x10112x128xf32, #tpu.memory_space<hbm>> -> memref<1x632x128xf32, #tpu.memory_space<hbm>>
      %dma_wait3A_20 = tpu.memref_squeeze %dma_wait3A_19 : memref<1x632x128xf32, #tpu.memory_space<hbm>> -> memref<632x128xf32, #tpu.memory_space<hbm>>
      %dma_wait3A_21 = arith.constant 0 : i32
      %dma_wait3A_22 = tpu.memref_slice %arg9[%mul3A_12, %dma_wait3A_21] : memref<10112x128xf32, #tpu.memory_space<vmem_shared>> -> memref<632x128xf32, #tpu.memory_space<vmem_shared>>
      tpu.wait_dma2 semaphore(%run_scoped3A : memref<!tpu.dma_semaphore, #tpu.memory_space<semaphore_mem>>) src(%dma_wait3A_22 : memref<632x128xf32, #tpu.memory_space<vmem_shared>>) dst(%dma_wait3A_20 : memref<632x128xf32, #tpu.memory_space<hbm>>)
      tpu.yield
    }) : () -> ()
    return
  }
}

#map = affine_map<(d0, d1) -> (0, 0)>
#map1 = affine_map<(d0, d1) -> (0, 0, 0)>
module attributes {stable_mosaic.version = 14 : i64} {
  func.func @_spmm_body(%arg0: i32, %arg1: i32, %arg2: memref<10000x128xf32, #tpu.memory_space<hbm>>, %arg3: memref<2560x128xi32, #tpu.memory_space<hbm>>, %arg4: memref<2560x128xi32, #tpu.memory_space<hbm>>, %arg5: memref<632x128xf32, #tpu.memory_space<hbm>>, %arg6: memref<2x10112x128xf32, #tpu.memory_space<hbm>>, %arg7: memref<48x128xi32, #tpu.memory_space<vmem>>, %arg8: memref<48x128xi32, #tpu.memory_space<vmem>>, %arg9: memref<128x128xf32, #tpu.memory_space<vmem>>, %arg10: memref<128x128xf32, #tpu.memory_space<vmem>>, %arg11: memref<!tpu.dma_semaphore, #tpu.memory_space<semaphore_mem>>, %arg12: memref<10112x128xf32, #tpu.memory_space<vmem_shared>>) attributes {dimension_semantics = [#tpu.dimension_semantics<core_parallel>, #tpu.dimension_semantics<subcore_parallel>], iteration_bounds = array<i64: 2, 16>, scalar_prefetch = 0 : i64, scratch_operands = 6 : i64, tpu.core_type = #tpu.core_type<sc_vector_subcore>, window_params = [{transform_indices = #map}, {transform_indices = #map}, {transform_indices = #map}, {transform_indices = #map}, {transform_indices = #map1}]} {
    %mul3A = arith.constant 632 : i32
    %mul3A_0 = arith.muli %arg1, %mul3A : i32
    "tpu.region"() ({
      %run_scoped3A = tpu.sem_alloc : memref<!tpu.dma_semaphore, #tpu.memory_space<semaphore_mem>>
      %dma_start3A = arith.constant 0 : i32
      %dma_start3A_13 = tpu.memref_slice %arg12[%mul3A_0, %dma_start3A] : memref<10112x128xf32, #tpu.memory_space<vmem_shared>> -> memref<632x128xf32, #tpu.memory_space<vmem_shared>>
      tpu.enqueue_dma source(%arg5 : memref<632x128xf32, #tpu.memory_space<hbm>>) target(%dma_start3A_13 : memref<632x128xf32, #tpu.memory_space<vmem_shared>>) target_semaphore(%run_scoped3A : memref<!tpu.dma_semaphore, #tpu.memory_space<semaphore_mem>>)
      %dma_wait3A = arith.constant 0 : i32
      %dma_wait3A_14 = tpu.memref_slice %arg12[%mul3A_0, %dma_wait3A] : memref<10112x128xf32, #tpu.memory_space<vmem_shared>> -> memref<632x128xf32, #tpu.memory_space<vmem_shared>>
      tpu.wait_dma2 semaphore(%run_scoped3A : memref<!tpu.dma_semaphore, #tpu.memory_space<semaphore_mem>>) src(%arg5 : memref<632x128xf32, #tpu.memory_space<hbm>>) dst(%dma_wait3A_14 : memref<632x128xf32, #tpu.memory_space<vmem_shared>>)
      tpu.yield
    }) : () -> ()
    %barrier3A = arith.constant 0 : index
    tpu.barrier barrier_id(%barrier3A)
    %eq3A = arith.constant 0 : i32
    %eq3A_1 = arith.cmpi eq, %arg0, %eq3A : i32
    %convert_element_type3A = arith.extui %eq3A_1 : i1 to i32
    %cond3A = arith.constant 0 : i32
    %cond3A_2 = arith.cmpi ne, %convert_element_type3A, %cond3A : i32
    scf.if %cond3A_2 {
      %mul3A_13 = arith.constant 144 : i32
      %mul3A_14 = arith.muli %arg1, %mul3A_13 : i32
      "tpu.region"() ({
        %run_scoped3A = tpu.sem_alloc : memref<!tpu.dma_semaphore, #tpu.memory_space<semaphore_mem>>
        %dma_start3A_77 = arith.constant 0 : i32
        %dma_start3A_78 = arith.constant 0 : i32
        %dma_start3A_79 = tpu.memref_slice %arg7[%dma_start3A_77, %dma_start3A_78] : memref<48x128xi32, #tpu.memory_space<vmem>> -> memref<48x128xi32, #tpu.memory_space<vmem>>
        %dma_start3A_80 = arith.constant 0 : i32
        %dma_start3A_81 = tpu.memref_slice %arg3[%mul3A_14, %dma_start3A_80] : memref<2560x128xi32, #tpu.memory_space<hbm>> -> memref<48x128xi32, #tpu.memory_space<hbm>>
        %dma_start3A_82 = arith.constant 0 : i32
        %dma_start3A_83 = arith.constant 0 : i32
        %dma_start3A_84 = tpu.memref_slice %arg7[%dma_start3A_82, %dma_start3A_83] : memref<48x128xi32, #tpu.memory_space<vmem>> -> memref<48x128xi32, #tpu.memory_space<vmem>>
        %dma_start3A_85 = arith.constant 0 : i32
        %dma_start3A_86 = tpu.memref_slice %arg3[%mul3A_14, %dma_start3A_85] : memref<2560x128xi32, #tpu.memory_space<hbm>> -> memref<48x128xi32, #tpu.memory_space<hbm>>
        tpu.enqueue_dma source(%dma_start3A_86 : memref<48x128xi32, #tpu.memory_space<hbm>>) target(%dma_start3A_84 : memref<48x128xi32, #tpu.memory_space<vmem>>) target_semaphore(%run_scoped3A : memref<!tpu.dma_semaphore, #tpu.memory_space<semaphore_mem>>)
        %dma_wait3A_87 = arith.constant 0 : i32
        %dma_wait3A_88 = arith.constant 0 : i32
        %dma_wait3A_89 = tpu.memref_slice %arg7[%dma_wait3A_87, %dma_wait3A_88] : memref<48x128xi32, #tpu.memory_space<vmem>> -> memref<48x128xi32, #tpu.memory_space<vmem>>
        %dma_wait3A_90 = arith.constant 0 : i32
        %dma_wait3A_91 = tpu.memref_slice %arg3[%mul3A_14, %dma_wait3A_90] : memref<2560x128xi32, #tpu.memory_space<hbm>> -> memref<48x128xi32, #tpu.memory_space<hbm>>
        %dma_wait3A_92 = arith.constant 0 : i32
        %dma_wait3A_93 = arith.constant 0 : i32
        %dma_wait3A_94 = tpu.memref_slice %arg7[%dma_wait3A_92, %dma_wait3A_93] : memref<48x128xi32, #tpu.memory_space<vmem>> -> memref<48x128xi32, #tpu.memory_space<vmem>>
        %dma_wait3A_95 = arith.constant 0 : i32
        %dma_wait3A_96 = tpu.memref_slice %arg3[%mul3A_14, %dma_wait3A_95] : memref<2560x128xi32, #tpu.memory_space<hbm>> -> memref<48x128xi32, #tpu.memory_space<hbm>>
        tpu.wait_dma2 semaphore(%run_scoped3A : memref<!tpu.dma_semaphore, #tpu.memory_space<semaphore_mem>>) src(%dma_wait3A_96 : memref<48x128xi32, #tpu.memory_space<hbm>>) dst(%dma_wait3A_94 : memref<48x128xi32, #tpu.memory_space<vmem>>)
        tpu.yield
      }) : () -> ()
      "tpu.region"() ({
        %run_scoped3A = tpu.sem_alloc : memref<!tpu.dma_semaphore, #tpu.memory_space<semaphore_mem>>
        %dma_start3A_77 = arith.constant 0 : i32
        %dma_start3A_78 = arith.constant 0 : i32
        %dma_start3A_79 = tpu.memref_slice %arg8[%dma_start3A_77, %dma_start3A_78] : memref<48x128xi32, #tpu.memory_space<vmem>> -> memref<48x128xi32, #tpu.memory_space<vmem>>
        %dma_start3A_80 = arith.constant 0 : i32
        %dma_start3A_81 = tpu.memref_slice %arg4[%mul3A_14, %dma_start3A_80] : memref<2560x128xi32, #tpu.memory_space<hbm>> -> memref<48x128xi32, #tpu.memory_space<hbm>>
        %dma_start3A_82 = arith.constant 0 : i32
        %dma_start3A_83 = arith.constant 0 : i32
        %dma_start3A_84 = tpu.memref_slice %arg8[%dma_start3A_82, %dma_start3A_83] : memref<48x128xi32, #tpu.memory_space<vmem>> -> memref<48x128xi32, #tpu.memory_space<vmem>>
        %dma_start3A_85 = arith.constant 0 : i32
        %dma_start3A_86 = tpu.memref_slice %arg4[%mul3A_14, %dma_start3A_85] : memref<2560x128xi32, #tpu.memory_space<hbm>> -> memref<48x128xi32, #tpu.memory_space<hbm>>
        tpu.enqueue_dma source(%dma_start3A_86 : memref<48x128xi32, #tpu.memory_space<hbm>>) target(%dma_start3A_84 : memref<48x128xi32, #tpu.memory_space<vmem>>) target_semaphore(%run_scoped3A : memref<!tpu.dma_semaphore, #tpu.memory_space<semaphore_mem>>)
        %dma_wait3A_87 = arith.constant 0 : i32
        %dma_wait3A_88 = arith.constant 0 : i32
        %dma_wait3A_89 = tpu.memref_slice %arg8[%dma_wait3A_87, %dma_wait3A_88] : memref<48x128xi32, #tpu.memory_space<vmem>> -> memref<48x128xi32, #tpu.memory_space<vmem>>
        %dma_wait3A_90 = arith.constant 0 : i32
        %dma_wait3A_91 = tpu.memref_slice %arg4[%mul3A_14, %dma_wait3A_90] : memref<2560x128xi32, #tpu.memory_space<hbm>> -> memref<48x128xi32, #tpu.memory_space<hbm>>
        %dma_wait3A_92 = arith.constant 0 : i32
        %dma_wait3A_93 = arith.constant 0 : i32
        %dma_wait3A_94 = tpu.memref_slice %arg8[%dma_wait3A_92, %dma_wait3A_93] : memref<48x128xi32, #tpu.memory_space<vmem>> -> memref<48x128xi32, #tpu.memory_space<vmem>>
        %dma_wait3A_95 = arith.constant 0 : i32
        %dma_wait3A_96 = tpu.memref_slice %arg4[%mul3A_14, %dma_wait3A_95] : memref<2560x128xi32, #tpu.memory_space<hbm>> -> memref<48x128xi32, #tpu.memory_space<hbm>>
        tpu.wait_dma2 semaphore(%run_scoped3A : memref<!tpu.dma_semaphore, #tpu.memory_space<semaphore_mem>>) src(%dma_wait3A_96 : memref<48x128xi32, #tpu.memory_space<hbm>>) dst(%dma_wait3A_94 : memref<48x128xi32, #tpu.memory_space<vmem>>)
        tpu.yield
      }) : () -> ()
      %dma_start3A = arith.constant 0 : i32
      %dma_start3A_15 = arith.constant 0 : i32
      %dma_start3A_16 = tpu.memref_slice %arg7[%dma_start3A, %dma_start3A_15] : memref<48x128xi32, #tpu.memory_space<vmem>> -> memref<1x128xi32, #tpu.memory_space<vmem>>
      %dma_start3A_17 = tpu.memref_squeeze %dma_start3A_16 : memref<1x128xi32, #tpu.memory_space<vmem>> -> memref<128xi32, #tpu.memory_space<vmem>>
      %dma_start3A_18 = arith.constant 0 : i32
      %dma_start3A_19 = arith.constant 0 : i32
      %dma_start3A_20 = tpu.memref_slice %arg2[%dma_start3A_18, %dma_start3A_19] : memref<10000x128xf32, #tpu.memory_space<hbm>> -> memref<10000x128xf32, #tpu.memory_space<hbm>>
      tpu.enqueue_indirect_dma source(%dma_start3A_20 : memref<10000x128xf32, #tpu.memory_space<hbm>>) target(%arg9 : memref<128x128xf32, #tpu.memory_space<vmem>>) offsets(%dma_start3A_17 : memref<128xi32, #tpu.memory_space<vmem>>) semaphore(%arg11 : memref<!tpu.dma_semaphore, #tpu.memory_space<semaphore_mem>>)
      %dma_wait3A = arith.constant 0 : i32
      %dma_wait3A_21 = arith.constant 0 : i32
      %dma_wait3A_22 = tpu.memref_slice %arg7[%dma_wait3A, %dma_wait3A_21] : memref<48x128xi32, #tpu.memory_space<vmem>> -> memref<1x128xi32, #tpu.memory_space<vmem>>
      %dma_wait3A_23 = tpu.memref_squeeze %dma_wait3A_22 : memref<1x128xi32, #tpu.memory_space<vmem>> -> memref<128xi32, #tpu.memory_space<vmem>>
      %dma_wait3A_24 = arith.constant 0 : i32
      %dma_wait3A_25 = arith.constant 0 : i32
      %dma_wait3A_26 = tpu.memref_slice %arg2[%dma_wait3A_24, %dma_wait3A_25] : memref<10000x128xf32, #tpu.memory_space<hbm>> -> memref<10000x128xf32, #tpu.memory_space<hbm>>
      tpu.wait_indirect_dma semaphore(%arg11 : memref<!tpu.dma_semaphore, #tpu.memory_space<semaphore_mem>>) src(%dma_wait3A_26 : memref<10000x128xf32, #tpu.memory_space<hbm>>) dst(%arg9 : memref<128x128xf32, #tpu.memory_space<vmem>>)
      %scan3A = arith.constant 0 : i32
      %scan3A_27 = arith.constant 0 : i32
      %scan3A_28 = arith.constant 24 : i32
      %scan3A_29 = arith.addi %scan3A_27, %scan3A_28 : i32
      %scan3A_30 = arith.constant 1 : i32
      scf.for %scan3A_77 = %scan3A_27 to %scan3A_29 step %scan3A_30  : i32 {
        %mul3A_78 = arith.constant 2 : i32
        %mul3A_79 = arith.muli %scan3A_77, %mul3A_78 : i32
        %add3A_80 = arith.constant 0 : i32
        %add3A_81 = arith.addi %mul3A_79, %add3A_80 : i32
        %add3A_82 = arith.constant 1 : i32
        %add3A_83 = arith.addi %add3A_81, %add3A_82 : i32
        %lt3A = arith.constant 48 : i32
        %lt3A_84 = arith.cmpi slt, %add3A_83, %lt3A : i32
        %convert_element_type3A_85 = arith.extui %lt3A_84 : i1 to i32
        %cond3A_86 = arith.constant 0 : i32
        %cond3A_87 = arith.cmpi ne, %convert_element_type3A_85, %cond3A_86 : i32
        scf.if %cond3A_87 {
          %add3A_113 = arith.constant 1 : i32
          %add3A_114 = arith.addi %add3A_81, %add3A_113 : i32
          %dma_start3A_115 = arith.constant 0 : i32
          %dma_start3A_116 = tpu.memref_slice %arg7[%add3A_114, %dma_start3A_115] : memref<48x128xi32, #tpu.memory_space<vmem>> -> memref<1x128xi32, #tpu.memory_space<vmem>>
          %dma_start3A_117 = tpu.memref_squeeze %dma_start3A_116 : memref<1x128xi32, #tpu.memory_space<vmem>> -> memref<128xi32, #tpu.memory_space<vmem>>
          %dma_start3A_118 = arith.constant 0 : i32
          %dma_start3A_119 = arith.constant 0 : i32
          %dma_start3A_120 = tpu.memref_slice %arg2[%dma_start3A_118, %dma_start3A_119] : memref<10000x128xf32, #tpu.memory_space<hbm>> -> memref<10000x128xf32, #tpu.memory_space<hbm>>
          tpu.enqueue_indirect_dma source(%dma_start3A_120 : memref<10000x128xf32, #tpu.memory_space<hbm>>) target(%arg10 : memref<128x128xf32, #tpu.memory_space<vmem>>) offsets(%dma_start3A_117 : memref<128xi32, #tpu.memory_space<vmem>>) semaphore(%arg11 : memref<!tpu.dma_semaphore, #tpu.memory_space<semaphore_mem>>)
        } else {
        }
        "tpu.region"() ({
          %run_scoped3A = tpu.sem_alloc : memref<!tpu.dma_semaphore, #tpu.memory_space<semaphore_mem>>
          %dma_start3A_113 = arith.constant 0 : i32
          %dma_start3A_114 = tpu.memref_slice %arg8[%add3A_81, %dma_start3A_113] : memref<48x128xi32, #tpu.memory_space<vmem>> -> memref<1x128xi32, #tpu.memory_space<vmem>>
          %dma_start3A_115 = tpu.memref_squeeze %dma_start3A_114 : memref<1x128xi32, #tpu.memory_space<vmem>> -> memref<128xi32, #tpu.memory_space<vmem>>
          %dma_start3A_116 = arith.constant 0 : i32
          %dma_start3A_117 = arith.constant 0 : i32
          %dma_start3A_118 = tpu.memref_slice %arg12[%dma_start3A_116, %dma_start3A_117] : memref<10112x128xf32, #tpu.memory_space<vmem_shared>> -> memref<10112x128xf32, #tpu.memory_space<vmem_shared>>
          tpu.enqueue_indirect_dma source(%arg9 : memref<128x128xf32, #tpu.memory_space<vmem>>) target(%dma_start3A_118 : memref<10112x128xf32, #tpu.memory_space<vmem_shared>>) offsets(%dma_start3A_115 : memref<128xi32, #tpu.memory_space<vmem>>) semaphore(%run_scoped3A : memref<!tpu.dma_semaphore, #tpu.memory_space<semaphore_mem>>) {add = true}
          %dma_wait3A_119 = arith.constant 0 : i32
          %dma_wait3A_120 = tpu.memref_slice %arg8[%add3A_81, %dma_wait3A_119] : memref<48x128xi32, #tpu.memory_space<vmem>> -> memref<1x128xi32, #tpu.memory_space<vmem>>
          %dma_wait3A_121 = tpu.memref_squeeze %dma_wait3A_120 : memref<1x128xi32, #tpu.memory_space<vmem>> -> memref<128xi32, #tpu.memory_space<vmem>>
          %dma_wait3A_122 = arith.constant 0 : i32
          %dma_wait3A_123 = arith.constant 0 : i32
          %dma_wait3A_124 = tpu.memref_slice %arg12[%dma_wait3A_122, %dma_wait3A_123] : memref<10112x128xf32, #tpu.memory_space<vmem_shared>> -> memref<10112x128xf32, #tpu.memory_space<vmem_shared>>
          tpu.wait_indirect_dma semaphore(%run_scoped3A : memref<!tpu.dma_semaphore, #tpu.memory_space<semaphore_mem>>) src(%arg9 : memref<128x128xf32, #tpu.memory_space<vmem>>) dst(%dma_wait3A_124 : memref<10112x128xf32, #tpu.memory_space<vmem_shared>>)
          tpu.yield
        }) : () -> ()
        %add3A_88 = arith.constant 1 : i32
        %add3A_89 = arith.addi %add3A_81, %add3A_88 : i32
        %lt3A_90 = arith.constant 48 : i32
        %lt3A_91 = arith.cmpi slt, %add3A_89, %lt3A_90 : i32
        %convert_element_type3A_92 = arith.extui %lt3A_91 : i1 to i32
        %cond3A_93 = arith.constant 0 : i32
        %cond3A_94 = arith.cmpi ne, %convert_element_type3A_92, %cond3A_93 : i32
        scf.if %cond3A_94 {
          %add3A_113 = arith.constant 1 : i32
          %add3A_114 = arith.addi %add3A_81, %add3A_113 : i32
          %dma_wait3A_115 = arith.constant 0 : i32
          %dma_wait3A_116 = tpu.memref_slice %arg7[%add3A_114, %dma_wait3A_115] : memref<48x128xi32, #tpu.memory_space<vmem>> -> memref<1x128xi32, #tpu.memory_space<vmem>>
          %dma_wait3A_117 = tpu.memref_squeeze %dma_wait3A_116 : memref<1x128xi32, #tpu.memory_space<vmem>> -> memref<128xi32, #tpu.memory_space<vmem>>
          %dma_wait3A_118 = arith.constant 0 : i32
          %dma_wait3A_119 = arith.constant 0 : i32
          %dma_wait3A_120 = tpu.memref_slice %arg2[%dma_wait3A_118, %dma_wait3A_119] : memref<10000x128xf32, #tpu.memory_space<hbm>> -> memref<10000x128xf32, #tpu.memory_space<hbm>>
          tpu.wait_indirect_dma semaphore(%arg11 : memref<!tpu.dma_semaphore, #tpu.memory_space<semaphore_mem>>) src(%dma_wait3A_120 : memref<10000x128xf32, #tpu.memory_space<hbm>>) dst(%arg10 : memref<128x128xf32, #tpu.memory_space<vmem>>)
        } else {
        }
        %mul3A_95 = arith.constant 2 : i32
        %mul3A_96 = arith.muli %scan3A_77, %mul3A_95 : i32
        %add3A_97 = arith.constant 1 : i32
        %add3A_98 = arith.addi %mul3A_96, %add3A_97 : i32
        %add3A_99 = arith.constant 1 : i32
        %add3A_100 = arith.addi %add3A_98, %add3A_99 : i32
        %lt3A_101 = arith.constant 48 : i32
        %lt3A_102 = arith.cmpi slt, %add3A_100, %lt3A_101 : i32
        %convert_element_type3A_103 = arith.extui %lt3A_102 : i1 to i32
        %cond3A_104 = arith.constant 0 : i32
        %cond3A_105 = arith.cmpi ne, %convert_element_type3A_103, %cond3A_104 : i32
        scf.if %cond3A_105 {
          %add3A_113 = arith.constant 1 : i32
          %add3A_114 = arith.addi %add3A_98, %add3A_113 : i32
          %dma_start3A_115 = arith.constant 0 : i32
          %dma_start3A_116 = tpu.memref_slice %arg7[%add3A_114, %dma_start3A_115] : memref<48x128xi32, #tpu.memory_space<vmem>> -> memref<1x128xi32, #tpu.memory_space<vmem>>
          %dma_start3A_117 = tpu.memref_squeeze %dma_start3A_116 : memref<1x128xi32, #tpu.memory_space<vmem>> -> memref<128xi32, #tpu.memory_space<vmem>>
          %dma_start3A_118 = arith.constant 0 : i32
          %dma_start3A_119 = arith.constant 0 : i32
          %dma_start3A_120 = tpu.memref_slice %arg2[%dma_start3A_118, %dma_start3A_119] : memref<10000x128xf32, #tpu.memory_space<hbm>> -> memref<10000x128xf32, #tpu.memory_space<hbm>>
          tpu.enqueue_indirect_dma source(%dma_start3A_120 : memref<10000x128xf32, #tpu.memory_space<hbm>>) target(%arg9 : memref<128x128xf32, #tpu.memory_space<vmem>>) offsets(%dma_start3A_117 : memref<128xi32, #tpu.memory_space<vmem>>) semaphore(%arg11 : memref<!tpu.dma_semaphore, #tpu.memory_space<semaphore_mem>>)
        } else {
        }
        "tpu.region"() ({
          %run_scoped3A = tpu.sem_alloc : memref<!tpu.dma_semaphore, #tpu.memory_space<semaphore_mem>>
          %dma_start3A_113 = arith.constant 0 : i32
          %dma_start3A_114 = tpu.memref_slice %arg8[%add3A_98, %dma_start3A_113] : memref<48x128xi32, #tpu.memory_space<vmem>> -> memref<1x128xi32, #tpu.memory_space<vmem>>
          %dma_start3A_115 = tpu.memref_squeeze %dma_start3A_114 : memref<1x128xi32, #tpu.memory_space<vmem>> -> memref<128xi32, #tpu.memory_space<vmem>>
          %dma_start3A_116 = arith.constant 0 : i32
          %dma_start3A_117 = arith.constant 0 : i32
          %dma_start3A_118 = tpu.memref_slice %arg12[%dma_start3A_116, %dma_start3A_117] : memref<10112x128xf32, #tpu.memory_space<vmem_shared>> -> memref<10112x128xf32, #tpu.memory_space<vmem_shared>>
          tpu.enqueue_indirect_dma source(%arg10 : memref<128x128xf32, #tpu.memory_space<vmem>>) target(%dma_start3A_118 : memref<10112x128xf32, #tpu.memory_space<vmem_shared>>) offsets(%dma_start3A_115 : memref<128xi32, #tpu.memory_space<vmem>>) semaphore(%run_scoped3A : memref<!tpu.dma_semaphore, #tpu.memory_space<semaphore_mem>>) {add = true}
          %dma_wait3A_119 = arith.constant 0 : i32
          %dma_wait3A_120 = tpu.memref_slice %arg8[%add3A_98, %dma_wait3A_119] : memref<48x128xi32, #tpu.memory_space<vmem>> -> memref<1x128xi32, #tpu.memory_space<vmem>>
          %dma_wait3A_121 = tpu.memref_squeeze %dma_wait3A_120 : memref<1x128xi32, #tpu.memory_space<vmem>> -> memref<128xi32, #tpu.memory_space<vmem>>
          %dma_wait3A_122 = arith.constant 0 : i32
          %dma_wait3A_123 = arith.constant 0 : i32
          %dma_wait3A_124 = tpu.memref_slice %arg12[%dma_wait3A_122, %dma_wait3A_123] : memref<10112x128xf32, #tpu.memory_space<vmem_shared>> -> memref<10112x128xf32, #tpu.memory_space<vmem_shared>>
          tpu.wait_indirect_dma semaphore(%run_scoped3A : memref<!tpu.dma_semaphore, #tpu.memory_space<semaphore_mem>>) src(%arg10 : memref<128x128xf32, #tpu.memory_space<vmem>>) dst(%dma_wait3A_124 : memref<10112x128xf32, #tpu.memory_space<vmem_shared>>)
          tpu.yield
        }) : () -> ()
        %add3A_106 = arith.constant 1 : i32
        %add3A_107 = arith.addi %add3A_98, %add3A_106 : i32
        %lt3A_108 = arith.constant 48 : i32
        %lt3A_109 = arith.cmpi slt, %add3A_107, %lt3A_108 : i32
        %convert_element_type3A_110 = arith.extui %lt3A_109 : i1 to i32
        %cond3A_111 = arith.constant 0 : i32
        %cond3A_112 = arith.cmpi ne, %convert_element_type3A_110, %cond3A_111 : i32
        scf.if %cond3A_112 {
          %add3A_113 = arith.constant 1 : i32
          %add3A_114 = arith.addi %add3A_98, %add3A_113 : i32
          %dma_wait3A_115 = arith.constant 0 : i32
          %dma_wait3A_116 = tpu.memref_slice %arg7[%add3A_114, %dma_wait3A_115] : memref<48x128xi32, #tpu.memory_space<vmem>> -> memref<1x128xi32, #tpu.memory_space<vmem>>
          %dma_wait3A_117 = tpu.memref_squeeze %dma_wait3A_116 : memref<1x128xi32, #tpu.memory_space<vmem>> -> memref<128xi32, #tpu.memory_space<vmem>>
          %dma_wait3A_118 = arith.constant 0 : i32
          %dma_wait3A_119 = arith.constant 0 : i32
          %dma_wait3A_120 = tpu.memref_slice %arg2[%dma_wait3A_118, %dma_wait3A_119] : memref<10000x128xf32, #tpu.memory_space<hbm>> -> memref<10000x128xf32, #tpu.memory_space<hbm>>
          tpu.wait_indirect_dma semaphore(%arg11 : memref<!tpu.dma_semaphore, #tpu.memory_space<semaphore_mem>>) src(%dma_wait3A_120 : memref<10000x128xf32, #tpu.memory_space<hbm>>) dst(%arg9 : memref<128x128xf32, #tpu.memory_space<vmem>>)
        } else {
        }
      }
      %scan3A_31 = arith.constant 24 : i32
      %add3A = arith.constant 48 : i32
      %add3A_32 = arith.addi %mul3A_14, %add3A : i32
      "tpu.region"() ({
        %run_scoped3A = tpu.sem_alloc : memref<!tpu.dma_semaphore, #tpu.memory_space<semaphore_mem>>
        %dma_start3A_77 = arith.constant 0 : i32
        %dma_start3A_78 = arith.constant 0 : i32
        %dma_start3A_79 = tpu.memref_slice %arg7[%dma_start3A_77, %dma_start3A_78] : memref<48x128xi32, #tpu.memory_space<vmem>> -> memref<48x128xi32, #tpu.memory_space<vmem>>
        %dma_start3A_80 = arith.constant 0 : i32
        %dma_start3A_81 = tpu.memref_slice %arg3[%add3A_32, %dma_start3A_80] : memref<2560x128xi32, #tpu.memory_space<hbm>> -> memref<48x128xi32, #tpu.memory_space<hbm>>
        %dma_start3A_82 = arith.constant 0 : i32
        %dma_start3A_83 = arith.constant 0 : i32
        %dma_start3A_84 = tpu.memref_slice %arg7[%dma_start3A_82, %dma_start3A_83] : memref<48x128xi32, #tpu.memory_space<vmem>> -> memref<48x128xi32, #tpu.memory_space<vmem>>
        %dma_start3A_85 = arith.constant 0 : i32
        %dma_start3A_86 = tpu.memref_slice %arg3[%add3A_32, %dma_start3A_85] : memref<2560x128xi32, #tpu.memory_space<hbm>> -> memref<48x128xi32, #tpu.memory_space<hbm>>
        tpu.enqueue_dma source(%dma_start3A_86 : memref<48x128xi32, #tpu.memory_space<hbm>>) target(%dma_start3A_84 : memref<48x128xi32, #tpu.memory_space<vmem>>) target_semaphore(%run_scoped3A : memref<!tpu.dma_semaphore, #tpu.memory_space<semaphore_mem>>)
        %dma_wait3A_87 = arith.constant 0 : i32
        %dma_wait3A_88 = arith.constant 0 : i32
        %dma_wait3A_89 = tpu.memref_slice %arg7[%dma_wait3A_87, %dma_wait3A_88] : memref<48x128xi32, #tpu.memory_space<vmem>> -> memref<48x128xi32, #tpu.memory_space<vmem>>
        %dma_wait3A_90 = arith.constant 0 : i32
        %dma_wait3A_91 = tpu.memref_slice %arg3[%add3A_32, %dma_wait3A_90] : memref<2560x128xi32, #tpu.memory_space<hbm>> -> memref<48x128xi32, #tpu.memory_space<hbm>>
        %dma_wait3A_92 = arith.constant 0 : i32
        %dma_wait3A_93 = arith.constant 0 : i32
        %dma_wait3A_94 = tpu.memref_slice %arg7[%dma_wait3A_92, %dma_wait3A_93] : memref<48x128xi32, #tpu.memory_space<vmem>> -> memref<48x128xi32, #tpu.memory_space<vmem>>
        %dma_wait3A_95 = arith.constant 0 : i32
        %dma_wait3A_96 = tpu.memref_slice %arg3[%add3A_32, %dma_wait3A_95] : memref<2560x128xi32, #tpu.memory_space<hbm>> -> memref<48x128xi32, #tpu.memory_space<hbm>>
        tpu.wait_dma2 semaphore(%run_scoped3A : memref<!tpu.dma_semaphore, #tpu.memory_space<semaphore_mem>>) src(%dma_wait3A_96 : memref<48x128xi32, #tpu.memory_space<hbm>>) dst(%dma_wait3A_94 : memref<48x128xi32, #tpu.memory_space<vmem>>)
        tpu.yield
      }) : () -> ()
      "tpu.region"() ({
        %run_scoped3A = tpu.sem_alloc : memref<!tpu.dma_semaphore, #tpu.memory_space<semaphore_mem>>
        %dma_start3A_77 = arith.constant 0 : i32
        %dma_start3A_78 = arith.constant 0 : i32
        %dma_start3A_79 = tpu.memref_slice %arg8[%dma_start3A_77, %dma_start3A_78] : memref<48x128xi32, #tpu.memory_space<vmem>> -> memref<48x128xi32, #tpu.memory_space<vmem>>
        %dma_start3A_80 = arith.constant 0 : i32
        %dma_start3A_81 = tpu.memref_slice %arg4[%add3A_32, %dma_start3A_80] : memref<2560x128xi32, #tpu.memory_space<hbm>> -> memref<48x128xi32, #tpu.memory_space<hbm>>
        %dma_start3A_82 = arith.constant 0 : i32
        %dma_start3A_83 = arith.constant 0 : i32
        %dma_start3A_84 = tpu.memref_slice %arg8[%dma_start3A_82, %dma_start3A_83] : memref<48x128xi32, #tpu.memory_space<vmem>> -> memref<48x128xi32, #tpu.memory_space<vmem>>
        %dma_start3A_85 = arith.constant 0 : i32
        %dma_start3A_86 = tpu.memref_slice %arg4[%add3A_32, %dma_start3A_85] : memref<2560x128xi32, #tpu.memory_space<hbm>> -> memref<48x128xi32, #tpu.memory_space<hbm>>
        tpu.enqueue_dma source(%dma_start3A_86 : memref<48x128xi32, #tpu.memory_space<hbm>>) target(%dma_start3A_84 : memref<48x128xi32, #tpu.memory_space<vmem>>) target_semaphore(%run_scoped3A : memref<!tpu.dma_semaphore, #tpu.memory_space<semaphore_mem>>)
        %dma_wait3A_87 = arith.constant 0 : i32
        %dma_wait3A_88 = arith.constant 0 : i32
        %dma_wait3A_89 = tpu.memref_slice %arg8[%dma_wait3A_87, %dma_wait3A_88] : memref<48x128xi32, #tpu.memory_space<vmem>> -> memref<48x128xi32, #tpu.memory_space<vmem>>
        %dma_wait3A_90 = arith.constant 0 : i32
        %dma_wait3A_91 = tpu.memref_slice %arg4[%add3A_32, %dma_wait3A_90] : memref<2560x128xi32, #tpu.memory_space<hbm>> -> memref<48x128xi32, #tpu.memory_space<hbm>>
        %dma_wait3A_92 = arith.constant 0 : i32
        %dma_wait3A_93 = arith.constant 0 : i32
        %dma_wait3A_94 = tpu.memref_slice %arg8[%dma_wait3A_92, %dma_wait3A_93] : memref<48x128xi32, #tpu.memory_space<vmem>> -> memref<48x128xi32, #tpu.memory_space<vmem>>
        %dma_wait3A_95 = arith.constant 0 : i32
        %dma_wait3A_96 = tpu.memref_slice %arg4[%add3A_32, %dma_wait3A_95] : memref<2560x128xi32, #tpu.memory_space<hbm>> -> memref<48x128xi32, #tpu.memory_space<hbm>>
        tpu.wait_dma2 semaphore(%run_scoped3A : memref<!tpu.dma_semaphore, #tpu.memory_space<semaphore_mem>>) src(%dma_wait3A_96 : memref<48x128xi32, #tpu.memory_space<hbm>>) dst(%dma_wait3A_94 : memref<48x128xi32, #tpu.memory_space<vmem>>)
        tpu.yield
      }) : () -> ()
      %dma_start3A_33 = arith.constant 0 : i32
      %dma_start3A_34 = arith.constant 0 : i32
      %dma_start3A_35 = tpu.memref_slice %arg7[%dma_start3A_33, %dma_start3A_34] : memref<48x128xi32, #tpu.memory_space<vmem>> -> memref<1x128xi32, #tpu.memory_space<vmem>>
      %dma_start3A_36 = tpu.memref_squeeze %dma_start3A_35 : memref<1x128xi32, #tpu.memory_space<vmem>> -> memref<128xi32, #tpu.memory_space<vmem>>
      %dma_start3A_37 = arith.constant 0 : i32
      %dma_start3A_38 = arith.constant 0 : i32
      %dma_start3A_39 = tpu.memref_slice %arg2[%dma_start3A_37, %dma_start3A_38] : memref<10000x128xf32, #tpu.memory_space<hbm>> -> memref<10000x128xf32, #tpu.memory_space<hbm>>
      tpu.enqueue_indirect_dma source(%dma_start3A_39 : memref<10000x128xf32, #tpu.memory_space<hbm>>) target(%arg9 : memref<128x128xf32, #tpu.memory_space<vmem>>) offsets(%dma_start3A_36 : memref<128xi32, #tpu.memory_space<vmem>>) semaphore(%arg11 : memref<!tpu.dma_semaphore, #tpu.memory_space<semaphore_mem>>)
      %dma_wait3A_40 = arith.constant 0 : i32
      %dma_wait3A_41 = arith.constant 0 : i32
      %dma_wait3A_42 = tpu.memref_slice %arg7[%dma_wait3A_40, %dma_wait3A_41] : memref<48x128xi32, #tpu.memory_space<vmem>> -> memref<1x128xi32, #tpu.memory_space<vmem>>
      %dma_wait3A_43 = tpu.memref_squeeze %dma_wait3A_42 : memref<1x128xi32, #tpu.memory_space<vmem>> -> memref<128xi32, #tpu.memory_space<vmem>>
      %dma_wait3A_44 = arith.constant 0 : i32
      %dma_wait3A_45 = arith.constant 0 : i32
      %dma_wait3A_46 = tpu.memref_slice %arg2[%dma_wait3A_44, %dma_wait3A_45] : memref<10000x128xf32, #tpu.memory_space<hbm>> -> memref<10000x128xf32, #tpu.memory_space<hbm>>
      tpu.wait_indirect_dma semaphore(%arg11 : memref<!tpu.dma_semaphore, #tpu.memory_space<semaphore_mem>>) src(%dma_wait3A_46 : memref<10000x128xf32, #tpu.memory_space<hbm>>) dst(%arg9 : memref<128x128xf32, #tpu.memory_space<vmem>>)
      %scan3A_47 = arith.constant 0 : i32
      %scan3A_48 = arith.constant 0 : i32
      %scan3A_49 = arith.constant 24 : i32
      %scan3A_50 = arith.addi %scan3A_48, %scan3A_49 : i32
      %scan3A_51 = arith.constant 1 : i32
      scf.for %scan3A_77 = %scan3A_48 to %scan3A_50 step %scan3A_51  : i32 {
        %mul3A_78 = arith.constant 2 : i32
        %mul3A_79 = arith.muli %scan3A_77, %mul3A_78 : i32
        %add3A_80 = arith.constant 0 : i32
        %add3A_81 = arith.addi %mul3A_79, %add3A_80 : i32
        %add3A_82 = arith.constant 1 : i32
        %add3A_83 = arith.addi %add3A_81, %add3A_82 : i32
        %lt3A = arith.constant 48 : i32
        %lt3A_84 = arith.cmpi slt, %add3A_83, %lt3A : i32
        %convert_element_type3A_85 = arith.extui %lt3A_84 : i1 to i32
        %cond3A_86 = arith.constant 0 : i32
        %cond3A_87 = arith.cmpi ne, %convert_element_type3A_85, %cond3A_86 : i32
        scf.if %cond3A_87 {
          %add3A_113 = arith.constant 1 : i32
          %add3A_114 = arith.addi %add3A_81, %add3A_113 : i32
          %dma_start3A_115 = arith.constant 0 : i32
          %dma_start3A_116 = tpu.memref_slice %arg7[%add3A_114, %dma_start3A_115] : memref<48x128xi32, #tpu.memory_space<vmem>> -> memref<1x128xi32, #tpu.memory_space<vmem>>
          %dma_start3A_117 = tpu.memref_squeeze %dma_start3A_116 : memref<1x128xi32, #tpu.memory_space<vmem>> -> memref<128xi32, #tpu.memory_space<vmem>>
          %dma_start3A_118 = arith.constant 0 : i32
          %dma_start3A_119 = arith.constant 0 : i32
          %dma_start3A_120 = tpu.memref_slice %arg2[%dma_start3A_118, %dma_start3A_119] : memref<10000x128xf32, #tpu.memory_space<hbm>> -> memref<10000x128xf32, #tpu.memory_space<hbm>>
          tpu.enqueue_indirect_dma source(%dma_start3A_120 : memref<10000x128xf32, #tpu.memory_space<hbm>>) target(%arg10 : memref<128x128xf32, #tpu.memory_space<vmem>>) offsets(%dma_start3A_117 : memref<128xi32, #tpu.memory_space<vmem>>) semaphore(%arg11 : memref<!tpu.dma_semaphore, #tpu.memory_space<semaphore_mem>>)
        } else {
        }
        "tpu.region"() ({
          %run_scoped3A = tpu.sem_alloc : memref<!tpu.dma_semaphore, #tpu.memory_space<semaphore_mem>>
          %dma_start3A_113 = arith.constant 0 : i32
          %dma_start3A_114 = tpu.memref_slice %arg8[%add3A_81, %dma_start3A_113] : memref<48x128xi32, #tpu.memory_space<vmem>> -> memref<1x128xi32, #tpu.memory_space<vmem>>
          %dma_start3A_115 = tpu.memref_squeeze %dma_start3A_114 : memref<1x128xi32, #tpu.memory_space<vmem>> -> memref<128xi32, #tpu.memory_space<vmem>>
          %dma_start3A_116 = arith.constant 0 : i32
          %dma_start3A_117 = arith.constant 0 : i32
          %dma_start3A_118 = tpu.memref_slice %arg12[%dma_start3A_116, %dma_start3A_117] : memref<10112x128xf32, #tpu.memory_space<vmem_shared>> -> memref<10112x128xf32, #tpu.memory_space<vmem_shared>>
          tpu.enqueue_indirect_dma source(%arg9 : memref<128x128xf32, #tpu.memory_space<vmem>>) target(%dma_start3A_118 : memref<10112x128xf32, #tpu.memory_space<vmem_shared>>) offsets(%dma_start3A_115 : memref<128xi32, #tpu.memory_space<vmem>>) semaphore(%run_scoped3A : memref<!tpu.dma_semaphore, #tpu.memory_space<semaphore_mem>>) {add = true}
          %dma_wait3A_119 = arith.constant 0 : i32
          %dma_wait3A_120 = tpu.memref_slice %arg8[%add3A_81, %dma_wait3A_119] : memref<48x128xi32, #tpu.memory_space<vmem>> -> memref<1x128xi32, #tpu.memory_space<vmem>>
          %dma_wait3A_121 = tpu.memref_squeeze %dma_wait3A_120 : memref<1x128xi32, #tpu.memory_space<vmem>> -> memref<128xi32, #tpu.memory_space<vmem>>
          %dma_wait3A_122 = arith.constant 0 : i32
          %dma_wait3A_123 = arith.constant 0 : i32
          %dma_wait3A_124 = tpu.memref_slice %arg12[%dma_wait3A_122, %dma_wait3A_123] : memref<10112x128xf32, #tpu.memory_space<vmem_shared>> -> memref<10112x128xf32, #tpu.memory_space<vmem_shared>>
          tpu.wait_indirect_dma semaphore(%run_scoped3A : memref<!tpu.dma_semaphore, #tpu.memory_space<semaphore_mem>>) src(%arg9 : memref<128x128xf32, #tpu.memory_space<vmem>>) dst(%dma_wait3A_124 : memref<10112x128xf32, #tpu.memory_space<vmem_shared>>)
          tpu.yield
        }) : () -> ()
        %add3A_88 = arith.constant 1 : i32
        %add3A_89 = arith.addi %add3A_81, %add3A_88 : i32
        %lt3A_90 = arith.constant 48 : i32
        %lt3A_91 = arith.cmpi slt, %add3A_89, %lt3A_90 : i32
        %convert_element_type3A_92 = arith.extui %lt3A_91 : i1 to i32
        %cond3A_93 = arith.constant 0 : i32
        %cond3A_94 = arith.cmpi ne, %convert_element_type3A_92, %cond3A_93 : i32
        scf.if %cond3A_94 {
          %add3A_113 = arith.constant 1 : i32
          %add3A_114 = arith.addi %add3A_81, %add3A_113 : i32
          %dma_wait3A_115 = arith.constant 0 : i32
          %dma_wait3A_116 = tpu.memref_slice %arg7[%add3A_114, %dma_wait3A_115] : memref<48x128xi32, #tpu.memory_space<vmem>> -> memref<1x128xi32, #tpu.memory_space<vmem>>
          %dma_wait3A_117 = tpu.memref_squeeze %dma_wait3A_116 : memref<1x128xi32, #tpu.memory_space<vmem>> -> memref<128xi32, #tpu.memory_space<vmem>>
          %dma_wait3A_118 = arith.constant 0 : i32
          %dma_wait3A_119 = arith.constant 0 : i32
          %dma_wait3A_120 = tpu.memref_slice %arg2[%dma_wait3A_118, %dma_wait3A_119] : memref<10000x128xf32, #tpu.memory_space<hbm>> -> memref<10000x128xf32, #tpu.memory_space<hbm>>
          tpu.wait_indirect_dma semaphore(%arg11 : memref<!tpu.dma_semaphore, #tpu.memory_space<semaphore_mem>>) src(%dma_wait3A_120 : memref<10000x128xf32, #tpu.memory_space<hbm>>) dst(%arg10 : memref<128x128xf32, #tpu.memory_space<vmem>>)
        } else {
        }
        %mul3A_95 = arith.constant 2 : i32
        %mul3A_96 = arith.muli %scan3A_77, %mul3A_95 : i32
        %add3A_97 = arith.constant 1 : i32
        %add3A_98 = arith.addi %mul3A_96, %add3A_97 : i32
        %add3A_99 = arith.constant 1 : i32
        %add3A_100 = arith.addi %add3A_98, %add3A_99 : i32
        %lt3A_101 = arith.constant 48 : i32
        %lt3A_102 = arith.cmpi slt, %add3A_100, %lt3A_101 : i32
        %convert_element_type3A_103 = arith.extui %lt3A_102 : i1 to i32
        %cond3A_104 = arith.constant 0 : i32
        %cond3A_105 = arith.cmpi ne, %convert_element_type3A_103, %cond3A_104 : i32
        scf.if %cond3A_105 {
          %add3A_113 = arith.constant 1 : i32
          %add3A_114 = arith.addi %add3A_98, %add3A_113 : i32
          %dma_start3A_115 = arith.constant 0 : i32
          %dma_start3A_116 = tpu.memref_slice %arg7[%add3A_114, %dma_start3A_115] : memref<48x128xi32, #tpu.memory_space<vmem>> -> memref<1x128xi32, #tpu.memory_space<vmem>>
          %dma_start3A_117 = tpu.memref_squeeze %dma_start3A_116 : memref<1x128xi32, #tpu.memory_space<vmem>> -> memref<128xi32, #tpu.memory_space<vmem>>
          %dma_start3A_118 = arith.constant 0 : i32
          %dma_start3A_119 = arith.constant 0 : i32
          %dma_start3A_120 = tpu.memref_slice %arg2[%dma_start3A_118, %dma_start3A_119] : memref<10000x128xf32, #tpu.memory_space<hbm>> -> memref<10000x128xf32, #tpu.memory_space<hbm>>
          tpu.enqueue_indirect_dma source(%dma_start3A_120 : memref<10000x128xf32, #tpu.memory_space<hbm>>) target(%arg9 : memref<128x128xf32, #tpu.memory_space<vmem>>) offsets(%dma_start3A_117 : memref<128xi32, #tpu.memory_space<vmem>>) semaphore(%arg11 : memref<!tpu.dma_semaphore, #tpu.memory_space<semaphore_mem>>)
        } else {
        }
        "tpu.region"() ({
          %run_scoped3A = tpu.sem_alloc : memref<!tpu.dma_semaphore, #tpu.memory_space<semaphore_mem>>
          %dma_start3A_113 = arith.constant 0 : i32
          %dma_start3A_114 = tpu.memref_slice %arg8[%add3A_98, %dma_start3A_113] : memref<48x128xi32, #tpu.memory_space<vmem>> -> memref<1x128xi32, #tpu.memory_space<vmem>>
          %dma_start3A_115 = tpu.memref_squeeze %dma_start3A_114 : memref<1x128xi32, #tpu.memory_space<vmem>> -> memref<128xi32, #tpu.memory_space<vmem>>
          %dma_start3A_116 = arith.constant 0 : i32
          %dma_start3A_117 = arith.constant 0 : i32
          %dma_start3A_118 = tpu.memref_slice %arg12[%dma_start3A_116, %dma_start3A_117] : memref<10112x128xf32, #tpu.memory_space<vmem_shared>> -> memref<10112x128xf32, #tpu.memory_space<vmem_shared>>
          tpu.enqueue_indirect_dma source(%arg10 : memref<128x128xf32, #tpu.memory_space<vmem>>) target(%dma_start3A_118 : memref<10112x128xf32, #tpu.memory_space<vmem_shared>>) offsets(%dma_start3A_115 : memref<128xi32, #tpu.memory_space<vmem>>) semaphore(%run_scoped3A : memref<!tpu.dma_semaphore, #tpu.memory_space<semaphore_mem>>) {add = true}
          %dma_wait3A_119 = arith.constant 0 : i32
          %dma_wait3A_120 = tpu.memref_slice %arg8[%add3A_98, %dma_wait3A_119] : memref<48x128xi32, #tpu.memory_space<vmem>> -> memref<1x128xi32, #tpu.memory_space<vmem>>
          %dma_wait3A_121 = tpu.memref_squeeze %dma_wait3A_120 : memref<1x128xi32, #tpu.memory_space<vmem>> -> memref<128xi32, #tpu.memory_space<vmem>>
          %dma_wait3A_122 = arith.constant 0 : i32
          %dma_wait3A_123 = arith.constant 0 : i32
          %dma_wait3A_124 = tpu.memref_slice %arg12[%dma_wait3A_122, %dma_wait3A_123] : memref<10112x128xf32, #tpu.memory_space<vmem_shared>> -> memref<10112x128xf32, #tpu.memory_space<vmem_shared>>
          tpu.wait_indirect_dma semaphore(%run_scoped3A : memref<!tpu.dma_semaphore, #tpu.memory_space<semaphore_mem>>) src(%arg10 : memref<128x128xf32, #tpu.memory_space<vmem>>) dst(%dma_wait3A_124 : memref<10112x128xf32, #tpu.memory_space<vmem_shared>>)
          tpu.yield
        }) : () -> ()
        %add3A_106 = arith.constant 1 : i32
        %add3A_107 = arith.addi %add3A_98, %add3A_106 : i32
        %lt3A_108 = arith.constant 48 : i32
        %lt3A_109 = arith.cmpi slt, %add3A_107, %lt3A_108 : i32
        %convert_element_type3A_110 = arith.extui %lt3A_109 : i1 to i32
        %cond3A_111 = arith.constant 0 : i32
        %cond3A_112 = arith.cmpi ne, %convert_element_type3A_110, %cond3A_111 : i32
        scf.if %cond3A_112 {
          %add3A_113 = arith.constant 1 : i32
          %add3A_114 = arith.addi %add3A_98, %add3A_113 : i32
          %dma_wait3A_115 = arith.constant 0 : i32
          %dma_wait3A_116 = tpu.memref_slice %arg7[%add3A_114, %dma_wait3A_115] : memref<48x128xi32, #tpu.memory_space<vmem>> -> memref<1x128xi32, #tpu.memory_space<vmem>>
          %dma_wait3A_117 = tpu.memref_squeeze %dma_wait3A_116 : memref<1x128xi32, #tpu.memory_space<vmem>> -> memref<128xi32, #tpu.memory_space<vmem>>
          %dma_wait3A_118 = arith.constant 0 : i32
          %dma_wait3A_119 = arith.constant 0 : i32
          %dma_wait3A_120 = tpu.memref_slice %arg2[%dma_wait3A_118, %dma_wait3A_119] : memref<10000x128xf32, #tpu.memory_space<hbm>> -> memref<10000x128xf32, #tpu.memory_space<hbm>>
          tpu.wait_indirect_dma semaphore(%arg11 : memref<!tpu.dma_semaphore, #tpu.memory_space<semaphore_mem>>) src(%dma_wait3A_120 : memref<10000x128xf32, #tpu.memory_space<hbm>>) dst(%arg9 : memref<128x128xf32, #tpu.memory_space<vmem>>)
        } else {
        }
      }
      %scan3A_52 = arith.constant 24 : i32
      %add3A_53 = arith.constant 48 : i32
      %add3A_54 = arith.addi %add3A_32, %add3A_53 : i32
      "tpu.region"() ({
        %run_scoped3A = tpu.sem_alloc : memref<!tpu.dma_semaphore, #tpu.memory_space<semaphore_mem>>
        %dma_start3A_77 = arith.constant 0 : i32
        %dma_start3A_78 = arith.constant 0 : i32
        %dma_start3A_79 = tpu.memref_slice %arg7[%dma_start3A_77, %dma_start3A_78] : memref<48x128xi32, #tpu.memory_space<vmem>> -> memref<48x128xi32, #tpu.memory_space<vmem>>
        %dma_start3A_80 = arith.constant 0 : i32
        %dma_start3A_81 = tpu.memref_slice %arg3[%add3A_54, %dma_start3A_80] : memref<2560x128xi32, #tpu.memory_space<hbm>> -> memref<48x128xi32, #tpu.memory_space<hbm>>
        %dma_start3A_82 = arith.constant 0 : i32
        %dma_start3A_83 = arith.constant 0 : i32
        %dma_start3A_84 = tpu.memref_slice %arg7[%dma_start3A_82, %dma_start3A_83] : memref<48x128xi32, #tpu.memory_space<vmem>> -> memref<48x128xi32, #tpu.memory_space<vmem>>
        %dma_start3A_85 = arith.constant 0 : i32
        %dma_start3A_86 = tpu.memref_slice %arg3[%add3A_54, %dma_start3A_85] : memref<2560x128xi32, #tpu.memory_space<hbm>> -> memref<48x128xi32, #tpu.memory_space<hbm>>
        tpu.enqueue_dma source(%dma_start3A_86 : memref<48x128xi32, #tpu.memory_space<hbm>>) target(%dma_start3A_84 : memref<48x128xi32, #tpu.memory_space<vmem>>) target_semaphore(%run_scoped3A : memref<!tpu.dma_semaphore, #tpu.memory_space<semaphore_mem>>)
        %dma_wait3A_87 = arith.constant 0 : i32
        %dma_wait3A_88 = arith.constant 0 : i32
        %dma_wait3A_89 = tpu.memref_slice %arg7[%dma_wait3A_87, %dma_wait3A_88] : memref<48x128xi32, #tpu.memory_space<vmem>> -> memref<48x128xi32, #tpu.memory_space<vmem>>
        %dma_wait3A_90 = arith.constant 0 : i32
        %dma_wait3A_91 = tpu.memref_slice %arg3[%add3A_54, %dma_wait3A_90] : memref<2560x128xi32, #tpu.memory_space<hbm>> -> memref<48x128xi32, #tpu.memory_space<hbm>>
        %dma_wait3A_92 = arith.constant 0 : i32
        %dma_wait3A_93 = arith.constant 0 : i32
        %dma_wait3A_94 = tpu.memref_slice %arg7[%dma_wait3A_92, %dma_wait3A_93] : memref<48x128xi32, #tpu.memory_space<vmem>> -> memref<48x128xi32, #tpu.memory_space<vmem>>
        %dma_wait3A_95 = arith.constant 0 : i32
        %dma_wait3A_96 = tpu.memref_slice %arg3[%add3A_54, %dma_wait3A_95] : memref<2560x128xi32, #tpu.memory_space<hbm>> -> memref<48x128xi32, #tpu.memory_space<hbm>>
        tpu.wait_dma2 semaphore(%run_scoped3A : memref<!tpu.dma_semaphore, #tpu.memory_space<semaphore_mem>>) src(%dma_wait3A_96 : memref<48x128xi32, #tpu.memory_space<hbm>>) dst(%dma_wait3A_94 : memref<48x128xi32, #tpu.memory_space<vmem>>)
        tpu.yield
      }) : () -> ()
      "tpu.region"() ({
        %run_scoped3A = tpu.sem_alloc : memref<!tpu.dma_semaphore, #tpu.memory_space<semaphore_mem>>
        %dma_start3A_77 = arith.constant 0 : i32
        %dma_start3A_78 = arith.constant 0 : i32
        %dma_start3A_79 = tpu.memref_slice %arg8[%dma_start3A_77, %dma_start3A_78] : memref<48x128xi32, #tpu.memory_space<vmem>> -> memref<48x128xi32, #tpu.memory_space<vmem>>
        %dma_start3A_80 = arith.constant 0 : i32
        %dma_start3A_81 = tpu.memref_slice %arg4[%add3A_54, %dma_start3A_80] : memref<2560x128xi32, #tpu.memory_space<hbm>> -> memref<48x128xi32, #tpu.memory_space<hbm>>
        %dma_start3A_82 = arith.constant 0 : i32
        %dma_start3A_83 = arith.constant 0 : i32
        %dma_start3A_84 = tpu.memref_slice %arg8[%dma_start3A_82, %dma_start3A_83] : memref<48x128xi32, #tpu.memory_space<vmem>> -> memref<48x128xi32, #tpu.memory_space<vmem>>
        %dma_start3A_85 = arith.constant 0 : i32
        %dma_start3A_86 = tpu.memref_slice %arg4[%add3A_54, %dma_start3A_85] : memref<2560x128xi32, #tpu.memory_space<hbm>> -> memref<48x128xi32, #tpu.memory_space<hbm>>
        tpu.enqueue_dma source(%dma_start3A_86 : memref<48x128xi32, #tpu.memory_space<hbm>>) target(%dma_start3A_84 : memref<48x128xi32, #tpu.memory_space<vmem>>) target_semaphore(%run_scoped3A : memref<!tpu.dma_semaphore, #tpu.memory_space<semaphore_mem>>)
        %dma_wait3A_87 = arith.constant 0 : i32
        %dma_wait3A_88 = arith.constant 0 : i32
        %dma_wait3A_89 = tpu.memref_slice %arg8[%dma_wait3A_87, %dma_wait3A_88] : memref<48x128xi32, #tpu.memory_space<vmem>> -> memref<48x128xi32, #tpu.memory_space<vmem>>
        %dma_wait3A_90 = arith.constant 0 : i32
        %dma_wait3A_91 = tpu.memref_slice %arg4[%add3A_54, %dma_wait3A_90] : memref<2560x128xi32, #tpu.memory_space<hbm>> -> memref<48x128xi32, #tpu.memory_space<hbm>>
        %dma_wait3A_92 = arith.constant 0 : i32
        %dma_wait3A_93 = arith.constant 0 : i32
        %dma_wait3A_94 = tpu.memref_slice %arg8[%dma_wait3A_92, %dma_wait3A_93] : memref<48x128xi32, #tpu.memory_space<vmem>> -> memref<48x128xi32, #tpu.memory_space<vmem>>
        %dma_wait3A_95 = arith.constant 0 : i32
        %dma_wait3A_96 = tpu.memref_slice %arg4[%add3A_54, %dma_wait3A_95] : memref<2560x128xi32, #tpu.memory_space<hbm>> -> memref<48x128xi32, #tpu.memory_space<hbm>>
        tpu.wait_dma2 semaphore(%run_scoped3A : memref<!tpu.dma_semaphore, #tpu.memory_space<semaphore_mem>>) src(%dma_wait3A_96 : memref<48x128xi32, #tpu.memory_space<hbm>>) dst(%dma_wait3A_94 : memref<48x128xi32, #tpu.memory_space<vmem>>)
        tpu.yield
      }) : () -> ()
      %dma_start3A_55 = arith.constant 0 : i32
      %dma_start3A_56 = arith.constant 0 : i32
      %dma_start3A_57 = tpu.memref_slice %arg7[%dma_start3A_55, %dma_start3A_56] : memref<48x128xi32, #tpu.memory_space<vmem>> -> memref<1x128xi32, #tpu.memory_space<vmem>>
      %dma_start3A_58 = tpu.memref_squeeze %dma_start3A_57 : memref<1x128xi32, #tpu.memory_space<vmem>> -> memref<128xi32, #tpu.memory_space<vmem>>
      %dma_start3A_59 = arith.constant 0 : i32
      %dma_start3A_60 = arith.constant 0 : i32
      %dma_start3A_61 = tpu.memref_slice %arg2[%dma_start3A_59, %dma_start3A_60] : memref<10000x128xf32, #tpu.memory_space<hbm>> -> memref<10000x128xf32, #tpu.memory_space<hbm>>
      tpu.enqueue_indirect_dma source(%dma_start3A_61 : memref<10000x128xf32, #tpu.memory_space<hbm>>) target(%arg9 : memref<128x128xf32, #tpu.memory_space<vmem>>) offsets(%dma_start3A_58 : memref<128xi32, #tpu.memory_space<vmem>>) semaphore(%arg11 : memref<!tpu.dma_semaphore, #tpu.memory_space<semaphore_mem>>)
      %dma_wait3A_62 = arith.constant 0 : i32
      %dma_wait3A_63 = arith.constant 0 : i32
      %dma_wait3A_64 = tpu.memref_slice %arg7[%dma_wait3A_62, %dma_wait3A_63] : memref<48x128xi32, #tpu.memory_space<vmem>> -> memref<1x128xi32, #tpu.memory_space<vmem>>
      %dma_wait3A_65 = tpu.memref_squeeze %dma_wait3A_64 : memref<1x128xi32, #tpu.memory_space<vmem>> -> memref<128xi32, #tpu.memory_space<vmem>>
      %dma_wait3A_66 = arith.constant 0 : i32
      %dma_wait3A_67 = arith.constant 0 : i32
      %dma_wait3A_68 = tpu.memref_slice %arg2[%dma_wait3A_66, %dma_wait3A_67] : memref<10000x128xf32, #tpu.memory_space<hbm>> -> memref<10000x128xf32, #tpu.memory_space<hbm>>
      tpu.wait_indirect_dma semaphore(%arg11 : memref<!tpu.dma_semaphore, #tpu.memory_space<semaphore_mem>>) src(%dma_wait3A_68 : memref<10000x128xf32, #tpu.memory_space<hbm>>) dst(%arg9 : memref<128x128xf32, #tpu.memory_space<vmem>>)
      %scan3A_69 = arith.constant 0 : i32
      %scan3A_70 = arith.constant 0 : i32
      %scan3A_71 = arith.constant 24 : i32
      %scan3A_72 = arith.addi %scan3A_70, %scan3A_71 : i32
      %scan3A_73 = arith.constant 1 : i32
      scf.for %scan3A_77 = %scan3A_70 to %scan3A_72 step %scan3A_73  : i32 {
        %mul3A_78 = arith.constant 2 : i32
        %mul3A_79 = arith.muli %scan3A_77, %mul3A_78 : i32
        %add3A_80 = arith.constant 0 : i32
        %add3A_81 = arith.addi %mul3A_79, %add3A_80 : i32
        %add3A_82 = arith.constant 1 : i32
        %add3A_83 = arith.addi %add3A_81, %add3A_82 : i32
        %lt3A = arith.constant 48 : i32
        %lt3A_84 = arith.cmpi slt, %add3A_83, %lt3A : i32
        %convert_element_type3A_85 = arith.extui %lt3A_84 : i1 to i32
        %cond3A_86 = arith.constant 0 : i32
        %cond3A_87 = arith.cmpi ne, %convert_element_type3A_85, %cond3A_86 : i32
        scf.if %cond3A_87 {
          %add3A_113 = arith.constant 1 : i32
          %add3A_114 = arith.addi %add3A_81, %add3A_113 : i32
          %dma_start3A_115 = arith.constant 0 : i32
          %dma_start3A_116 = tpu.memref_slice %arg7[%add3A_114, %dma_start3A_115] : memref<48x128xi32, #tpu.memory_space<vmem>> -> memref<1x128xi32, #tpu.memory_space<vmem>>
          %dma_start3A_117 = tpu.memref_squeeze %dma_start3A_116 : memref<1x128xi32, #tpu.memory_space<vmem>> -> memref<128xi32, #tpu.memory_space<vmem>>
          %dma_start3A_118 = arith.constant 0 : i32
          %dma_start3A_119 = arith.constant 0 : i32
          %dma_start3A_120 = tpu.memref_slice %arg2[%dma_start3A_118, %dma_start3A_119] : memref<10000x128xf32, #tpu.memory_space<hbm>> -> memref<10000x128xf32, #tpu.memory_space<hbm>>
          tpu.enqueue_indirect_dma source(%dma_start3A_120 : memref<10000x128xf32, #tpu.memory_space<hbm>>) target(%arg10 : memref<128x128xf32, #tpu.memory_space<vmem>>) offsets(%dma_start3A_117 : memref<128xi32, #tpu.memory_space<vmem>>) semaphore(%arg11 : memref<!tpu.dma_semaphore, #tpu.memory_space<semaphore_mem>>)
        } else {
        }
        "tpu.region"() ({
          %run_scoped3A = tpu.sem_alloc : memref<!tpu.dma_semaphore, #tpu.memory_space<semaphore_mem>>
          %dma_start3A_113 = arith.constant 0 : i32
          %dma_start3A_114 = tpu.memref_slice %arg8[%add3A_81, %dma_start3A_113] : memref<48x128xi32, #tpu.memory_space<vmem>> -> memref<1x128xi32, #tpu.memory_space<vmem>>
          %dma_start3A_115 = tpu.memref_squeeze %dma_start3A_114 : memref<1x128xi32, #tpu.memory_space<vmem>> -> memref<128xi32, #tpu.memory_space<vmem>>
          %dma_start3A_116 = arith.constant 0 : i32
          %dma_start3A_117 = arith.constant 0 : i32
          %dma_start3A_118 = tpu.memref_slice %arg12[%dma_start3A_116, %dma_start3A_117] : memref<10112x128xf32, #tpu.memory_space<vmem_shared>> -> memref<10112x128xf32, #tpu.memory_space<vmem_shared>>
          tpu.enqueue_indirect_dma source(%arg9 : memref<128x128xf32, #tpu.memory_space<vmem>>) target(%dma_start3A_118 : memref<10112x128xf32, #tpu.memory_space<vmem_shared>>) offsets(%dma_start3A_115 : memref<128xi32, #tpu.memory_space<vmem>>) semaphore(%run_scoped3A : memref<!tpu.dma_semaphore, #tpu.memory_space<semaphore_mem>>) {add = true}
          %dma_wait3A_119 = arith.constant 0 : i32
          %dma_wait3A_120 = tpu.memref_slice %arg8[%add3A_81, %dma_wait3A_119] : memref<48x128xi32, #tpu.memory_space<vmem>> -> memref<1x128xi32, #tpu.memory_space<vmem>>
          %dma_wait3A_121 = tpu.memref_squeeze %dma_wait3A_120 : memref<1x128xi32, #tpu.memory_space<vmem>> -> memref<128xi32, #tpu.memory_space<vmem>>
          %dma_wait3A_122 = arith.constant 0 : i32
          %dma_wait3A_123 = arith.constant 0 : i32
          %dma_wait3A_124 = tpu.memref_slice %arg12[%dma_wait3A_122, %dma_wait3A_123] : memref<10112x128xf32, #tpu.memory_space<vmem_shared>> -> memref<10112x128xf32, #tpu.memory_space<vmem_shared>>
          tpu.wait_indirect_dma semaphore(%run_scoped3A : memref<!tpu.dma_semaphore, #tpu.memory_space<semaphore_mem>>) src(%arg9 : memref<128x128xf32, #tpu.memory_space<vmem>>) dst(%dma_wait3A_124 : memref<10112x128xf32, #tpu.memory_space<vmem_shared>>)
          tpu.yield
        }) : () -> ()
        %add3A_88 = arith.constant 1 : i32
        %add3A_89 = arith.addi %add3A_81, %add3A_88 : i32
        %lt3A_90 = arith.constant 48 : i32
        %lt3A_91 = arith.cmpi slt, %add3A_89, %lt3A_90 : i32
        %convert_element_type3A_92 = arith.extui %lt3A_91 : i1 to i32
        %cond3A_93 = arith.constant 0 : i32
        %cond3A_94 = arith.cmpi ne, %convert_element_type3A_92, %cond3A_93 : i32
        scf.if %cond3A_94 {
          %add3A_113 = arith.constant 1 : i32
          %add3A_114 = arith.addi %add3A_81, %add3A_113 : i32
          %dma_wait3A_115 = arith.constant 0 : i32
          %dma_wait3A_116 = tpu.memref_slice %arg7[%add3A_114, %dma_wait3A_115] : memref<48x128xi32, #tpu.memory_space<vmem>> -> memref<1x128xi32, #tpu.memory_space<vmem>>
          %dma_wait3A_117 = tpu.memref_squeeze %dma_wait3A_116 : memref<1x128xi32, #tpu.memory_space<vmem>> -> memref<128xi32, #tpu.memory_space<vmem>>
          %dma_wait3A_118 = arith.constant 0 : i32
          %dma_wait3A_119 = arith.constant 0 : i32
          %dma_wait3A_120 = tpu.memref_slice %arg2[%dma_wait3A_118, %dma_wait3A_119] : memref<10000x128xf32, #tpu.memory_space<hbm>> -> memref<10000x128xf32, #tpu.memory_space<hbm>>
          tpu.wait_indirect_dma semaphore(%arg11 : memref<!tpu.dma_semaphore, #tpu.memory_space<semaphore_mem>>) src(%dma_wait3A_120 : memref<10000x128xf32, #tpu.memory_space<hbm>>) dst(%arg10 : memref<128x128xf32, #tpu.memory_space<vmem>>)
        } else {
        }
        %mul3A_95 = arith.constant 2 : i32
        %mul3A_96 = arith.muli %scan3A_77, %mul3A_95 : i32
        %add3A_97 = arith.constant 1 : i32
        %add3A_98 = arith.addi %mul3A_96, %add3A_97 : i32
        %add3A_99 = arith.constant 1 : i32
        %add3A_100 = arith.addi %add3A_98, %add3A_99 : i32
        %lt3A_101 = arith.constant 48 : i32
        %lt3A_102 = arith.cmpi slt, %add3A_100, %lt3A_101 : i32
        %convert_element_type3A_103 = arith.extui %lt3A_102 : i1 to i32
        %cond3A_104 = arith.constant 0 : i32
        %cond3A_105 = arith.cmpi ne, %convert_element_type3A_103, %cond3A_104 : i32
        scf.if %cond3A_105 {
          %add3A_113 = arith.constant 1 : i32
          %add3A_114 = arith.addi %add3A_98, %add3A_113 : i32
          %dma_start3A_115 = arith.constant 0 : i32
          %dma_start3A_116 = tpu.memref_slice %arg7[%add3A_114, %dma_start3A_115] : memref<48x128xi32, #tpu.memory_space<vmem>> -> memref<1x128xi32, #tpu.memory_space<vmem>>
          %dma_start3A_117 = tpu.memref_squeeze %dma_start3A_116 : memref<1x128xi32, #tpu.memory_space<vmem>> -> memref<128xi32, #tpu.memory_space<vmem>>
          %dma_start3A_118 = arith.constant 0 : i32
          %dma_start3A_119 = arith.constant 0 : i32
          %dma_start3A_120 = tpu.memref_slice %arg2[%dma_start3A_118, %dma_start3A_119] : memref<10000x128xf32, #tpu.memory_space<hbm>> -> memref<10000x128xf32, #tpu.memory_space<hbm>>
          tpu.enqueue_indirect_dma source(%dma_start3A_120 : memref<10000x128xf32, #tpu.memory_space<hbm>>) target(%arg9 : memref<128x128xf32, #tpu.memory_space<vmem>>) offsets(%dma_start3A_117 : memref<128xi32, #tpu.memory_space<vmem>>) semaphore(%arg11 : memref<!tpu.dma_semaphore, #tpu.memory_space<semaphore_mem>>)
        } else {
        }
        "tpu.region"() ({
          %run_scoped3A = tpu.sem_alloc : memref<!tpu.dma_semaphore, #tpu.memory_space<semaphore_mem>>
          %dma_start3A_113 = arith.constant 0 : i32
          %dma_start3A_114 = tpu.memref_slice %arg8[%add3A_98, %dma_start3A_113] : memref<48x128xi32, #tpu.memory_space<vmem>> -> memref<1x128xi32, #tpu.memory_space<vmem>>
          %dma_start3A_115 = tpu.memref_squeeze %dma_start3A_114 : memref<1x128xi32, #tpu.memory_space<vmem>> -> memref<128xi32, #tpu.memory_space<vmem>>
          %dma_start3A_116 = arith.constant 0 : i32
          %dma_start3A_117 = arith.constant 0 : i32
          %dma_start3A_118 = tpu.memref_slice %arg12[%dma_start3A_116, %dma_start3A_117] : memref<10112x128xf32, #tpu.memory_space<vmem_shared>> -> memref<10112x128xf32, #tpu.memory_space<vmem_shared>>
          tpu.enqueue_indirect_dma source(%arg10 : memref<128x128xf32, #tpu.memory_space<vmem>>) target(%dma_start3A_118 : memref<10112x128xf32, #tpu.memory_space<vmem_shared>>) offsets(%dma_start3A_115 : memref<128xi32, #tpu.memory_space<vmem>>) semaphore(%run_scoped3A : memref<!tpu.dma_semaphore, #tpu.memory_space<semaphore_mem>>) {add = true}
          %dma_wait3A_119 = arith.constant 0 : i32
          %dma_wait3A_120 = tpu.memref_slice %arg8[%add3A_98, %dma_wait3A_119] : memref<48x128xi32, #tpu.memory_space<vmem>> -> memref<1x128xi32, #tpu.memory_space<vmem>>
          %dma_wait3A_121 = tpu.memref_squeeze %dma_wait3A_120 : memref<1x128xi32, #tpu.memory_space<vmem>> -> memref<128xi32, #tpu.memory_space<vmem>>
          %dma_wait3A_122 = arith.constant 0 : i32
          %dma_wait3A_123 = arith.constant 0 : i32
          %dma_wait3A_124 = tpu.memref_slice %arg12[%dma_wait3A_122, %dma_wait3A_123] : memref<10112x128xf32, #tpu.memory_space<vmem_shared>> -> memref<10112x128xf32, #tpu.memory_space<vmem_shared>>
          tpu.wait_indirect_dma semaphore(%run_scoped3A : memref<!tpu.dma_semaphore, #tpu.memory_space<semaphore_mem>>) src(%arg10 : memref<128x128xf32, #tpu.memory_space<vmem>>) dst(%dma_wait3A_124 : memref<10112x128xf32, #tpu.memory_space<vmem_shared>>)
          tpu.yield
        }) : () -> ()
        %add3A_106 = arith.constant 1 : i32
        %add3A_107 = arith.addi %add3A_98, %add3A_106 : i32
        %lt3A_108 = arith.constant 48 : i32
        %lt3A_109 = arith.cmpi slt, %add3A_107, %lt3A_108 : i32
        %convert_element_type3A_110 = arith.extui %lt3A_109 : i1 to i32
        %cond3A_111 = arith.constant 0 : i32
        %cond3A_112 = arith.cmpi ne, %convert_element_type3A_110, %cond3A_111 : i32
        scf.if %cond3A_112 {
          %add3A_113 = arith.constant 1 : i32
          %add3A_114 = arith.addi %add3A_98, %add3A_113 : i32
          %dma_wait3A_115 = arith.constant 0 : i32
          %dma_wait3A_116 = tpu.memref_slice %arg7[%add3A_114, %dma_wait3A_115] : memref<48x128xi32, #tpu.memory_space<vmem>> -> memref<1x128xi32, #tpu.memory_space<vmem>>
          %dma_wait3A_117 = tpu.memref_squeeze %dma_wait3A_116 : memref<1x128xi32, #tpu.memory_space<vmem>> -> memref<128xi32, #tpu.memory_space<vmem>>
          %dma_wait3A_118 = arith.constant 0 : i32
          %dma_wait3A_119 = arith.constant 0 : i32
          %dma_wait3A_120 = tpu.memref_slice %arg2[%dma_wait3A_118, %dma_wait3A_119] : memref<10000x128xf32, #tpu.memory_space<hbm>> -> memref<10000x128xf32, #tpu.memory_space<hbm>>
          tpu.wait_indirect_dma semaphore(%arg11 : memref<!tpu.dma_semaphore, #tpu.memory_space<semaphore_mem>>) src(%dma_wait3A_120 : memref<10000x128xf32, #tpu.memory_space<hbm>>) dst(%arg9 : memref<128x128xf32, #tpu.memory_space<vmem>>)
        } else {
        }
      }
      %scan3A_74 = arith.constant 24 : i32
      %add3A_75 = arith.constant 48 : i32
      %add3A_76 = arith.addi %add3A_54, %add3A_75 : i32
    } else {
    }
    %eq3A_3 = arith.constant 1 : i32
    %eq3A_4 = arith.cmpi eq, %arg0, %eq3A_3 : i32
    %convert_element_type3A_5 = arith.extui %eq3A_4 : i1 to i32
    %cond3A_6 = arith.constant 0 : i32
    %cond3A_7 = arith.cmpi ne, %convert_element_type3A_5, %cond3A_6 : i32
    scf.if %cond3A_7 {
      %mul3A_13 = arith.constant 16 : i32
      %mul3A_14 = arith.muli %arg1, %mul3A_13 : i32
      %add3A = arith.constant 2304 : i32
      %add3A_15 = arith.addi %add3A, %mul3A_14 : i32
      "tpu.region"() ({
        %run_scoped3A = tpu.sem_alloc : memref<!tpu.dma_semaphore, #tpu.memory_space<semaphore_mem>>
        %dma_start3A_35 = arith.constant 0 : i32
        %dma_start3A_36 = arith.constant 0 : i32
        %dma_start3A_37 = tpu.memref_slice %arg7[%dma_start3A_35, %dma_start3A_36] : memref<48x128xi32, #tpu.memory_space<vmem>> -> memref<16x128xi32, #tpu.memory_space<vmem>>
        %dma_start3A_38 = arith.constant 0 : i32
        %dma_start3A_39 = tpu.memref_slice %arg3[%add3A_15, %dma_start3A_38] : memref<2560x128xi32, #tpu.memory_space<hbm>> -> memref<16x128xi32, #tpu.memory_space<hbm>>
        %dma_start3A_40 = arith.constant 0 : i32
        %dma_start3A_41 = arith.constant 0 : i32
        %dma_start3A_42 = tpu.memref_slice %arg7[%dma_start3A_40, %dma_start3A_41] : memref<48x128xi32, #tpu.memory_space<vmem>> -> memref<16x128xi32, #tpu.memory_space<vmem>>
        %dma_start3A_43 = arith.constant 0 : i32
        %dma_start3A_44 = tpu.memref_slice %arg3[%add3A_15, %dma_start3A_43] : memref<2560x128xi32, #tpu.memory_space<hbm>> -> memref<16x128xi32, #tpu.memory_space<hbm>>
        tpu.enqueue_dma source(%dma_start3A_44 : memref<16x128xi32, #tpu.memory_space<hbm>>) target(%dma_start3A_42 : memref<16x128xi32, #tpu.memory_space<vmem>>) target_semaphore(%run_scoped3A : memref<!tpu.dma_semaphore, #tpu.memory_space<semaphore_mem>>)
        %dma_wait3A_45 = arith.constant 0 : i32
        %dma_wait3A_46 = arith.constant 0 : i32
        %dma_wait3A_47 = tpu.memref_slice %arg7[%dma_wait3A_45, %dma_wait3A_46] : memref<48x128xi32, #tpu.memory_space<vmem>> -> memref<16x128xi32, #tpu.memory_space<vmem>>
        %dma_wait3A_48 = arith.constant 0 : i32
        %dma_wait3A_49 = tpu.memref_slice %arg3[%add3A_15, %dma_wait3A_48] : memref<2560x128xi32, #tpu.memory_space<hbm>> -> memref<16x128xi32, #tpu.memory_space<hbm>>
        %dma_wait3A_50 = arith.constant 0 : i32
        %dma_wait3A_51 = arith.constant 0 : i32
        %dma_wait3A_52 = tpu.memref_slice %arg7[%dma_wait3A_50, %dma_wait3A_51] : memref<48x128xi32, #tpu.memory_space<vmem>> -> memref<16x128xi32, #tpu.memory_space<vmem>>
        %dma_wait3A_53 = arith.constant 0 : i32
        %dma_wait3A_54 = tpu.memref_slice %arg3[%add3A_15, %dma_wait3A_53] : memref<2560x128xi32, #tpu.memory_space<hbm>> -> memref<16x128xi32, #tpu.memory_space<hbm>>
        tpu.wait_dma2 semaphore(%run_scoped3A : memref<!tpu.dma_semaphore, #tpu.memory_space<semaphore_mem>>) src(%dma_wait3A_54 : memref<16x128xi32, #tpu.memory_space<hbm>>) dst(%dma_wait3A_52 : memref<16x128xi32, #tpu.memory_space<vmem>>)
        tpu.yield
      }) : () -> ()
      "tpu.region"() ({
        %run_scoped3A = tpu.sem_alloc : memref<!tpu.dma_semaphore, #tpu.memory_space<semaphore_mem>>
        %dma_start3A_35 = arith.constant 0 : i32
        %dma_start3A_36 = arith.constant 0 : i32
        %dma_start3A_37 = tpu.memref_slice %arg8[%dma_start3A_35, %dma_start3A_36] : memref<48x128xi32, #tpu.memory_space<vmem>> -> memref<16x128xi32, #tpu.memory_space<vmem>>
        %dma_start3A_38 = arith.constant 0 : i32
        %dma_start3A_39 = tpu.memref_slice %arg4[%add3A_15, %dma_start3A_38] : memref<2560x128xi32, #tpu.memory_space<hbm>> -> memref<16x128xi32, #tpu.memory_space<hbm>>
        %dma_start3A_40 = arith.constant 0 : i32
        %dma_start3A_41 = arith.constant 0 : i32
        %dma_start3A_42 = tpu.memref_slice %arg8[%dma_start3A_40, %dma_start3A_41] : memref<48x128xi32, #tpu.memory_space<vmem>> -> memref<16x128xi32, #tpu.memory_space<vmem>>
        %dma_start3A_43 = arith.constant 0 : i32
        %dma_start3A_44 = tpu.memref_slice %arg4[%add3A_15, %dma_start3A_43] : memref<2560x128xi32, #tpu.memory_space<hbm>> -> memref<16x128xi32, #tpu.memory_space<hbm>>
        tpu.enqueue_dma source(%dma_start3A_44 : memref<16x128xi32, #tpu.memory_space<hbm>>) target(%dma_start3A_42 : memref<16x128xi32, #tpu.memory_space<vmem>>) target_semaphore(%run_scoped3A : memref<!tpu.dma_semaphore, #tpu.memory_space<semaphore_mem>>)
        %dma_wait3A_45 = arith.constant 0 : i32
        %dma_wait3A_46 = arith.constant 0 : i32
        %dma_wait3A_47 = tpu.memref_slice %arg8[%dma_wait3A_45, %dma_wait3A_46] : memref<48x128xi32, #tpu.memory_space<vmem>> -> memref<16x128xi32, #tpu.memory_space<vmem>>
        %dma_wait3A_48 = arith.constant 0 : i32
        %dma_wait3A_49 = tpu.memref_slice %arg4[%add3A_15, %dma_wait3A_48] : memref<2560x128xi32, #tpu.memory_space<hbm>> -> memref<16x128xi32, #tpu.memory_space<hbm>>
        %dma_wait3A_50 = arith.constant 0 : i32
        %dma_wait3A_51 = arith.constant 0 : i32
        %dma_wait3A_52 = tpu.memref_slice %arg8[%dma_wait3A_50, %dma_wait3A_51] : memref<48x128xi32, #tpu.memory_space<vmem>> -> memref<16x128xi32, #tpu.memory_space<vmem>>
        %dma_wait3A_53 = arith.constant 0 : i32
        %dma_wait3A_54 = tpu.memref_slice %arg4[%add3A_15, %dma_wait3A_53] : memref<2560x128xi32, #tpu.memory_space<hbm>> -> memref<16x128xi32, #tpu.memory_space<hbm>>
        tpu.wait_dma2 semaphore(%run_scoped3A : memref<!tpu.dma_semaphore, #tpu.memory_space<semaphore_mem>>) src(%dma_wait3A_54 : memref<16x128xi32, #tpu.memory_space<hbm>>) dst(%dma_wait3A_52 : memref<16x128xi32, #tpu.memory_space<vmem>>)
        tpu.yield
      }) : () -> ()
      %dma_start3A = arith.constant 0 : i32
      %dma_start3A_16 = arith.constant 0 : i32
      %dma_start3A_17 = tpu.memref_slice %arg7[%dma_start3A, %dma_start3A_16] : memref<48x128xi32, #tpu.memory_space<vmem>> -> memref<1x128xi32, #tpu.memory_space<vmem>>
      %dma_start3A_18 = tpu.memref_squeeze %dma_start3A_17 : memref<1x128xi32, #tpu.memory_space<vmem>> -> memref<128xi32, #tpu.memory_space<vmem>>
      %dma_start3A_19 = arith.constant 0 : i32
      %dma_start3A_20 = arith.constant 0 : i32
      %dma_start3A_21 = tpu.memref_slice %arg2[%dma_start3A_19, %dma_start3A_20] : memref<10000x128xf32, #tpu.memory_space<hbm>> -> memref<10000x128xf32, #tpu.memory_space<hbm>>
      tpu.enqueue_indirect_dma source(%dma_start3A_21 : memref<10000x128xf32, #tpu.memory_space<hbm>>) target(%arg9 : memref<128x128xf32, #tpu.memory_space<vmem>>) offsets(%dma_start3A_18 : memref<128xi32, #tpu.memory_space<vmem>>) semaphore(%arg11 : memref<!tpu.dma_semaphore, #tpu.memory_space<semaphore_mem>>)
      %dma_wait3A = arith.constant 0 : i32
      %dma_wait3A_22 = arith.constant 0 : i32
      %dma_wait3A_23 = tpu.memref_slice %arg7[%dma_wait3A, %dma_wait3A_22] : memref<48x128xi32, #tpu.memory_space<vmem>> -> memref<1x128xi32, #tpu.memory_space<vmem>>
      %dma_wait3A_24 = tpu.memref_squeeze %dma_wait3A_23 : memref<1x128xi32, #tpu.memory_space<vmem>> -> memref<128xi32, #tpu.memory_space<vmem>>
      %dma_wait3A_25 = arith.constant 0 : i32
      %dma_wait3A_26 = arith.constant 0 : i32
      %dma_wait3A_27 = tpu.memref_slice %arg2[%dma_wait3A_25, %dma_wait3A_26] : memref<10000x128xf32, #tpu.memory_space<hbm>> -> memref<10000x128xf32, #tpu.memory_space<hbm>>
      tpu.wait_indirect_dma semaphore(%arg11 : memref<!tpu.dma_semaphore, #tpu.memory_space<semaphore_mem>>) src(%dma_wait3A_27 : memref<10000x128xf32, #tpu.memory_space<hbm>>) dst(%arg9 : memref<128x128xf32, #tpu.memory_space<vmem>>)
      %scan3A = arith.constant 0 : i32
      %scan3A_28 = arith.constant 0 : i32
      %scan3A_29 = arith.constant 8 : i32
      %scan3A_30 = arith.addi %scan3A_28, %scan3A_29 : i32
      %scan3A_31 = arith.constant 1 : i32
      scf.for %scan3A_35 = %scan3A_28 to %scan3A_30 step %scan3A_31  : i32 {
        %mul3A_36 = arith.constant 2 : i32
        %mul3A_37 = arith.muli %scan3A_35, %mul3A_36 : i32
        %add3A_38 = arith.constant 0 : i32
        %add3A_39 = arith.addi %mul3A_37, %add3A_38 : i32
        %add3A_40 = arith.constant 1 : i32
        %add3A_41 = arith.addi %add3A_39, %add3A_40 : i32
        %lt3A = arith.constant 16 : i32
        %lt3A_42 = arith.cmpi slt, %add3A_41, %lt3A : i32
        %convert_element_type3A_43 = arith.extui %lt3A_42 : i1 to i32
        %cond3A_44 = arith.constant 0 : i32
        %cond3A_45 = arith.cmpi ne, %convert_element_type3A_43, %cond3A_44 : i32
        scf.if %cond3A_45 {
          %add3A_71 = arith.constant 1 : i32
          %add3A_72 = arith.addi %add3A_39, %add3A_71 : i32
          %dma_start3A_73 = arith.constant 0 : i32
          %dma_start3A_74 = tpu.memref_slice %arg7[%add3A_72, %dma_start3A_73] : memref<48x128xi32, #tpu.memory_space<vmem>> -> memref<1x128xi32, #tpu.memory_space<vmem>>
          %dma_start3A_75 = tpu.memref_squeeze %dma_start3A_74 : memref<1x128xi32, #tpu.memory_space<vmem>> -> memref<128xi32, #tpu.memory_space<vmem>>
          %dma_start3A_76 = arith.constant 0 : i32
          %dma_start3A_77 = arith.constant 0 : i32
          %dma_start3A_78 = tpu.memref_slice %arg2[%dma_start3A_76, %dma_start3A_77] : memref<10000x128xf32, #tpu.memory_space<hbm>> -> memref<10000x128xf32, #tpu.memory_space<hbm>>
          tpu.enqueue_indirect_dma source(%dma_start3A_78 : memref<10000x128xf32, #tpu.memory_space<hbm>>) target(%arg10 : memref<128x128xf32, #tpu.memory_space<vmem>>) offsets(%dma_start3A_75 : memref<128xi32, #tpu.memory_space<vmem>>) semaphore(%arg11 : memref<!tpu.dma_semaphore, #tpu.memory_space<semaphore_mem>>)
        } else {
        }
        "tpu.region"() ({
          %run_scoped3A = tpu.sem_alloc : memref<!tpu.dma_semaphore, #tpu.memory_space<semaphore_mem>>
          %dma_start3A_71 = arith.constant 0 : i32
          %dma_start3A_72 = tpu.memref_slice %arg8[%add3A_39, %dma_start3A_71] : memref<48x128xi32, #tpu.memory_space<vmem>> -> memref<1x128xi32, #tpu.memory_space<vmem>>
          %dma_start3A_73 = tpu.memref_squeeze %dma_start3A_72 : memref<1x128xi32, #tpu.memory_space<vmem>> -> memref<128xi32, #tpu.memory_space<vmem>>
          %dma_start3A_74 = arith.constant 0 : i32
          %dma_start3A_75 = arith.constant 0 : i32
          %dma_start3A_76 = tpu.memref_slice %arg12[%dma_start3A_74, %dma_start3A_75] : memref<10112x128xf32, #tpu.memory_space<vmem_shared>> -> memref<10112x128xf32, #tpu.memory_space<vmem_shared>>
          tpu.enqueue_indirect_dma source(%arg9 : memref<128x128xf32, #tpu.memory_space<vmem>>) target(%dma_start3A_76 : memref<10112x128xf32, #tpu.memory_space<vmem_shared>>) offsets(%dma_start3A_73 : memref<128xi32, #tpu.memory_space<vmem>>) semaphore(%run_scoped3A : memref<!tpu.dma_semaphore, #tpu.memory_space<semaphore_mem>>) {add = true}
          %dma_wait3A_77 = arith.constant 0 : i32
          %dma_wait3A_78 = tpu.memref_slice %arg8[%add3A_39, %dma_wait3A_77] : memref<48x128xi32, #tpu.memory_space<vmem>> -> memref<1x128xi32, #tpu.memory_space<vmem>>
          %dma_wait3A_79 = tpu.memref_squeeze %dma_wait3A_78 : memref<1x128xi32, #tpu.memory_space<vmem>> -> memref<128xi32, #tpu.memory_space<vmem>>
          %dma_wait3A_80 = arith.constant 0 : i32
          %dma_wait3A_81 = arith.constant 0 : i32
          %dma_wait3A_82 = tpu.memref_slice %arg12[%dma_wait3A_80, %dma_wait3A_81] : memref<10112x128xf32, #tpu.memory_space<vmem_shared>> -> memref<10112x128xf32, #tpu.memory_space<vmem_shared>>
          tpu.wait_indirect_dma semaphore(%run_scoped3A : memref<!tpu.dma_semaphore, #tpu.memory_space<semaphore_mem>>) src(%arg9 : memref<128x128xf32, #tpu.memory_space<vmem>>) dst(%dma_wait3A_82 : memref<10112x128xf32, #tpu.memory_space<vmem_shared>>)
          tpu.yield
        }) : () -> ()
        %add3A_46 = arith.constant 1 : i32
        %add3A_47 = arith.addi %add3A_39, %add3A_46 : i32
        %lt3A_48 = arith.constant 16 : i32
        %lt3A_49 = arith.cmpi slt, %add3A_47, %lt3A_48 : i32
        %convert_element_type3A_50 = arith.extui %lt3A_49 : i1 to i32
        %cond3A_51 = arith.constant 0 : i32
        %cond3A_52 = arith.cmpi ne, %convert_element_type3A_50, %cond3A_51 : i32
        scf.if %cond3A_52 {
          %add3A_71 = arith.constant 1 : i32
          %add3A_72 = arith.addi %add3A_39, %add3A_71 : i32
          %dma_wait3A_73 = arith.constant 0 : i32
          %dma_wait3A_74 = tpu.memref_slice %arg7[%add3A_72, %dma_wait3A_73] : memref<48x128xi32, #tpu.memory_space<vmem>> -> memref<1x128xi32, #tpu.memory_space<vmem>>
          %dma_wait3A_75 = tpu.memref_squeeze %dma_wait3A_74 : memref<1x128xi32, #tpu.memory_space<vmem>> -> memref<128xi32, #tpu.memory_space<vmem>>
          %dma_wait3A_76 = arith.constant 0 : i32
          %dma_wait3A_77 = arith.constant 0 : i32
          %dma_wait3A_78 = tpu.memref_slice %arg2[%dma_wait3A_76, %dma_wait3A_77] : memref<10000x128xf32, #tpu.memory_space<hbm>> -> memref<10000x128xf32, #tpu.memory_space<hbm>>
          tpu.wait_indirect_dma semaphore(%arg11 : memref<!tpu.dma_semaphore, #tpu.memory_space<semaphore_mem>>) src(%dma_wait3A_78 : memref<10000x128xf32, #tpu.memory_space<hbm>>) dst(%arg10 : memref<128x128xf32, #tpu.memory_space<vmem>>)
        } else {
        }
        %mul3A_53 = arith.constant 2 : i32
        %mul3A_54 = arith.muli %scan3A_35, %mul3A_53 : i32
        %add3A_55 = arith.constant 1 : i32
        %add3A_56 = arith.addi %mul3A_54, %add3A_55 : i32
        %add3A_57 = arith.constant 1 : i32
        %add3A_58 = arith.addi %add3A_56, %add3A_57 : i32
        %lt3A_59 = arith.constant 16 : i32
        %lt3A_60 = arith.cmpi slt, %add3A_58, %lt3A_59 : i32
        %convert_element_type3A_61 = arith.extui %lt3A_60 : i1 to i32
        %cond3A_62 = arith.constant 0 : i32
        %cond3A_63 = arith.cmpi ne, %convert_element_type3A_61, %cond3A_62 : i32
        scf.if %cond3A_63 {
          %add3A_71 = arith.constant 1 : i32
          %add3A_72 = arith.addi %add3A_56, %add3A_71 : i32
          %dma_start3A_73 = arith.constant 0 : i32
          %dma_start3A_74 = tpu.memref_slice %arg7[%add3A_72, %dma_start3A_73] : memref<48x128xi32, #tpu.memory_space<vmem>> -> memref<1x128xi32, #tpu.memory_space<vmem>>
          %dma_start3A_75 = tpu.memref_squeeze %dma_start3A_74 : memref<1x128xi32, #tpu.memory_space<vmem>> -> memref<128xi32, #tpu.memory_space<vmem>>
          %dma_start3A_76 = arith.constant 0 : i32
          %dma_start3A_77 = arith.constant 0 : i32
          %dma_start3A_78 = tpu.memref_slice %arg2[%dma_start3A_76, %dma_start3A_77] : memref<10000x128xf32, #tpu.memory_space<hbm>> -> memref<10000x128xf32, #tpu.memory_space<hbm>>
          tpu.enqueue_indirect_dma source(%dma_start3A_78 : memref<10000x128xf32, #tpu.memory_space<hbm>>) target(%arg9 : memref<128x128xf32, #tpu.memory_space<vmem>>) offsets(%dma_start3A_75 : memref<128xi32, #tpu.memory_space<vmem>>) semaphore(%arg11 : memref<!tpu.dma_semaphore, #tpu.memory_space<semaphore_mem>>)
        } else {
        }
        "tpu.region"() ({
          %run_scoped3A = tpu.sem_alloc : memref<!tpu.dma_semaphore, #tpu.memory_space<semaphore_mem>>
          %dma_start3A_71 = arith.constant 0 : i32
          %dma_start3A_72 = tpu.memref_slice %arg8[%add3A_56, %dma_start3A_71] : memref<48x128xi32, #tpu.memory_space<vmem>> -> memref<1x128xi32, #tpu.memory_space<vmem>>
          %dma_start3A_73 = tpu.memref_squeeze %dma_start3A_72 : memref<1x128xi32, #tpu.memory_space<vmem>> -> memref<128xi32, #tpu.memory_space<vmem>>
          %dma_start3A_74 = arith.constant 0 : i32
          %dma_start3A_75 = arith.constant 0 : i32
          %dma_start3A_76 = tpu.memref_slice %arg12[%dma_start3A_74, %dma_start3A_75] : memref<10112x128xf32, #tpu.memory_space<vmem_shared>> -> memref<10112x128xf32, #tpu.memory_space<vmem_shared>>
          tpu.enqueue_indirect_dma source(%arg10 : memref<128x128xf32, #tpu.memory_space<vmem>>) target(%dma_start3A_76 : memref<10112x128xf32, #tpu.memory_space<vmem_shared>>) offsets(%dma_start3A_73 : memref<128xi32, #tpu.memory_space<vmem>>) semaphore(%run_scoped3A : memref<!tpu.dma_semaphore, #tpu.memory_space<semaphore_mem>>) {add = true}
          %dma_wait3A_77 = arith.constant 0 : i32
          %dma_wait3A_78 = tpu.memref_slice %arg8[%add3A_56, %dma_wait3A_77] : memref<48x128xi32, #tpu.memory_space<vmem>> -> memref<1x128xi32, #tpu.memory_space<vmem>>
          %dma_wait3A_79 = tpu.memref_squeeze %dma_wait3A_78 : memref<1x128xi32, #tpu.memory_space<vmem>> -> memref<128xi32, #tpu.memory_space<vmem>>
          %dma_wait3A_80 = arith.constant 0 : i32
          %dma_wait3A_81 = arith.constant 0 : i32
          %dma_wait3A_82 = tpu.memref_slice %arg12[%dma_wait3A_80, %dma_wait3A_81] : memref<10112x128xf32, #tpu.memory_space<vmem_shared>> -> memref<10112x128xf32, #tpu.memory_space<vmem_shared>>
          tpu.wait_indirect_dma semaphore(%run_scoped3A : memref<!tpu.dma_semaphore, #tpu.memory_space<semaphore_mem>>) src(%arg10 : memref<128x128xf32, #tpu.memory_space<vmem>>) dst(%dma_wait3A_82 : memref<10112x128xf32, #tpu.memory_space<vmem_shared>>)
          tpu.yield
        }) : () -> ()
        %add3A_64 = arith.constant 1 : i32
        %add3A_65 = arith.addi %add3A_56, %add3A_64 : i32
        %lt3A_66 = arith.constant 16 : i32
        %lt3A_67 = arith.cmpi slt, %add3A_65, %lt3A_66 : i32
        %convert_element_type3A_68 = arith.extui %lt3A_67 : i1 to i32
        %cond3A_69 = arith.constant 0 : i32
        %cond3A_70 = arith.cmpi ne, %convert_element_type3A_68, %cond3A_69 : i32
        scf.if %cond3A_70 {
          %add3A_71 = arith.constant 1 : i32
          %add3A_72 = arith.addi %add3A_56, %add3A_71 : i32
          %dma_wait3A_73 = arith.constant 0 : i32
          %dma_wait3A_74 = tpu.memref_slice %arg7[%add3A_72, %dma_wait3A_73] : memref<48x128xi32, #tpu.memory_space<vmem>> -> memref<1x128xi32, #tpu.memory_space<vmem>>
          %dma_wait3A_75 = tpu.memref_squeeze %dma_wait3A_74 : memref<1x128xi32, #tpu.memory_space<vmem>> -> memref<128xi32, #tpu.memory_space<vmem>>
          %dma_wait3A_76 = arith.constant 0 : i32
          %dma_wait3A_77 = arith.constant 0 : i32
          %dma_wait3A_78 = tpu.memref_slice %arg2[%dma_wait3A_76, %dma_wait3A_77] : memref<10000x128xf32, #tpu.memory_space<hbm>> -> memref<10000x128xf32, #tpu.memory_space<hbm>>
          tpu.wait_indirect_dma semaphore(%arg11 : memref<!tpu.dma_semaphore, #tpu.memory_space<semaphore_mem>>) src(%dma_wait3A_78 : memref<10000x128xf32, #tpu.memory_space<hbm>>) dst(%arg9 : memref<128x128xf32, #tpu.memory_space<vmem>>)
        } else {
        }
      }
      %scan3A_32 = arith.constant 8 : i32
      %add3A_33 = arith.constant 16 : i32
      %add3A_34 = arith.addi %add3A_15, %add3A_33 : i32
    } else {
    }
    %barrier3A_8 = arith.constant 0 : index
    tpu.barrier barrier_id(%barrier3A_8)
    %mul3A_9 = arith.constant 632 : i32
    %mul3A_10 = arith.muli %arg1, %mul3A_9 : i32
    %mul3A_11 = arith.constant 632 : i32
    %mul3A_12 = arith.muli %arg1, %mul3A_11 : i32
    "tpu.region"() ({
      %run_scoped3A = tpu.sem_alloc : memref<!tpu.dma_semaphore, #tpu.memory_space<semaphore_mem>>
      %dma_start3A = arith.constant 0 : i32
      %dma_start3A_13 = tpu.memref_slice %arg6[%arg0, %mul3A_12, %dma_start3A] : memref<2x10112x128xf32, #tpu.memory_space<hbm>> -> memref<1x632x128xf32, #tpu.memory_space<hbm>>
      %dma_start3A_14 = tpu.memref_squeeze %dma_start3A_13 : memref<1x632x128xf32, #tpu.memory_space<hbm>> -> memref<632x128xf32, #tpu.memory_space<hbm>>
      %dma_start3A_15 = arith.constant 0 : i32
      %dma_start3A_16 = tpu.memref_slice %arg12[%mul3A_10, %dma_start3A_15] : memref<10112x128xf32, #tpu.memory_space<vmem_shared>> -> memref<632x128xf32, #tpu.memory_space<vmem_shared>>
      tpu.enqueue_dma source(%dma_start3A_16 : memref<632x128xf32, #tpu.memory_space<vmem_shared>>) target(%dma_start3A_14 : memref<632x128xf32, #tpu.memory_space<hbm>>) target_semaphore(%run_scoped3A : memref<!tpu.dma_semaphore, #tpu.memory_space<semaphore_mem>>)
      %dma_wait3A = arith.constant 0 : i32
      %dma_wait3A_17 = tpu.memref_slice %arg6[%arg0, %mul3A_12, %dma_wait3A] : memref<2x10112x128xf32, #tpu.memory_space<hbm>> -> memref<1x632x128xf32, #tpu.memory_space<hbm>>
      %dma_wait3A_18 = tpu.memref_squeeze %dma_wait3A_17 : memref<1x632x128xf32, #tpu.memory_space<hbm>> -> memref<632x128xf32, #tpu.memory_space<hbm>>
      %dma_wait3A_19 = arith.constant 0 : i32
      %dma_wait3A_20 = tpu.memref_slice %arg12[%mul3A_10, %dma_wait3A_19] : memref<10112x128xf32, #tpu.memory_space<vmem_shared>> -> memref<632x128xf32, #tpu.memory_space<vmem_shared>>
      tpu.wait_dma2 semaphore(%run_scoped3A : memref<!tpu.dma_semaphore, #tpu.memory_space<semaphore_mem>>) src(%dma_wait3A_20 : memref<632x128xf32, #tpu.memory_space<vmem_shared>>) dst(%dma_wait3A_18 : memref<632x128xf32, #tpu.memory_space<hbm>>)
      tpu.yield
    }) : () -> ()
    return
  }
}

module attributes {stable_mosaic.version = 14 : i64} {
  func.func @_prep_body(%arg0: i32, %arg1: memref<1000x128xf32, #tpu.memory_space<vmem>>, %arg2: memref<1000x128xf32, #tpu.memory_space<vmem>>, %arg3: memref<1000x128xf32, #tpu.memory_space<vmem>>, %arg4: memref<1000x128xf32, #tpu.memory_space<vmem>>, %arg5: memref<1000x1xf32, #tpu.memory_space<vmem>>) attributes {dimension_semantics = [#tpu.dimension_semantics<arbitrary>], iteration_bounds = array<i64: 10>, scalar_prefetch = 0 : i64, scratch_operands = 0 : i64, tpu.core_type = #tpu.core_type<tc>, window_params = [{transform_indices = @transform_0, window_bounds = array<i64: 1000, 128>}, {transform_indices = @transform_1, window_bounds = array<i64: 1000, 128>}, {transform_indices = @transform_2, window_bounds = array<i64: 1000, 128>}, {transform_indices = @transform_3, window_bounds = array<i64: 1000, 128>}, {transform_indices = @transform_4, window_bounds = array<i64: 1000, 1>}]} {
    %get3A = arith.constant 0 : index
    %get3A_0 = arith.constant 0 : index
    %get3A_1 = vector.load %arg1[%get3A, %get3A_0] : memref<1000x128xf32, #tpu.memory_space<vmem>>, vector<1000x128xf32>
    %slice3A = vector.extract_strided_slice %get3A_1 {offsets = [0, 0], sizes = [1000, 1], strides = [1, 1]} : vector<1000x128xf32> to vector<1000x1xf32>
    %get3A_2 = arith.constant 0 : index
    %get3A_3 = arith.constant 0 : index
    %get3A_4 = vector.load %arg2[%get3A_2, %get3A_3] : memref<1000x128xf32, #tpu.memory_space<vmem>>, vector<1000x128xf32>
    %slice3A_5 = vector.extract_strided_slice %get3A_4 {offsets = [0, 0], sizes = [1000, 1], strides = [1, 1]} : vector<1000x128xf32> to vector<1000x1xf32>
    %add3A = arith.addf %slice3A, %slice3A_5 : vector<1000x1xf32>
    %add3A_6 = arith.constant 1.000000e+00 : f32
    %add3A_7 = vector.broadcast %add3A_6 : f32 to vector<1000x1xf32>
    %add3A_8 = arith.addf %add3A, %add3A_7 : vector<1000x1xf32>
    %rsqrt3A = math.rsqrt %add3A_8 : vector<1000x1xf32>
    %swap3A = arith.constant 0 : index
    %swap3A_9 = arith.constant 0 : index
    %swap3A_10 = vector.load %arg5[%swap3A, %swap3A_9] : memref<1000x1xf32, #tpu.memory_space<vmem>>, vector<1000x1xf32>
    tpu.vector_store %arg5[%swap3A, %swap3A_9], %rsqrt3A {strides = array<i32>} : memref<1000x1xf32, #tpu.memory_space<vmem>>, vector<1000x1xf32>,
    %get3A_11 = arith.constant 0 : index
    %get3A_12 = arith.constant 0 : index
    %get3A_13 = vector.load %arg3[%get3A_11, %get3A_12] : memref<1000x128xf32, #tpu.memory_space<vmem>>, vector<1000x128xf32>
    %mul3A = vector.broadcast %rsqrt3A : vector<1000x1xf32> to vector<1000x128xf32>
    %mul3A_14 = arith.mulf %get3A_13, %mul3A : vector<1000x128xf32>
    %swap3A_15 = arith.constant 0 : index
    %swap3A_16 = arith.constant 0 : index
    %swap3A_17 = vector.load %arg4[%swap3A_15, %swap3A_16] : memref<1000x128xf32, #tpu.memory_space<vmem>>, vector<1000x128xf32>
    tpu.vector_store %arg4[%swap3A_15, %swap3A_16], %mul3A_14 {strides = array<i32>} : memref<1000x128xf32, #tpu.memory_space<vmem>>, vector<1000x128xf32>,
    return
  }
  func.func @transform_0(%arg0: i32) -> (i32, i32) {
    %c0_i32 = arith.constant 0 : i32
    %c0_i32_0 = arith.constant 0 : i32
    return %arg0, %c0_i32 : i32, i32
  }
  func.func @transform_1(%arg0: i32) -> (i32, i32) {
    %c0_i32 = arith.constant 0 : i32
    %c0_i32_0 = arith.constant 0 : i32
    return %arg0, %c0_i32 : i32, i32
  }
  func.func @transform_2(%arg0: i32) -> (i32, i32) {
    %c0_i32 = arith.constant 0 : i32
    %c0_i32_0 = arith.constant 0 : i32
    return %arg0, %c0_i32 : i32, i32
  }
  func.func @transform_3(%arg0: i32) -> (i32, i32) {
    %c0_i32 = arith.constant 0 : i32
    %c0_i32_0 = arith.constant 0 : i32
    return %arg0, %c0_i32 : i32, i32
  }
  func.func @transform_4(%arg0: i32) -> (i32, i32) {
    %c0_i32 = arith.constant 0 : i32
    %c0_i32_0 = arith.constant 0 : i32
    return %arg0, %c0_i32 : i32, i32
  }
}

module attributes {stable_mosaic.version = 14 : i64} {
  func.func @_dense_body(%arg0: i32, %arg1: memref<1000x128xf32, #tpu.memory_space<vmem>>, %arg2: memref<1000x128xf32, #tpu.memory_space<vmem>>, %arg3: memref<1000x128xf32, #tpu.memory_space<vmem>>, %arg4: memref<1000x1xf32, #tpu.memory_space<vmem>>, %arg5: memref<128x128xf32, #tpu.memory_space<vmem>>, %arg6: memref<1x128xf32, #tpu.memory_space<vmem>>, %arg7: memref<1000x128xf32, #tpu.memory_space<vmem>>) attributes {dimension_semantics = [#tpu.dimension_semantics<arbitrary>], iteration_bounds = array<i64: 10>, scalar_prefetch = 0 : i64, scratch_operands = 0 : i64, tpu.core_type = #tpu.core_type<tc>, window_params = [{transform_indices = @transform_0, window_bounds = array<i64: 1000, 128>}, {transform_indices = @transform_1, window_bounds = array<i64: 1000, 128>}, {transform_indices = @transform_2, window_bounds = array<i64: 1000, 128>}, {transform_indices = @transform_3, window_bounds = array<i64: 1000, 1>}, {pipeline_mode = #tpu.pipeline_mode<synchronous>, transform_indices = @transform_4, window_bounds = array<i64: 128, 128>}, {pipeline_mode = #tpu.pipeline_mode<synchronous>, transform_indices = @transform_5, window_bounds = array<i64: 1, 128>}, {transform_indices = @transform_6, window_bounds = array<i64: 1000, 128>}]} {
    %get3A = arith.constant 0 : index
    %get3A_0 = arith.constant 0 : index
    %get3A_1 = vector.load %arg4[%get3A, %get3A_0] : memref<1000x1xf32, #tpu.memory_space<vmem>>, vector<1000x1xf32>
    %get3A_2 = arith.constant 0 : index
    %get3A_3 = arith.constant 0 : index
    %get3A_4 = vector.load %arg1[%get3A_2, %get3A_3] : memref<1000x128xf32, #tpu.memory_space<vmem>>, vector<1000x128xf32>
    %get3A_5 = arith.constant 0 : index
    %get3A_6 = arith.constant 0 : index
    %get3A_7 = vector.load %arg2[%get3A_5, %get3A_6] : memref<1000x128xf32, #tpu.memory_space<vmem>>, vector<1000x128xf32>
    %add3A = arith.addf %get3A_4, %get3A_7 : vector<1000x128xf32>
    %get3A_8 = arith.constant 0 : index
    %get3A_9 = arith.constant 0 : index
    %get3A_10 = vector.load %arg3[%get3A_8, %get3A_9] : memref<1000x128xf32, #tpu.memory_space<vmem>>, vector<1000x128xf32>
    %add3A_11 = arith.addf %add3A, %get3A_10 : vector<1000x128xf32>
    %mul3A = vector.broadcast %get3A_1 : vector<1000x1xf32> to vector<1000x128xf32>
    %mul3A_12 = arith.mulf %add3A_11, %mul3A : vector<1000x128xf32>
    %get3A_13 = arith.constant 0 : index
    %get3A_14 = arith.constant 0 : index
    %get3A_15 = vector.load %arg5[%get3A_13, %get3A_14] : memref<128x128xf32, #tpu.memory_space<vmem>>, vector<128x128xf32>
    %dot_general3A = arith.constant dense<0.000000e+00> : vector<1000x128xf32>
    %dot_general3A_16 = tpu.matmul %mul3A_12, %get3A_15, %dot_general3A {dimension_numbers = #tpu.dot_dimension_numbers<[1], [0], [0], [1], [0, 0, 1, 1], [], []>, transpose_lhs_hint = false} : vector<1000x128xf32>, vector<128x128xf32>, vector<1000x128xf32> -> vector<1000x128xf32>
    %get3A_17 = arith.constant 0 : index
    %get3A_18 = arith.constant 0 : index
    %get3A_19 = vector.load %arg6[%get3A_17, %get3A_18] : memref<1x128xf32, #tpu.memory_space<vmem>>, vector<1x128xf32>
    %add3A_20 = vector.broadcast %get3A_19 : vector<1x128xf32> to vector<1000x128xf32>
    %add3A_21 = arith.addf %dot_general3A_16, %add3A_20 : vector<1000x128xf32>
    %max3A = arith.constant 0.000000e+00 : f32
    %max3A_22 = vector.broadcast %max3A : f32 to vector<1000x128xf32>
    %max3A_23 = arith.maximumf %add3A_21, %max3A_22 : vector<1000x128xf32>
    %mul3A_24 = vector.broadcast %get3A_1 : vector<1000x1xf32> to vector<1000x128xf32>
    %mul3A_25 = arith.mulf %max3A_23, %mul3A_24 : vector<1000x128xf32>
    %swap3A = arith.constant 0 : index
    %swap3A_26 = arith.constant 0 : index
    %swap3A_27 = vector.load %arg7[%swap3A, %swap3A_26] : memref<1000x128xf32, #tpu.memory_space<vmem>>, vector<1000x128xf32>
    tpu.vector_store %arg7[%swap3A, %swap3A_26], %mul3A_25 {strides = array<i32>} : memref<1000x128xf32, #tpu.memory_space<vmem>>, vector<1000x128xf32>,
    return
  }
  func.func @transform_0(%arg0: i32) -> (i32, i32) {
    %c0_i32 = arith.constant 0 : i32
    %c0_i32_0 = arith.constant 0 : i32
    return %arg0, %c0_i32 : i32, i32
  }
  func.func @transform_1(%arg0: i32) -> (i32, i32) {
    %c0_i32 = arith.constant 0 : i32
    %c0_i32_0 = arith.constant 0 : i32
    return %arg0, %c0_i32 : i32, i32
  }
  func.func @transform_2(%arg0: i32) -> (i32, i32) {
    %c0_i32 = arith.constant 0 : i32
    %c0_i32_0 = arith.constant 0 : i32
    return %arg0, %c0_i32 : i32, i32
  }
  func.func @transform_3(%arg0: i32) -> (i32, i32) {
    %c0_i32 = arith.constant 0 : i32
    %c0_i32_0 = arith.constant 0 : i32
    return %arg0, %c0_i32 : i32, i32
  }
  func.func @transform_4(%arg0: i32) -> (i32, i32) {
    %c0_i32 = arith.constant 0 : i32
    %c0_i32_0 = arith.constant 0 : i32
    %c0_i32_1 = arith.constant 0 : i32
    return %c0_i32, %c0_i32_0 : i32, i32
  }
  func.func @transform_5(%arg0: i32) -> (i32, i32) {
    %c0_i32 = arith.constant 0 : i32
    %c0_i32_0 = arith.constant 0 : i32
    %c0_i32_1 = arith.constant 0 : i32
    return %c0_i32, %c0_i32_0 : i32, i32
  }
  func.func @transform_6(%arg0: i32) -> (i32, i32) {
    %c0_i32 = arith.constant 0 : i32
    %c0_i32_0 = arith.constant 0 : i32
    return %arg0, %c0_i32 : i32, i32
  }
}

module attributes {stable_mosaic.version = 14 : i64} {
  func.func @_dense_body(%arg0: i32, %arg1: memref<1000x128xf32, #tpu.memory_space<vmem>>, %arg2: memref<1000x128xf32, #tpu.memory_space<vmem>>, %arg3: memref<1000x128xf32, #tpu.memory_space<vmem>>, %arg4: memref<1000x1xf32, #tpu.memory_space<vmem>>, %arg5: memref<128x128xf32, #tpu.memory_space<vmem>>, %arg6: memref<1x128xf32, #tpu.memory_space<vmem>>, %arg7: memref<1000x128xf32, #tpu.memory_space<vmem>>) attributes {dimension_semantics = [#tpu.dimension_semantics<arbitrary>], iteration_bounds = array<i64: 10>, scalar_prefetch = 0 : i64, scratch_operands = 0 : i64, tpu.core_type = #tpu.core_type<tc>, window_params = [{transform_indices = @transform_0, window_bounds = array<i64: 1000, 128>}, {transform_indices = @transform_1, window_bounds = array<i64: 1000, 128>}, {transform_indices = @transform_2, window_bounds = array<i64: 1000, 128>}, {transform_indices = @transform_3, window_bounds = array<i64: 1000, 1>}, {pipeline_mode = #tpu.pipeline_mode<synchronous>, transform_indices = @transform_4, window_bounds = array<i64: 128, 128>}, {pipeline_mode = #tpu.pipeline_mode<synchronous>, transform_indices = @transform_5, window_bounds = array<i64: 1, 128>}, {transform_indices = @transform_6, window_bounds = array<i64: 1000, 128>}]} {
    %get3A = arith.constant 0 : index
    %get3A_0 = arith.constant 0 : index
    %get3A_1 = vector.load %arg4[%get3A, %get3A_0] : memref<1000x1xf32, #tpu.memory_space<vmem>>, vector<1000x1xf32>
    %get3A_2 = arith.constant 0 : index
    %get3A_3 = arith.constant 0 : index
    %get3A_4 = vector.load %arg1[%get3A_2, %get3A_3] : memref<1000x128xf32, #tpu.memory_space<vmem>>, vector<1000x128xf32>
    %get3A_5 = arith.constant 0 : index
    %get3A_6 = arith.constant 0 : index
    %get3A_7 = vector.load %arg2[%get3A_5, %get3A_6] : memref<1000x128xf32, #tpu.memory_space<vmem>>, vector<1000x128xf32>
    %add3A = arith.addf %get3A_4, %get3A_7 : vector<1000x128xf32>
    %get3A_8 = arith.constant 0 : index
    %get3A_9 = arith.constant 0 : index
    %get3A_10 = vector.load %arg3[%get3A_8, %get3A_9] : memref<1000x128xf32, #tpu.memory_space<vmem>>, vector<1000x128xf32>
    %add3A_11 = arith.addf %add3A, %get3A_10 : vector<1000x128xf32>
    %mul3A = vector.broadcast %get3A_1 : vector<1000x1xf32> to vector<1000x128xf32>
    %mul3A_12 = arith.mulf %add3A_11, %mul3A : vector<1000x128xf32>
    %get3A_13 = arith.constant 0 : index
    %get3A_14 = arith.constant 0 : index
    %get3A_15 = vector.load %arg5[%get3A_13, %get3A_14] : memref<128x128xf32, #tpu.memory_space<vmem>>, vector<128x128xf32>
    %dot_general3A = arith.constant dense<0.000000e+00> : vector<1000x128xf32>
    %dot_general3A_16 = tpu.matmul %mul3A_12, %get3A_15, %dot_general3A {dimension_numbers = #tpu.dot_dimension_numbers<[1], [0], [0], [1], [0, 0, 1, 1], [], []>, transpose_lhs_hint = false} : vector<1000x128xf32>, vector<128x128xf32>, vector<1000x128xf32> -> vector<1000x128xf32>
    %get3A_17 = arith.constant 0 : index
    %get3A_18 = arith.constant 0 : index
    %get3A_19 = vector.load %arg6[%get3A_17, %get3A_18] : memref<1x128xf32, #tpu.memory_space<vmem>>, vector<1x128xf32>
    %add3A_20 = vector.broadcast %get3A_19 : vector<1x128xf32> to vector<1000x128xf32>
    %add3A_21 = arith.addf %dot_general3A_16, %add3A_20 : vector<1000x128xf32>
    %swap3A = arith.constant 0 : index
    %swap3A_22 = arith.constant 0 : index
    %swap3A_23 = vector.load %arg7[%swap3A, %swap3A_22] : memref<1000x128xf32, #tpu.memory_space<vmem>>, vector<1000x128xf32>
    tpu.vector_store %arg7[%swap3A, %swap3A_22], %add3A_21 {strides = array<i32>} : memref<1000x128xf32, #tpu.memory_space<vmem>>, vector<1000x128xf32>,
    return
  }
  func.func @transform_0(%arg0: i32) -> (i32, i32) {
    %c0_i32 = arith.constant 0 : i32
    %c0_i32_0 = arith.constant 0 : i32
    return %arg0, %c0_i32 : i32, i32
  }
  func.func @transform_1(%arg0: i32) -> (i32, i32) {
    %c0_i32 = arith.constant 0 : i32
    %c0_i32_0 = arith.constant 0 : i32
    return %arg0, %c0_i32 : i32, i32
  }
  func.func @transform_2(%arg0: i32) -> (i32, i32) {
    %c0_i32 = arith.constant 0 : i32
    %c0_i32_0 = arith.constant 0 : i32
    return %arg0, %c0_i32 : i32, i32
  }
  func.func @transform_3(%arg0: i32) -> (i32, i32) {
    %c0_i32 = arith.constant 0 : i32
    %c0_i32_0 = arith.constant 0 : i32
    return %arg0, %c0_i32 : i32, i32
  }
  func.func @transform_4(%arg0: i32) -> (i32, i32) {
    %c0_i32 = arith.constant 0 : i32
    %c0_i32_0 = arith.constant 0 : i32
    %c0_i32_1 = arith.constant 0 : i32
    return %c0_i32, %c0_i32_0 : i32, i32
  }
  func.func @transform_5(%arg0: i32) -> (i32, i32) {
    %c0_i32 = arith.constant 0 : i32
    %c0_i32_0 = arith.constant 0 : i32
    %c0_i32_1 = arith.constant 0 : i32
    return %c0_i32, %c0_i32_0 : i32, i32
  }
  func.func @transform_6(%arg0: i32) -> (i32, i32) {
    %c0_i32 = arith.constant 0 : i32
    %c0_i32_0 = arith.constant 0 : i32
    return %arg0, %c0_i32 : i32, i32
  }
}

</mosaic_0001>

<sc_bundles>
// kernel: kernel.11.cloned.1.call-start
scs
__scs_entry_jumppad:
0x0: {  	(pc) =	sbr.rel $0x88, $3  }
0x1: {  	(tag) =	ssettag $0x0;
	lr =	simm.s32 $0x1  }
0x2: {  	[smem:$0x3F9B] =	sst lr;
	_ =	strace $0xD0000000  }
0x3: {  	_ = 	snop  }
0x4: {  	_ = 	snop  }
0x5: {  	_ = 	snop  }
0x6: {  	_ = 	snop  }
0x7: {  	_ = 	snop  }
__scs_overlays_trampoline_lowered:
0x8: {  	[smem:$0x3FAA] =	sst s0  }
0x9: {  	[smem:$0x3FAB] =	sst s1  }
0xa: {  	[smem:$0x3FAC] =	sst s2  }
0xb: {  	[smem:$0x3FAD] =	sst s3  }
0xc: {  	[smem:$0x3FAE] =	sst s4  }
0xd: {  	[smem:$0x3FAF] =	sst s5  }
0xe: {  	[smem:$0x3FB0] =	sst s6  }
0xf: {  	[smem:$0x3FB1] =	sst s7  }
0x10: {  	[smem:$0x3FB2] =	sst s8  }
0x11: {  	[smem:$0x3FB3] =	sst s9;
	s0 =	simm.s32 @!p0 $0x0  }
0x12: {  	s1 =	sld [smem:$0x3F99];
	s0 =	simm.s32 @p0 $0x1  }
0x13: {  	[smem:$0x3FB4] =	sst s0;
	s0 =	simm.s32 @!p1 $0x0  }
0x14: {  	s2 =	sld [smem:$0x3F98];
	s0 =	simm.s32 @p1 $0x1  }
0x15: {  	[smem:$0x3FB5] =	sst s0;
	s0 =	simm.s32 @!p2 $0x0  }
0x16: {  	s3 =	sld [smem:$0x3FDB];
	s0 =	simm.s32 @p2 $0x1  }
0x17: {  	s4 =	simm.s32 $0x1BF5;
	[smem:$0x3FB7] =	sst s0  }
0x18: {  	s0 =	sld [smem:$0x3F9A];
	_ =	swait.ge [sflag:s4], $0x0  }
0x19: {  	s7 =	sld [smem:$0x3F9B]  }
0x1a: {  	s8 =	sadd.s32 $0xFFFFE003, lr  }
0x1b: {  	s9 =	sadd.s32 $0xFFFFFEF7, lr;
	s5 =	simm.s32 $0xFFFFFFFF;
	p2 =	slt.u32 s8, $0xFFFFF086  }
0x1c: {  	p1 =	slt.u32 s9, $0xF7A;
	s5 =	simm.s32 @!p2 $0x0  }
0x1d: {  	s5 =	simm.s32 @p1 $0x1;
	p0 =	seq.s32 s7, s2  }
0x1e: {  	s7 =	smul.u32 @!p0 $0xF7A, s2;
	p2 =	seq.s32 @!p0 s5, $0x0  }
0x1f: {  	s9 =	smul.u32 $0xF7A, s1;
	s8 =	simm.s32 @!p0 $0x1BF5;
	p2 =	por !p2, p0  }
0x20: {  	[sflag:s8] =	ssyncset.s32 @!p0 $0xFFFFF086;
	s6 =	sadd.s32 @!p0 s3, s7;
	s7 =	simm.s32 @!p0 $0x108  }
0x21: {  	s3 =	sadd.s32 s3, s9;
	s6 =	sadd.s32 @!p0 $0x88, s6;
	s7 =	simm.s32 @p2 $0x1082  }
0x22: {  	[simem:s7], [sflag:s8] =	dma.local @!p0 [hbm:s6], $0xF7A  }
0x23: {  	s9 =	sor.u32 $0xD0000000, s2;
	s6 =	simm.s32 $0x108;
	_ =	swait.ge @!p0 [sflag:s8], $0x0  }
0x24: {  	s3 =	sadd.s32 $0x88, s3;
	s6 =	simm.s32 @!p1 $0x1082;
	[sflag:s4] =	ssyncset.s32 $0xFFFFF086  }
0x25: {  	[simem:s6], [sflag:s4] =	dma.local [hbm:s3], $0xF7A  }
0x26: {  	[smem:$0x3F9B] =	sst s1;
	(tag) =	ssettag s2;
	_ =	strace s9  }
0x27: {  	s1 =	sld [smem:$0x3FAB]  }
0x28: {  	s2 =	sld [smem:$0x3FAC]  }
0x29: {  	s4 =	sld [smem:$0x3FAE]  }
0x2a: {  	p0 =	seq.s32 s5, $0x0;
	s5 =	sld [smem:$0x3FAF]  }
0x2b: {  	s6 =	sld [smem:$0x3FB0]  }
0x2c: {  	s7 =	sld [smem:$0x3FB1]  }
0x2d: {  	s3 =	simm.s32 $0x108;
	s8 =	sld [smem:$0x3FB2]  }
0x2e: {  	s3 =	simm.s32 @!p0 $0x1082;
	s9 =	sld [smem:$0x3FB3]  }
0x2f: {  	lr =	sadd.s32 s0, s3;
	s0 =	sld [smem:$0x3FAA]  }
0x30: {  	s3 =	sld [smem:$0x3FAD]  }
0x31: {  	[smem:$0x3FB6] =	sst s10  }
0x32: {  	s10 =	sld [smem:$0x3FB4];
	_ =	sdelay $0x3  }
0x33: {  	p0 =	seq.s32 s10, $0x1;
	s10 =	sld [smem:$0x3FB6];
	_ =	sdelay $0x3  }
0x34: {  	[smem:$0x3FB6] =	sst s10  }
0x35: {  	s10 =	sld [smem:$0x3FB5];
	_ =	sdelay $0x3  }
0x36: {  	p1 =	seq.s32 s10, $0x1;
	s10 =	sld [smem:$0x3FB6];
	_ =	sdelay $0x3  }
0x37: {  	[smem:$0x3FB6] =	sst s10  }
0x38: {  	s10 =	sld [smem:$0x3FB7]  }
0x39: {  	_ = 	snop;
	(pc) =	sbr.ind lr, $3  }
0x3a: {  	_ = 	snop  }
0x3b: {  	_ = 	snop  }
0x3c: {  	p2 =	seq.s32 s10, $0x1;
	s10 =	sld [smem:$0x3FB6]  }
0x3d: {  	_ =	shalt  }
0x3e: {  	_ =	shalt  }
0x3f: {  	_ =	shalt  }
0x40: {  	_ =	shalt  }
0x41: {  	_ =	shalt  }
0x42: {  	_ =	shalt  }
0x43: {  	_ =	shalt  }
0x44: {  	_ =	shalt  }
0x45: {  	_ =	shalt  }
0x46: {  	_ =	shalt  }
0x47: {  	_ =	shalt  }
0x48: {  	_ =	shalt  }
0x49: {  	_ =	shalt  }
0x4a: {  	_ =	shalt  }
0x4b: {  	_ =	shalt  }
0x4c: {  	_ =	shalt  }
0x4d: {  	_ =	shalt  }
0x4e: {  	_ =	shalt  }
0x4f: {  	_ =	shalt  }
0x50: {  	_ =	shalt  }
0x51: {  	_ =	shalt  }
0x52: {  	_ =	shalt  }
0x53: {  	_ =	shalt  }
0x54: {  	_ =	shalt  }
0x55: {  	_ =	shalt  }
0x56: {  	_ =	shalt  }
0x57: {  	_ =	shalt  }
0x58: {  	_ =	shalt  }
0x59: {  	_ =	shalt  }
0x5a: {  	_ =	shalt  }
0x5b: {  	_ =	shalt  }
0x5c: {  	_ =	shalt  }
0x5d: {  	_ =	shalt  }
0x5e: {  	_ =	shalt  }
0x5f: {  	_ =	shalt  }
0x60: {  	_ =	shalt  }
0x61: {  	_ =	shalt  }
0x62: {  	_ =	shalt  }
0x63: {  	_ =	shalt  }
0x64: {  	_ =	shalt  }
0x65: {  	_ =	shalt  }
0x66: {  	_ =	shalt  }
0x67: {  	_ =	shalt  }
0x68: {  	_ =	shalt  }
0x69: {  	_ =	shalt  }
0x6a: {  	_ =	shalt  }
0x6b: {  	_ =	shalt  }
0x6c: {  	_ =	shalt  }
0x6d: {  	_ =	shalt  }
0x6e: {  	_ =	shalt  }
0x6f: {  	_ =	shalt  }
0x70: {  	_ =	shalt  }
0x71: {  	_ =	shalt  }
0x72: {  	_ =	shalt  }
0x73: {  	_ =	shalt  }
0x74: {  	_ =	shalt  }
0x75: {  	_ =	shalt  }
0x76: {  	_ =	shalt  }
0x77: {  	_ =	shalt  }
0x78: {  	_ =	shalt  }
0x79: {  	_ =	shalt  }
0x7a: {  	_ =	shalt  }
0x7b: {  	_ =	shalt  }
0x7c: {  	_ =	shalt  }
0x7d: {  	_ =	shalt  }
0x7e: {  	_ =	shalt  }
0x7f: {  	_ =	shalt  }
0x80: {  	_ =	shalt  }
0x81: {  	_ =	shalt  }
0x82: {  	_ =	shalt  }
0x83: {  	_ =	shalt  }
0x84: {  	_ =	shalt  }
0x85: {  	_ =	shalt  }
0x86: {  	_ =	shalt  }
0x87: {  	_ =	shalt  }
.Lfunc_end0:
.L_simem_size_0:
called_computation.1_lowered:
.L_overlay_start_0:
0x88: {  	s2 =	sld [smem:$0x3FD9]  }
0x89: {  	s3 =	sld [smem:$0x3FFE];
	_ =	sdelay $0x1  }
0x8a: {  	s1 =	srdreg.scid  }
0x8b: {  	s0 =	sand.u32 $0x1, s1  }
0x8c: {  	s17 =	sshll.u32 s0, $0xA;
	s2 =	sadd.s32 s3, s2  }
0x8d: {  	s2 =	sadd.s32 s2, s17  }
0x8e: {  	[smem:$0x3FC2] =	sst s2  }
0x8f: {  	_ = 	snop  }
0x90: {  	s2 =	sld [smem:$0x3FD0];
	(tm) =	ssettm $0x1  }
0x91: {  	s18 =	sld [smem:$0x3FFB];
	_ =	sdelay $0x3  }
0x92: {  	_ =	strace s18  }
0x93: {  	s3 =	sld [smem:$0x3FFC];
	_ =	sdelay $0x3  }
0x94: {  	_ =	strace s3  }
0x95: {  	s3 =	sld [smem:$0x3FFD];
	_ =	sdelay $0x3  }
0x96: {  	_ =	strace s3  }
0x97: {  	_ =	strace $0x8FFFFFFF  }
0x98: {  	s19 =	sld [smem:$0x3FDB];
	_ =	sdelay $0x1  }
0x99: {  	s4 =	simm.s32 $_scs_section_size  }
0x9a: {  	s5 =	simm.s32 $_size__tile_overlayer_lowered;
	s6 =	simm.s32 $_tile_overlayer_lowered  }
0x9b: {  	s22 =	simm.s32 $0x1BFF;
	s21 =	sshll.u32 s6, $0x1;
	s3 =	sadd.s32 s4, s19  }
0x9c: {  	s7 =	simm.s32 $0x0;
	s20 =	sshll.u32 s5, $0x1;
	s5 =	sadd.s32 s21, s3  }
0x9d: {  	[timem:s7], [sflag:s22] =	dma.local [hbm:s5], s20  }
0x9e: {  	_ =	swait.ge [sflag:s22], s20  }
0x9f: {  	s4 =	ssub.s32 $0x0, s20;
	[sflag:s22] =	ssyncset.done $0x0  }
0xa0: {  	[sflag:s22] =	ssyncadd.s32 s4;
	_ =	sdelay $0x1  }
0xa1: {  	s23 =	simm.s32 $0x1B8B  }
0xa2: {  	_ =	swait.ge [sflag:s23], $0x1  }
0xa3: {  	[sflag:s23] =	ssyncset.done $0x0  }
0xa4: {  	s25 =	simm.s32 $0x1B8E;
	s24 =	sld [smem:$0x3FFE];
	[sflag:s23] =	ssyncadd.s32 $0xFFFFFFFF  }
0xa5: {  	s26 =	simm.s32 $execute0_lowered;
	[smem:$0x3FD2] =	sst s25  }
0xa6: {  	s5 =	sshll.u32 s26, $0x1;
	_ =	strace $0x80000049;
	[dreg:$0x1] =	wrdreg $0xFFFFFFFF  }
0xa7: {  	s28 =	simm.s32 $_size_execute0_lowered;
	s3 =	sadd.s32 s3, s5;
	[dreg:$0x0] =	wrdreg $0x0  }
0xa8: {  	s5 =	sshll.u32 s28, $0x1;
	[dreg:$0x2] =	wrdreg s3  }
0xa9: {  	[dreg:$0x3] =	wrdreg s5  }
0xaa: {  	[dreg:$0x4] =	wrdreg $0xC0  }
0xab: {  	_ =	task [dreg:s7], $0x5FFFF  }
0xac: {  	[dreg:$0x1] =	wrdreg $0xFFFFFFFF  }
0xad: {  	[dreg:$0x0] =	wrdreg $0x60  }
0xae: {  	[dreg:$0x2] =	wrdreg s2  }
0xaf: {  	[dreg:$0x3] =	wrdreg s24  }
0xb0: {  	[dreg:$0x4] =	wrdreg $0xB0000  }
0xb1: {  	[dreg:$0x5] =	wrdreg $0x9  }
0xb2: {  	_ =	task.clear_ibuf [dreg:s7], $0x6FFFF;
	_ =	strace $0x90000049  }
0xb3: {  	s29 =	simm.s32 $0x9;
	_ =	strace $0x8000004B  }
0xb4: {  	_ =	swait.ge [sflag:s29], $0x1  }
0xb5: {  	[sflag:s29] =	ssyncadd.s32 $0xFFFFFFFF  }
0xb6: {  	_ =	strace $0x9000004B  }
0xb7: {  	_ =	sfence  }
0xb8: {  	s30 =	sld [smem:$0x0];
	_ =	sdelay $0x2  }
0xb9: {  	s31 =	sshll.u32 s1, $0xD;
	s1 =	sshrl.u32 s1, $0x2  }
0xba: {  	s3 =	sand.u32 $0x4000, s31;
	s1 =	sadd.s32 s1, s30  }
0xbb: {  	s0 =	sor.u32 s3, s0;
	s1 =	sshll.u32 s1, $0x11  }
0xbc: {  	s0 =	sor.u32 s1, s0  }
0xbd: {  	s0 =	sadd.s32 $0x8F2B, s0  }
0xbe: {  	[sflag:s0] =	ssyncadd.remote.s32 $0x1  }
0xbf: {  	_ =	sfence.sel $0xFFFF  }
0xc0: {  	[dreg:$0x0] =	wrdreg $0xFFFFFFFF;
	(pc) =	sbr.abs _section_cstart, $3  }
0xc1: {  	[dreg:$0x1] =	wrdreg $0xFFFFFFFF  }
0xc2: {  	_ =	task.clear_ibuf [dreg:s7], $0x2FFFF;
	_ =	strace $0x9FFFFFFF  }
0xc3: {  	(tm) =	ssettm $0x7FFFFFFF  }
tec
execute0_lowered:
.L_overlay_start_1:
0x0: {  	(tag) =	ssettag $0x1  }
0x1: {  	s1 =	rddreg [dreg:$0x0]  }
0x2: {  	s0 =	rddreg [dreg:$0x1]  }
0x3: {  	s2 =	rddreg [dreg:$0x2];
	s3 =	srdreg.scid  }
0x4: {  	s4 =	simm.s32 $0x0;
	s11 =	stileid.u32;
	s18 =	simm.s32 $0x2  }
0x5: {  	s19 =	simm.s32 $0x1800;
	s20 =	simm.s32 $0x80;
	s21 =	simm.s32 $0x3000  }
0x6: {  	s22 =	simm.s32 $0x1;
	s23 =	simm.s32 $0x7000;
	s6 =	smul.u32 $0x13C00, s11  }
0x7: {  	s24 =	simm.s32 $0x2F00;
	s3 =	sand.u32 $0x1, s3;
	s8 =	smul.u32 $0x4F000, s11  }
0x8: {  	[smem:$0x7FF] =	sst s4;
	s13 =	sadd.s32 $0x2E00, s0;
	s28 =	smul.u32 $0x4800, s11  }
0x9: {  	s14 =	sadd.s32 $0xCE00, s0;
	s29 =	sshll.u32 s11, $0x6;
	s30 =	smul.u32 $0x900, s11  }
0xa: {  	s12 =	sshll.u32 s11, $0x8;
	s5 =	smul.u32 $0x13C000, s3;
	_ =	strace $0x8000004A  }
0xb: {  	s7 =	ssub.s32 $0x2, s3;
	p0 =	seq.s32 s3, $0x1;
	s15 =	sor.u32 $0x9000, s12  }
0xc: {  	s25 =	sshrl.u32 s7, $0x1;
	s26 =	sshrl.u32 s8, $0x2;
	s31 =	sshrl.u32 s28, $0x3  }
0xd: {  	s8 =	sadd.s32 s14, s30;
	s5 =	sadd.s32 s6, s5;
	s16 =	ssub.s32 s7, s25  }
0xe: {  	s17 =	sadd.s32 s26, s2;
	s7 =	sadd.s32 s13, s30;
	s10 =	sadd.s32 $0x300, s31  }
0xf: {  	s3 =	sadd.s32 $0x600, s31;
	s25 =	simm.s32 $0x2F80;
	s26 =	simm.s32 $0x0  }
.Ltmp0:
0x10: {  	s6 =	sshrl.u32 s5, $0x3;
	s5 =	sadd.s32 $0x16E00, s0;
	(pc) =	sbr.rel .LBB2_1-.Ltmp0, $4  }
0x11: {  	s9 =	sadd.s32 s13, s10;
	s10 =	sadd.s32 s14, s10;
	s11 =	sadd.s32 s13, s3  }
0x12: {  	s12 =	sadd.s32 s14, s3;
	s13 =	sadd.s32 s13, s15;
	s14 =	sadd.s32 s14, s15  }
0x13: {  	s16 =	smax.u32 s16, $0x1;
	s17 =	sshrl.u32 s17, $0x3;
	s0 =	sadd.s32 s6, s0  }
0x14: {  	s3 =	simm.s32 $0x1780;
	s6 =	sor.u32 $0x1C02, s29;
	s15 =	sadd.s32 $0x40800, s0  }
.LBB2_10:
0x15: {  	[tilespmem:s4], [sflag:$0x2] =	stream.linear.gather [hbm4b:s13+s4], $0x800, $0x38;
	[tilespmem:$0x1EC00] =	vst v63  }
0x16: {  	_ =	swait.ge [sflag:s18], $0x800  }
0x17: {  	[sflag:s18] =	ssyncset.done $0x0  }
0x18: {  	[sflag:s18] =	ssyncadd.s32 $0xFFFFF800  }
0x19: {  	[tilespmem:s19], [sflag:$0x2] =	stream.linear.gather [hbm4b:s14+s4], $0x800, $0x38;
	[tilespmem:$0x1EC00] =	vst v63  }
0x1a: {  	_ =	swait.ge [sflag:s18], $0x800  }
0x1b: {  	[sflag:s18] =	ssyncset.done $0x0  }
0x1c: {  	[sflag:s18] =	ssyncadd.s32 $0xFFFFF800  }
0x1d: {  	[tilespmem:s21], [sflag:$0x1] =	stream.indirect.gather [hbm4b:s1+s20], $0x80, s4, s20, $0xb8;
	[tilespmem:$0x1EC00] =	vst v63  }
0x1e: {  	_ =	swait.ge [sflag:s22], $0x4000  }
0x1f: {  	[sflag:s22] =	ssyncset.done $0x0  }
0x20: {  	[sflag:s22] =	ssyncadd.s32 $0xFFFFC000  }
0x21: {  	[tilespmem:s23], [sflag:$0x1] =	stream.indirect.gather [hbm4b:s1+s20], $0x80, s20, s20, $0xb8;
	[tilespmem:$0x1EC00] =	vst v63  }
0x22: {  	_ = 	snop  }
0x23: {  	[spmem:s2] =	stream.indirect.scatter.add.f32 [tilespmem:s21], [sflag:$0x2], $0x80, s19, s20, $0xb8;
	[tilespmem:$0x1EC00] =	vst v63  }
0x24: {  	_ =	swait.ge [sflag:s18], $0x4000  }
0x25: {  	[sflag:s18] =	ssyncset.done $0x0  }
0x26: {  	[sflag:s18] =	ssyncadd.s32 $0xFFFFC000  }
0x27: {  	_ =	swait.ge [sflag:s22], $0x4000  }
0x28: {  	[sflag:s22] =	ssyncset.done $0x0  }
0x29: {  	s0 =	simm.s32 $0x100;
	[sflag:s22] =	ssyncadd.s32 $0xFFFFC000  }
0x2a: {  	[tilespmem:s21], [sflag:$0x1] =	stream.indirect.gather [hbm4b:s1+s20], $0x80, s0, s20, $0xb8;
	[tilespmem:$0x1EC00] =	vst v63  }
0x2b: {  	s31 =	simm.s32 $0x1880  }
0x2c: {  	[spmem:s2] =	stream.indirect.scatter.add.f32 [tilespmem:s23], [sflag:$0x2], $0x80, s31, s20, $0xb8;
	[tilespmem:$0x1EC00] =	vst v63  }
0x2d: {  	_ =	swait.ge [sflag:s18], $0x4000  }
0x2e: {  	[sflag:s18] =	ssyncset.done $0x0  }
0x2f: {  	[sflag:s18] =	ssyncadd.s32 $0xFFFFC000  }
0x30: {  	_ =	swait.ge [sflag:s22], $0x4000  }
0x31: {  	[sflag:s22] =	ssyncset.done $0x0  }
0x32: {  	s31 =	simm.s32 $0x180;
	[sflag:s22] =	ssyncadd.s32 $0xFFFFC000  }
0x33: {  	[tilespmem:s23], [sflag:$0x1] =	stream.indirect.gather [hbm4b:s1+s20], $0x80, s31, s20, $0xb8;
	[tilespmem:$0x1EC00] =	vst v63  }
0x34: {  	s31 =	simm.s32 $0x1900  }
0x35: {  	[spmem:s2] =	stream.indirect.scatter.add.f32 [tilespmem:s21], [sflag:$0x2], $0x80, s31, s20, $0xb8;
	[tilespmem:$0x1EC00] =	vst v63  }
0x36: {  	_ =	swait.ge [sflag:s18], $0x4000  }
0x37: {  	[sflag:s18] =	ssyncset.done $0x0  }
0x38: {  	[sflag:s18] =	ssyncadd.s32 $0xFFFFC000  }
0x39: {  	_ =	swait.ge [sflag:s22], $0x4000  }
0x3a: {  	[sflag:s22] =	ssyncset.done $0x0  }
0x3b: {  	s31 =	simm.s32 $0x200;
	[sflag:s22] =	ssyncadd.s32 $0xFFFFC000  }
0x3c: {  	[tilespmem:s21], [sflag:$0x1] =	stream.indirect.gather [hbm4b:s1+s20], $0x80, s31, s20, $0xb8;
	[tilespmem:$0x1EC00] =	vst v63  }
0x3d: {  	s31 =	simm.s32 $0x1980  }
0x3e: {  	[spmem:s2] =	stream.indirect.scatter.add.f32 [tilespmem:s23], [sflag:$0x2], $0x80, s31, s20, $0xb8;
	[tilespmem:$0x1EC00] =	vst v63  }
0x3f: {  	_ =	swait.ge [sflag:s18], $0x4000  }
0x40: {  	[sflag:s18] =	ssyncset.done $0x0  }
0x41: {  	[sflag:s18] =	ssyncadd.s32 $0xFFFFC000  }
0x42: {  	_ =	swait.ge [sflag:s22], $0x4000  }
0x43: {  	[sflag:s22] =	ssyncset.done $0x0  }
0x44: {  	s31 =	simm.s32 $0x280;
	[sflag:s22] =	ssyncadd.s32 $0xFFFFC000  }
0x45: {  	[tilespmem:s23], [sflag:$0x1] =	stream.indirect.gather [hbm4b:s1+s20], $0x80, s31, s20, $0xb8;
	[tilespmem:$0x1EC00] =	vst v63  }
0x46: {  	s31 =	simm.s32 $0x1A00  }
0x47: {  	[spmem:s2] =	stream.indirect.scatter.add.f32 [tilespmem:s21], [sflag:$0x2], $0x80, s31, s20, $0xb8;
	[tilespmem:$0x1EC00] =	vst v63  }
0x48: {  	_ =	swait.ge [sflag:s18], $0x4000  }
0x49: {  	[sflag:s18] =	ssyncset.done $0x0  }
0x4a: {  	[sflag:s18] =	ssyncadd.s32 $0xFFFFC000  }
0x4b: {  	_ =	swait.ge [sflag:s22], $0x4000  }
0x4c: {  	[sflag:s22] =	ssyncset.done $0x0  }
0x4d: {  	s31 =	simm.s32 $0x300;
	[sflag:s22] =	ssyncadd.s32 $0xFFFFC000  }
0x4e: {  	[tilespmem:s21], [sflag:$0x1] =	stream.indirect.gather [hbm4b:s1+s20], $0x80, s31, s20, $0xb8;
	[tilespmem:$0x1EC00] =	vst v63  }
0x4f: {  	s31 =	simm.s32 $0x1A80  }
0x50: {  	[spmem:s2] =	stream.indirect.scatter.add.f32 [tilespmem:s23], [sflag:$0x2], $0x80, s31, s20, $0xb8;
	[tilespmem:$0x1EC00] =	vst v63  }
0x51: {  	_ =	swait.ge [sflag:s18], $0x4000  }
0x52: {  	[sflag:s18] =	ssyncset.done $0x0  }
0x53: {  	[sflag:s18] =	ssyncadd.s32 $0xFFFFC000  }
0x54: {  	_ =	swait.ge [sflag:s22], $0x4000  }
0x55: {  	[sflag:s22] =	ssyncset.done $0x0  }
0x56: {  	s31 =	simm.s32 $0x380;
	[sflag:s22] =	ssyncadd.s32 $0xFFFFC000  }
0x57: {  	[tilespmem:s23], [sflag:$0x1] =	stream.indirect.gather [hbm4b:s1+s20], $0x80, s31, s20, $0xb8;
	[tilespmem:$0x1EC00] =	vst v63  }
0x58: {  	s31 =	simm.s32 $0x1B00  }
0x59: {  	[spmem:s2] =	stream.indirect.scatter.add.f32 [tilespmem:s21], [sflag:$0x2], $0x80, s31, s20, $0xb8;
	[tilespmem:$0x1EC00] =	vst v63  }
0x5a: {  	_ =	swait.ge [sflag:s18], $0x4000  }
0x5b: {  	[sflag:s18] =	ssyncset.done $0x0  }
0x5c: {  	[sflag:s18] =	ssyncadd.s32 $0xFFFFC000  }
0x5d: {  	_ =	swait.ge [sflag:s22], $0x4000  }
0x5e: {  	[sflag:s22] =	ssyncset.done $0x0  }
0x5f: {  	s31 =	simm.s32 $0x400;
	[sflag:s22] =	ssyncadd.s32 $0xFFFFC000  }
0x60: {  	[tilespmem:s21], [sflag:$0x1] =	stream.indirect.gather [hbm4b:s1+s20], $0x80, s31, s20, $0xb8;
	[tilespmem:$0x1EC00] =	vst v63  }
0x61: {  	s31 =	simm.s32 $0x1B80  }
0x62: {  	[spmem:s2] =	stream.indirect.scatter.add.f32 [tilespmem:s23], [sflag:$0x2], $0x80, s31, s20, $0xb8;
	[tilespmem:$0x1EC00] =	vst v63  }
0x63: {  	_ =	swait.ge [sflag:s18], $0x4000  }
0x64: {  	[sflag:s18] =	ssyncset.done $0x0  }
0x65: {  	[sflag:s18] =	ssyncadd.s32 $0xFFFFC000  }
0x66: {  	_ =	swait.ge [sflag:s22], $0x4000  }
0x67: {  	[sflag:s22] =	ssyncset.done $0x0  }
0x68: {  	s31 =	simm.s32 $0x480;
	[sflag:s22] =	ssyncadd.s32 $0xFFFFC000  }
0x69: {  	[tilespmem:s23], [sflag:$0x1] =	stream.indirect.gather [hbm4b:s1+s20], $0x80, s31, s20, $0xb8;
	[tilespmem:$0x1EC00] =	vst v63  }
0x6a: {  	s31 =	simm.s32 $0x1C00  }
0x6b: {  	[spmem:s2] =	stream.indirect.scatter.add.f32 [tilespmem:s21], [sflag:$0x2], $0x80, s31, s20, $0xb8;
	[tilespmem:$0x1EC00] =	vst v63  }
0x6c: {  	_ =	swait.ge [sflag:s18], $0x4000  }
0x6d: {  	[sflag:s18] =	ssyncset.done $0x0  }
0x6e: {  	[sflag:s18] =	ssyncadd.s32 $0xFFFFC000  }
0x6f: {  	_ =	swait.ge [sflag:s22], $0x4000  }
0x70: {  	[sflag:s22] =	ssyncset.done $0x0  }
0x71: {  	s31 =	simm.s32 $0x500;
	[sflag:s22] =	ssyncadd.s32 $0xFFFFC000  }
0x72: {  	[tilespmem:s21], [sflag:$0x1] =	stream.indirect.gather [hbm4b:s1+s20], $0x80, s31, s20, $0xb8;
	[tilespmem:$0x1EC00] =	vst v63  }
0x73: {  	s31 =	simm.s32 $0x1C80  }
0x74: {  	[spmem:s2] =	stream.indirect.scatter.add.f32 [tilespmem:s23], [sflag:$0x2], $0x80, s31, s20, $0xb8;
	[tilespmem:$0x1EC00] =	vst v63  }
0x75: {  	_ =	swait.ge [sflag:s18], $0x4000  }
0x76: {  	[sflag:s18] =	ssyncset.done $0x0  }
0x77: {  	[sflag:s18] =	ssyncadd.s32 $0xFFFFC000  }
0x78: {  	_ =	swait.ge [sflag:s22], $0x4000  }
0x79: {  	[sflag:s22] =	ssyncset.done $0x0  }
0x7a: {  	s31 =	simm.s32 $0x580;
	[sflag:s22] =	ssyncadd.s32 $0xFFFFC000  }
0x7b: {  	[tilespmem:s23], [sflag:$0x1] =	stream.indirect.gather [hbm4b:s1+s20], $0x80, s31, s20, $0xb8;
	[tilespmem:$0x1EC00] =	vst v63  }
0x7c: {  	s31 =	simm.s32 $0x1D00  }
0x7d: {  	[spmem:s2] =	stream.indirect.scatter.add.f32 [tilespmem:s21], [sflag:$0x2], $0x80, s31, s20, $0xb8;
	[tilespmem:$0x1EC00] =	vst v63  }
0x7e: {  	_ =	swait.ge [sflag:s18], $0x4000  }
0x7f: {  	[sflag:s18] =	ssyncset.done $0x0  }
0x80: {  	[sflag:s18] =	ssyncadd.s32 $0xFFFFC000  }
0x81: {  	_ =	swait.ge [sflag:s22], $0x4000  }
0x82: {  	[sflag:s22] =	ssyncset.done $0x0  }
0x83: {  	s31 =	simm.s32 $0x600;
	[sflag:s22] =	ssyncadd.s32 $0xFFFFC000  }
0x84: {  	[tilespmem:s21], [sflag:$0x1] =	stream.indirect.gather [hbm4b:s1+s20], $0x80, s31, s20, $0xb8;
	[tilespmem:$0x1EC00] =	vst v63  }
0x85: {  	s31 =	simm.s32 $0x1D80  }
0x86: {  	[spmem:s2] =	stream.indirect.scatter.add.f32 [tilespmem:s23], [sflag:$0x2], $0x80, s31, s20, $0xb8;
	[tilespmem:$0x1EC00] =	vst v63  }
0x87: {  	_ =	swait.ge [sflag:s18], $0x4000  }
0x88: {  	[sflag:s18] =	ssyncset.done $0x0  }
0x89: {  	[sflag:s18] =	ssyncadd.s32 $0xFFFFC000  }
0x8a: {  	_ =	swait.ge [sflag:s22], $0x4000  }
0x8b: {  	[sflag:s22] =	ssyncset.done $0x0  }
0x8c: {  	s31 =	simm.s32 $0x680;
	[sflag:s22] =	ssyncadd.s32 $0xFFFFC000  }
0x8d: {  	[tilespmem:s23], [sflag:$0x1] =	stream.indirect.gather [hbm4b:s1+s20], $0x80, s31, s20, $0xb8;
	[tilespmem:$0x1EC00] =	vst v63  }
0x8e: {  	s31 =	simm.s32 $0x1E00  }
0x8f: {  	[spmem:s2] =	stream.indirect.scatter.add.f32 [tilespmem:s21], [sflag:$0x2], $0x80, s31, s20, $0xb8;
	[tilespmem:$0x1EC00] =	vst v63  }
0x90: {  	_ =	swait.ge [sflag:s18], $0x4000  }
0x91: {  	[sflag:s18] =	ssyncset.done $0x0  }
0x92: {  	[sflag:s18] =	ssyncadd.s32 $0xFFFFC000  }
0x93: {  	_ =	swait.ge [sflag:s22], $0x4000  }
0x94: {  	[sflag:s22] =	ssyncset.done $0x0  }
0x95: {  	s31 =	simm.s32 $0x700;
	[sflag:s22] =	ssyncadd.s32 $0xFFFFC000  }
0x96: {  	[tilespmem:s21], [sflag:$0x1] =	stream.indirect.gather [hbm4b:s1+s20], $0x80, s31, s20, $0xb8;
	[tilespmem:$0x1EC00] =	vst v63  }
0x97: {  	s31 =	simm.s32 $0x1E80  }
0x98: {  	[spmem:s2] =	stream.indirect.scatter.add.f32 [tilespmem:s23], [sflag:$0x2], $0x80, s31, s20, $0xb8;
	[tilespmem:$0x1EC00] =	vst v63  }
0x99: {  	_ =	swait.ge [sflag:s18], $0x4000  }
0x9a: {  	[sflag:s18] =	ssyncset.done $0x0  }
0x9b: {  	[sflag:s18] =	ssyncadd.s32 $0xFFFFC000  }
0x9c: {  	_ =	swait.ge [sflag:s22], $0x4000  }
0x9d: {  	s28 =	simm.s32 $0x1F80;
	[sflag:s22] =	ssyncset.done $0x0  }
0x9e: {  	s29 =	simm.s32 $0x1F00;
	s30 =	simm.s32 $0x780;
	[sflag:s22] =	ssyncadd.s32 $0xFFFFC000  }
.LBB2_11:
0x9f: {  	[tilespmem:s23], [sflag:$0x1] =	stream.indirect.gather [hbm4b:s1+s20], $0x80, s30, s20, $0xb8;
	[tilespmem:$0x1EC00] =	vst v63  }
0xa0: {  	_ = 	snop  }
0xa1: {  	[spmem:s2] =	stream.indirect.scatter.add.f32 [tilespmem:s21], [sflag:$0x2], $0x80, s29, s20, $0xb8;
	[tilespmem:$0x1EC00] =	vst v63  }
0xa2: {  	_ =	swait.ge [sflag:s18], $0x4000  }
0xa3: {  	[sflag:s18] =	ssyncset.done $0x0  }
0xa4: {  	[sflag:s18] =	ssyncadd.s32 $0xFFFFC000  }
0xa5: {  	_ =	swait.ge [sflag:s22], $0x4000  }
0xa6: {  	[sflag:s22] =	ssyncset.done $0x0  }
0xa7: {  	[sflag:s22] =	ssyncadd.s32 $0xFFFFC000  }
0xa8: {  	[spmem:s2] =	stream.indirect.scatter.add.f32 [tilespmem:s23], [sflag:$0x2], $0x80, s28, s20, $0xb8;
	[tilespmem:$0x1EC00] =	vst v63  }
0xa9: {  	_ =	swait.ge [sflag:s18], $0x4000  }
0xaa: {  	s26 =	sadd.s32 $0x1, s26;
	[sflag:s18] =	ssyncset.done $0x0  }
0xab: {  	p1 =	sne.s32 s26, s16;
	[sflag:s18] =	ssyncadd.s32 $0xFFFFC000  }
.Ltmp1:
0xac: {  	[bflag:$0x0] =	sbarrier.arrive $0xFFFF;
	(pc) =	sbr.rel @!p1 .LBB2_12-.Ltmp1, $4  }
0xad: {  	[hbm:s15], [sflag:s6] =	dma.local [spmem:s17], $0x2780  }
0xae: {  	_ =	swait.ge [sflag:s18], $0x2780  }
0xaf: {  	[sflag:s18] =	ssyncset.done $0x0  }
0xb0: {  	[sflag:s18] =	ssyncadd.s32 $0xFFFFD880  }
.LBB2_1:
0xb1: {  	[spmem:s17], [sflag:s6] =	dma.local [hbm:s5], $0x2780  }
.Ltmp2:
0xb2: {  	_ =	swait.ge [sflag:s18], $0x2780;
	(pc) =	sbr.rel @p0 .LBB2_10-.Ltmp2, $3  }
0xb3: {  	[sflag:s18] =	ssyncset.done $0x0  }
0xb4: {  	[sflag:s18] =	ssyncadd.s32 $0xFFFFD880  }
0xb5: {  	[bflag:$0x0] =	sbarrier.arrive $0xFFFF;
	_ =	sdelay $0x1  }
0xb6: {  	s28 =	simm.s32 $0x0  }
0xb7: {  	[tilespmem:s28], [sflag:$0x2] =	stream.linear.gather [hbm4b:s7+s28], $0x1800, $0x38;
	[tilespmem:$0x1EC00] =	vst v63  }
0xb8: {  	_ =	swait.ge [sflag:s18], $0x1800  }
0xb9: {  	[sflag:s18] =	ssyncset.done $0x0  }
0xba: {  	[sflag:s18] =	ssyncadd.s32 $0xFFFFE800  }
0xbb: {  	[tilespmem:s19], [sflag:$0x2] =	stream.linear.gather [hbm4b:s8+s28], $0x1800, $0x38;
	[tilespmem:$0x1EC00] =	vst v63  }
0xbc: {  	_ =	swait.ge [sflag:s18], $0x1800  }
0xbd: {  	[sflag:s18] =	ssyncset.done $0x0  }
0xbe: {  	[sflag:s18] =	ssyncadd.s32 $0xFFFFE800  }
0xbf: {  	[tilespmem:s21], [sflag:$0x1] =	stream.indirect.gather [hbm4b:s1+s20], $0x80, s28, s20, $0xb8;
	[tilespmem:$0x1EC00] =	vst v63  }
0xc0: {  	_ =	swait.ge [sflag:s22], $0x4000  }
0xc1: {  	[sflag:s22] =	ssyncset.done $0x0  }
0xc2: {  	s28 =	simm.s32 $0x80;
	[sflag:s22] =	ssyncadd.s32 $0xFFFFC000  }
0xc3: {  	[tilespmem:s23], [sflag:$0x1] =	stream.indirect.gather [hbm4b:s1+s20], $0x80, s28, s20, $0xb8;
	[tilespmem:$0x1EC00] =	vst v63  }
0xc4: {  	s28 =	simm.s32 $0x1800  }
0xc5: {  	[spmem:s2] =	stream.indirect.scatter.add.f32 [tilespmem:s21], [sflag:$0x2], $0x80, s28, s20, $0xb8;
	[tilespmem:$0x1EC00] =	vst v63  }
0xc6: {  	_ =	swait.ge [sflag:s18], $0x4000  }
0xc7: {  	[sflag:s18] =	ssyncset.done $0x0  }
0xc8: {  	[sflag:s18] =	ssyncadd.s32 $0xFFFFC000  }
0xc9: {  	_ =	swait.ge [sflag:s22], $0x4000  }
0xca: {  	[sflag:s22] =	ssyncset.done $0x0  }
0xcb: {  	s28 =	simm.s32 $0x100;
	[sflag:s22] =	ssyncadd.s32 $0xFFFFC000  }
0xcc: {  	[tilespmem:s21], [sflag:$0x1] =	stream.indirect.gather [hbm4b:s1+s20], $0x80, s28, s20, $0xb8;
	[tilespmem:$0x1EC00] =	vst v63  }
0xcd: {  	s28 =	simm.s32 $0x1880  }
0xce: {  	[spmem:s2] =	stream.indirect.scatter.add.f32 [tilespmem:s23], [sflag:$0x2], $0x80, s28, s20, $0xb8;
	[tilespmem:$0x1EC00] =	vst v63  }
0xcf: {  	_ =	swait.ge [sflag:s18], $0x4000  }
0xd0: {  	[sflag:s18] =	ssyncset.done $0x0  }
0xd1: {  	[sflag:s18] =	ssyncadd.s32 $0xFFFFC000  }
0xd2: {  	_ =	swait.ge [sflag:s22], $0x4000  }
0xd3: {  	s29 =	simm.s32 $0x800;
	s28 =	simm.s32 $0x100;
	[sflag:s22] =	ssyncset.done $0x0  }
.LBB2_3:
0xd4: {  	s30 =	sadd.s32 $0x80, s28  }
0xd5: {  	[sflag:s22] =	ssyncadd.s32 $0xFFFFC000;
	s31 =	smov.u32 s29;
	s0 =	sadd.s32 $0x400, s29  }
0xd6: {  	[tilespmem:s23], [sflag:$0x1] =	stream.indirect.gather [hbm4b:s1+s20], $0x80, s30, s20, $0xb8;
	[tilespmem:$0x1EC00] =	vst v63  }
0xd7: {  	p1 =	sne.s32 s29, $0x5800;
	s29 =	sadd.s32 $0x1800, s28  }
0xd8: {  	[spmem:s2] =	stream.indirect.scatter.add.f32 [tilespmem:s21], [sflag:$0x2], $0x80, s29, s20, $0xb8;
	[tilespmem:$0x1EC00] =	vst v63  }
0xd9: {  	_ =	swait.ge [sflag:s18], $0x4000  }
0xda: {  	[sflag:s18] =	ssyncset.done $0x0  }
0xdb: {  	[sflag:s18] =	ssyncadd.s32 $0xFFFFC000  }
0xdc: {  	_ =	swait.ge [sflag:s22], $0x4000  }
0xdd: {  	[sflag:s22] =	ssyncset.done $0x0  }
0xde: {  	s29 =	sadd.s32 $0x100, s28;
	[sflag:s22] =	ssyncadd.s32 $0xFFFFC000  }
0xdf: {  	[tilespmem:s21], [sflag:$0x1] =	stream.indirect.gather [hbm4b:s1+s20], $0x80, s29, s20, $0xb8;
	[tilespmem:$0x1EC00] =	vst v63  }
0xe0: {  	s28 =	sadd.s32 $0x1880, s28  }
0xe1: {  	[spmem:s2] =	stream.indirect.scatter.add.f32 [tilespmem:s23], [sflag:$0x2], $0x80, s28, s20, $0xb8;
	[tilespmem:$0x1EC00] =	vst v63  }
.Ltmp3:
0xe2: {  	_ =	swait.ge [sflag:s18], $0x4000;
	(pc) =	sbr.rel @p1 .LBB2_3-.Ltmp3, $4  }
0xe3: {  	[sflag:s18] =	ssyncset.done $0x0  }
0xe4: {  	[sflag:s18] =	ssyncadd.s32 $0xFFFFC000  }
0xe5: {  	_ =	swait.ge [sflag:s22], $0x4000  }
0xe6: {  	s29 =	smov.u32 s0;
	s28 =	sshra.s32 s31, $0x2;
	[sflag:s22] =	ssyncset.done $0x0  }
0xe7: {  	s0 =	sadd.s32 $0x80, s28;
	[sflag:s22] =	ssyncadd.s32 $0xFFFFC000  }
0xe8: {  	[tilespmem:s23], [sflag:$0x1] =	stream.indirect.gather [hbm4b:s1+s20], $0x80, s0, s20, $0xb8;
	[tilespmem:$0x1EC00] =	vst v63  }
0xe9: {  	s30 =	sadd.s32 $0x1800, s28  }
0xea: {  	[spmem:s2] =	stream.indirect.scatter.add.f32 [tilespmem:s21], [sflag:$0x2], $0x80, s30, s20, $0xb8;
	[tilespmem:$0x1EC00] =	vst v63  }
0xeb: {  	_ =	swait.ge [sflag:s18], $0x4000  }
0xec: {  	[sflag:s18] =	ssyncset.done $0x0  }
0xed: {  	[sflag:s18] =	ssyncadd.s32 $0xFFFFC000  }
0xee: {  	_ =	swait.ge [sflag:s22], $0x4000  }
0xef: {  	[sflag:s22] =	ssyncset.done $0x0  }
0xf0: {  	s31 =	sadd.s32 $0x100, s28;
	[sflag:s22] =	ssyncadd.s32 $0xFFFFC000  }
0xf1: {  	[tilespmem:s21], [sflag:$0x1] =	stream.indirect.gather [hbm4b:s1+s20], $0x80, s31, s20, $0xb8;
	[tilespmem:$0x1EC00] =	vst v63  }
0xf2: {  	s30 =	sadd.s32 $0x1880, s28  }
0xf3: {  	[spmem:s2] =	stream.indirect.scatter.add.f32 [tilespmem:s23], [sflag:$0x2], $0x80, s30, s20, $0xb8;
	[tilespmem:$0x1EC00] =	vst v63  }
0xf4: {  	_ =	swait.ge [sflag:s18], $0x4000  }
0xf5: {  	[sflag:s18] =	ssyncset.done $0x0  }
0xf6: {  	[sflag:s18] =	ssyncadd.s32 $0xFFFFC000  }
0xf7: {  	_ =	swait.ge [sflag:s22], $0x4000  }
0xf8: {  	[sflag:s22] =	ssyncset.done $0x0  }
0xf9: {  	[sflag:s22] =	ssyncadd.s32 $0xFFFFC000  }
0xfa: {  	[tilespmem:s23], [sflag:$0x1] =	stream.indirect.gather [hbm4b:s1+s20], $0x80, s3, s20, $0xb8;
	[tilespmem:$0x1EC00] =	vst v63  }
0xfb: {  	_ = 	snop  }
0xfc: {  	[spmem:s2] =	stream.indirect.scatter.add.f32 [tilespmem:s21], [sflag:$0x2], $0x80, s24, s20, $0xb8;
	[tilespmem:$0x1EC00] =	vst v63  }
0xfd: {  	_ =	swait.ge [sflag:s18], $0x4000  }
0xfe: {  	[sflag:s18] =	ssyncset.done $0x0  }
0xff: {  	[sflag:s18] =	ssyncadd.s32 $0xFFFFC000  }
0x100: {  	_ =	swait.ge [sflag:s22], $0x4000  }
0x101: {  	[sflag:s22] =	ssyncset.done $0x0  }
0x102: {  	[sflag:s22] =	ssyncadd.s32 $0xFFFFC000  }
0x103: {  	[spmem:s2] =	stream.indirect.scatter.add.f32 [tilespmem:s23], [sflag:$0x2], $0x80, s25, s20, $0xb8;
	[tilespmem:$0x1EC00] =	vst v63  }
0x104: {  	_ =	swait.ge [sflag:s18], $0x4000  }
0x105: {  	[sflag:s18] =	ssyncset.done $0x0  }
0x106: {  	s31 =	simm.s32 $0x0;
	[sflag:s18] =	ssyncadd.s32 $0xFFFFC000  }
0x107: {  	[tilespmem:s31], [sflag:$0x2] =	stream.linear.gather [hbm4b:s9+s31], $0x1800, $0x38;
	[tilespmem:$0x1EC00] =	vst v63  }
0x108: {  	_ =	swait.ge [sflag:s18], $0x1800  }
0x109: {  	[sflag:s18] =	ssyncset.done $0x0  }
0x10a: {  	[sflag:s18] =	ssyncadd.s32 $0xFFFFE800  }
0x10b: {  	[tilespmem:s19], [sflag:$0x2] =	stream.linear.gather [hbm4b:s10+s31], $0x1800, $0x38;
	[tilespmem:$0x1EC00] =	vst v63  }
0x10c: {  	_ =	swait.ge [sflag:s18], $0x1800  }
0x10d: {  	[sflag:s18] =	ssyncset.done $0x0  }
0x10e: {  	[sflag:s18] =	ssyncadd.s32 $0xFFFFE800  }
0x10f: {  	[tilespmem:s21], [sflag:$0x1] =	stream.indirect.gather [hbm4b:s1+s20], $0x80, s31, s20, $0xb8;
	[tilespmem:$0x1EC00] =	vst v63  }
0x110: {  	_ =	swait.ge [sflag:s22], $0x4000  }
0x111: {  	[sflag:s22] =	ssyncset.done $0x0  }
0x112: {  	s30 =	simm.s32 $0x80;
	[sflag:s22] =	ssyncadd.s32 $0xFFFFC000  }
0x113: {  	[tilespmem:s23], [sflag:$0x1] =	stream.indirect.gather [hbm4b:s1+s20], $0x80, s30, s20, $0xb8;
	[tilespmem:$0x1EC00] =	vst v63  }
0x114: {  	s31 =	simm.s32 $0x1800  }
0x115: {  	[spmem:s2] =	stream.indirect.scatter.add.f32 [tilespmem:s21], [sflag:$0x2], $0x80, s31, s20, $0xb8;
	[tilespmem:$0x1EC00] =	vst v63  }
0x116: {  	_ =	swait.ge [sflag:s18], $0x4000  }
0x117: {  	[sflag:s18] =	ssyncset.done $0x0  }
0x118: {  	[sflag:s18] =	ssyncadd.s32 $0xFFFFC000  }
0x119: {  	_ =	swait.ge [sflag:s22], $0x4000  }
0x11a: {  	[sflag:s22] =	ssyncset.done $0x0  }
0x11b: {  	s30 =	simm.s32 $0x100;
	[sflag:s22] =	ssyncadd.s32 $0xFFFFC000  }
0x11c: {  	[tilespmem:s21], [sflag:$0x1] =	stream.indirect.gather [hbm4b:s1+s20], $0x80, s30, s20, $0xb8;
	[tilespmem:$0x1EC00] =	vst v63  }
0x11d: {  	s31 =	simm.s32 $0x1880  }
0x11e: {  	[spmem:s2] =	stream.indirect.scatter.add.f32 [tilespmem:s23], [sflag:$0x2], $0x80, s31, s20, $0xb8;
	[tilespmem:$0x1EC00] =	vst v63  }
0x11f: {  	_ =	swait.ge [sflag:s18], $0x4000  }
0x120: {  	[sflag:s18] =	ssyncset.done $0x0  }
0x121: {  	[sflag:s18] =	ssyncadd.s32 $0xFFFFC000  }
0x122: {  	_ =	swait.ge [sflag:s22], $0x4000  }
0x123: {  	s29 =	simm.s32 $0x800;
	s28 =	simm.s32 $0x100;
	[sflag:s22] =	ssyncset.done $0x0  }
.LBB2_5:
0x124: {  	s0 =	sadd.s32 $0x80, s28  }
0x125: {  	[sflag:s22] =	ssyncadd.s32 $0xFFFFC000;
	s30 =	smov.u32 s29;
	s31 =	sadd.s32 $0x400, s29  }
0x126: {  	[tilespmem:s23], [sflag:$0x1] =	stream.indirect.gather [hbm4b:s1+s20], $0x80, s0, s20, $0xb8;
	[tilespmem:$0x1EC00] =	vst v63  }
0x127: {  	p1 =	sne.s32 s29, $0x5800;
	s0 =	sadd.s32 $0x1800, s28  }
0x128: {  	[spmem:s2] =	stream.indirect.scatter.add.f32 [tilespmem:s21], [sflag:$0x2], $0x80, s0, s20, $0xb8;
	[tilespmem:$0x1EC00] =	vst v63  }
0x129: {  	_ =	swait.ge [sflag:s18], $0x4000  }
0x12a: {  	[sflag:s18] =	ssyncset.done $0x0  }
0x12b: {  	[sflag:s18] =	ssyncadd.s32 $0xFFFFC000  }
0x12c: {  	_ =	swait.ge [sflag:s22], $0x4000  }
0x12d: {  	[sflag:s22] =	ssyncset.done $0x0  }
0x12e: {  	s0 =	sadd.s32 $0x100, s28;
	[sflag:s22] =	ssyncadd.s32 $0xFFFFC000  }
0x12f: {  	[tilespmem:s21], [sflag:$0x1] =	stream.indirect.gather [hbm4b:s1+s20], $0x80, s0, s20, $0xb8;
	[tilespmem:$0x1EC00] =	vst v63  }
0x130: {  	s0 =	sadd.s32 $0x1880, s28  }
0x131: {  	[spmem:s2] =	stream.indirect.scatter.add.f32 [tilespmem:s23], [sflag:$0x2], $0x80, s0, s20, $0xb8;
	[tilespmem:$0x1EC00] =	vst v63  }
.Ltmp4:
0x132: {  	_ =	swait.ge [sflag:s18], $0x4000;
	(pc) =	sbr.rel @p1 .LBB2_5-.Ltmp4, $4  }
0x133: {  	[sflag:s18] =	ssyncset.done $0x0  }
0x134: {  	[sflag:s18] =	ssyncadd.s32 $0xFFFFC000  }
0x135: {  	_ =	swait.ge [sflag:s22], $0x4000  }
0x136: {  	s29 =	smov.u32 s31;
	s28 =	sshra.s32 s30, $0x2;
	[sflag:s22] =	ssyncset.done $0x0  }
0x137: {  	s0 =	sadd.s32 $0x80, s28;
	[sflag:s22] =	ssyncadd.s32 $0xFFFFC000  }
0x138: {  	[tilespmem:s23], [sflag:$0x1] =	stream.indirect.gather [hbm4b:s1+s20], $0x80, s0, s20, $0xb8;
	[tilespmem:$0x1EC00] =	vst v63  }
0x139: {  	s31 =	sadd.s32 $0x1800, s28  }
0x13a: {  	[spmem:s2] =	stream.indirect.scatter.add.f32 [tilespmem:s21], [sflag:$0x2], $0x80, s31, s20, $0xb8;
	[tilespmem:$0x1EC00] =	vst v63  }
0x13b: {  	_ =	swait.ge [sflag:s18], $0x4000  }
0x13c: {  	[sflag:s18] =	ssyncset.done $0x0  }
0x13d: {  	[sflag:s18] =	ssyncadd.s32 $0xFFFFC000  }
0x13e: {  	_ =	swait.ge [sflag:s22], $0x4000  }
0x13f: {  	[sflag:s22] =	ssyncset.done $0x0  }
0x140: {  	s29 =	sadd.s32 $0x100, s28;
	[sflag:s22] =	ssyncadd.s32 $0xFFFFC000  }
0x141: {  	[tilespmem:s21], [sflag:$0x1] =	stream.indirect.gather [hbm4b:s1+s20], $0x80, s29, s20, $0xb8;
	[tilespmem:$0x1EC00] =	vst v63  }
0x142: {  	s30 =	sadd.s32 $0x1880, s28  }
0x143: {  	[spmem:s2] =	stream.indirect.scatter.add.f32 [tilespmem:s23], [sflag:$0x2], $0x80, s30, s20, $0xb8;
	[tilespmem:$0x1EC00] =	vst v63  }
0x144: {  	_ =	swait.ge [sflag:s18], $0x4000  }
0x145: {  	[sflag:s18] =	ssyncset.done $0x0  }
0x146: {  	[sflag:s18] =	ssyncadd.s32 $0xFFFFC000  }
0x147: {  	_ =	swait.ge [sflag:s22], $0x4000  }
0x148: {  	[sflag:s22] =	ssyncset.done $0x0  }
0x149: {  	[sflag:s22] =	ssyncadd.s32 $0xFFFFC000  }
0x14a: {  	[tilespmem:s23], [sflag:$0x1] =	stream.indirect.gather [hbm4b:s1+s20], $0x80, s3, s20, $0xb8;
	[tilespmem:$0x1EC00] =	vst v63  }
0x14b: {  	_ = 	snop  }
0x14c: {  	[spmem:s2] =	stream.indirect.scatter.add.f32 [tilespmem:s21], [sflag:$0x2], $0x80, s24, s20, $0xb8;
	[tilespmem:$0x1EC00] =	vst v63  }
0x14d: {  	_ =	swait.ge [sflag:s18], $0x4000  }
0x14e: {  	[sflag:s18] =	ssyncset.done $0x0  }
0x14f: {  	[sflag:s18] =	ssyncadd.s32 $0xFFFFC000  }
0x150: {  	_ =	swait.ge [sflag:s22], $0x4000  }
0x151: {  	[sflag:s22] =	ssyncset.done $0x0  }
0x152: {  	[sflag:s22] =	ssyncadd.s32 $0xFFFFC000  }
0x153: {  	[spmem:s2] =	stream.indirect.scatter.add.f32 [tilespmem:s23], [sflag:$0x2], $0x80, s25, s20, $0xb8;
	[tilespmem:$0x1EC00] =	vst v63  }
0x154: {  	_ =	swait.ge [sflag:s18], $0x4000  }
0x155: {  	[sflag:s18] =	ssyncset.done $0x0  }
0x156: {  	s31 =	simm.s32 $0x0;
	[sflag:s18] =	ssyncadd.s32 $0xFFFFC000  }
0x157: {  	[tilespmem:s31], [sflag:$0x2] =	stream.linear.gather [hbm4b:s11+s31], $0x1800, $0x38;
	[tilespmem:$0x1EC00] =	vst v63  }
0x158: {  	_ =	swait.ge [sflag:s18], $0x1800  }
0x159: {  	[sflag:s18] =	ssyncset.done $0x0  }
0x15a: {  	[sflag:s18] =	ssyncadd.s32 $0xFFFFE800  }
0x15b: {  	[tilespmem:s19], [sflag:$0x2] =	stream.linear.gather [hbm4b:s12+s31], $0x1800, $0x38;
	[tilespmem:$0x1EC00] =	vst v63  }
0x15c: {  	_ =	swait.ge [sflag:s18], $0x1800  }
0x15d: {  	p2 =	por $0x0, $0x0;
	[sflag:s18] =	ssyncset.done $0x0  }
.Ltmp5:
0x15e: {  	[sflag:s18] =	ssyncadd.s32 $0xFFFFE800;
	(pc) =	sbr.rel @p2 .LBB2_9-.Ltmp5, $4  }
0x15f: {  	[tilespmem:s21], [sflag:$0x1] =	stream.indirect.gather [hbm4b:s1+s20], $0x80, s31, s20, $0xb8;
	[tilespmem:$0x1EC00] =	vst v63  }
0x160: {  	_ =	swait.ge [sflag:s22], $0x4000  }
0x161: {  	[sflag:s22] =	ssyncset.done $0x0  }
0x162: {  	s28 =	simm.s32 $0x0;
	p1 =	por $0x0, $0x0;
	[sflag:s22] =	ssyncadd.s32 $0xFFFFC000  }
0x163: {  	s0 =	simm.s32 $0x80  }
0x164: {  	[tilespmem:s23], [sflag:$0x1] =	stream.indirect.gather [hbm4b:s1+s20], $0x80, s0, s20, $0xb8;
	[tilespmem:$0x1EC00] =	vst v63  }
0x165: {  	s31 =	simm.s32 $0x1800  }
0x166: {  	[spmem:s2] =	stream.indirect.scatter.add.f32 [tilespmem:s21], [sflag:$0x2], $0x80, s31, s20, $0xb8;
	[tilespmem:$0x1EC00] =	vst v63  }
0x167: {  	_ =	swait.ge [sflag:s18], $0x4000  }
0x168: {  	[sflag:s18] =	ssyncset.done $0x0  }
0x169: {  	[sflag:s18] =	ssyncadd.s32 $0xFFFFC000  }
0x16a: {  	_ =	swait.ge [sflag:s22], $0x4000  }
0x16b: {  	[sflag:s22] =	ssyncset.done $0x0  }
0x16c: {  	s30 =	simm.s32 $0x100;
	[sflag:s22] =	ssyncadd.s32 $0xFFFFC000  }
0x16d: {  	[tilespmem:s21], [sflag:$0x1] =	stream.indirect.gather [hbm4b:s1+s20], $0x80, s30, s20, $0xb8;
	[tilespmem:$0x1EC00] =	vst v63  }
0x16e: {  	p2 =	por $0x0, $0x0;
	s31 =	simm.s32 $0x1880  }
0x16f: {  	[spmem:s2] =	stream.indirect.scatter.add.f32 [tilespmem:s23], [sflag:$0x2], $0x80, s31, s20, $0xb8;
	[tilespmem:$0x1EC00] =	vst v63  }
.Ltmp6:
0x170: {  	_ =	swait.ge [sflag:s18], $0x4000;
	(pc) =	sbr.rel @p2 .LBB2_9-.Ltmp6, $4  }
0x171: {  	[sflag:s18] =	ssyncset.done $0x0  }
0x172: {  	[sflag:s18] =	ssyncadd.s32 $0xFFFFC000  }
0x173: {  	s29 =	simm.s32 $0x800;
	_ =	swait.ge [sflag:s22], $0x4000  }
0x174: {  	s28 =	simm.s32 $0x100;
	p1 =	por $0x1, $0x1;
	[sflag:s22] =	ssyncset.done $0x0  }
.LBB2_8:
0x175: {  	s0 =	sadd.s32 $0x80, s28  }
0x176: {  	[sflag:s22] =	ssyncadd.s32 $0xFFFFC000;
	s30 =	smov.u32 s29;
	s31 =	sadd.s32 $0x400, s29  }
0x177: {  	[tilespmem:s23], [sflag:$0x1] =	stream.indirect.gather [hbm4b:s1+s20], $0x80, s0, s20, $0xb8;
	[tilespmem:$0x1EC00] =	vst v63  }
0x178: {  	p2 =	seq.s32 s29, $0x5800;
	s0 =	sadd.s32 $0x1800, s28  }
0x179: {  	[spmem:s2] =	stream.indirect.scatter.add.f32 [tilespmem:s21], [sflag:$0x2], $0x80, s0, s20, $0xb8;
	[tilespmem:$0x1EC00] =	vst v63  }
0x17a: {  	_ =	swait.ge [sflag:s18], $0x4000  }
0x17b: {  	[sflag:s18] =	ssyncset.done $0x0  }
0x17c: {  	[sflag:s18] =	ssyncadd.s32 $0xFFFFC000  }
0x17d: {  	_ =	swait.ge [sflag:s22], $0x4000  }
0x17e: {  	[sflag:s22] =	ssyncset.done $0x0  }
0x17f: {  	s0 =	sadd.s32 $0x100, s28;
	[sflag:s22] =	ssyncadd.s32 $0xFFFFC000  }
0x180: {  	[tilespmem:s21], [sflag:$0x1] =	stream.indirect.gather [hbm4b:s1+s20], $0x80, s0, s20, $0xb8;
	[tilespmem:$0x1EC00] =	vst v63  }
0x181: {  	s0 =	sadd.s32 $0x1880, s28  }
0x182: {  	[spmem:s2] =	stream.indirect.scatter.add.f32 [tilespmem:s23], [sflag:$0x2], $0x80, s0, s20, $0xb8;
	[tilespmem:$0x1EC00] =	vst v63  }
.Ltmp7:
0x183: {  	_ =	swait.ge [sflag:s18], $0x4000;
	(pc) =	sbr.rel @!p2 .LBB2_8-.Ltmp7, $4  }
0x184: {  	[sflag:s18] =	ssyncset.done $0x0  }
0x185: {  	[sflag:s18] =	ssyncadd.s32 $0xFFFFC000  }
0x186: {  	_ =	swait.ge [sflag:s22], $0x4000  }
0x187: {  	s29 =	smov.u32 s31;
	s28 =	sshra.s32 s30, $0x2;
	[sflag:s22] =	ssyncset.done $0x0  }
.LBB2_9:
0x188: {  	s0 =	sadd.s32 $0x80, s28;
	[sflag:s22] =	ssyncadd.s32 @p1 $0xFFFFC000  }
0x189: {  	[tilespmem:s23], [sflag:$0x1] =	stream.indirect.gather [hbm4b:s1+s20], $0x80, s0, s20, $0xb8;
	[tilespmem:$0x1EC00] =	vst v63  }
0x18a: {  	s31 =	sadd.s32 $0x1800, s28  }
0x18b: {  	[spmem:s2] =	stream.indirect.scatter.add.f32 [tilespmem:s21], [sflag:$0x2], $0x80, s31, s20, $0xb8;
	[tilespmem:$0x1EC00] =	vst v63  }
0x18c: {  	_ =	swait.ge [sflag:s18], $0x4000  }
0x18d: {  	[sflag:s18] =	ssyncset.done $0x0  }
0x18e: {  	[sflag:s18] =	ssyncadd.s32 $0xFFFFC000  }
0x18f: {  	_ =	swait.ge [sflag:s22], $0x4000  }
0x190: {  	[sflag:s22] =	ssyncset.done $0x0  }
0x191: {  	s31 =	sadd.s32 $0x100, s28;
	[sflag:s22] =	ssyncadd.s32 $0xFFFFC000  }
0x192: {  	[tilespmem:s21], [sflag:$0x1] =	stream.indirect.gather [hbm4b:s1+s20], $0x80, s31, s20, $0xb8;
	[tilespmem:$0x1EC00] =	vst v63  }
0x193: {  	s31 =	sadd.s32 $0x1880, s28  }
0x194: {  	[spmem:s2] =	stream.indirect.scatter.add.f32 [tilespmem:s23], [sflag:$0x2], $0x80, s31, s20, $0xb8;
	[tilespmem:$0x1EC00] =	vst v63  }
0x195: {  	_ =	swait.ge [sflag:s18], $0x4000  }
.Ltmp8:
0x196: {  	[sflag:s18] =	ssyncset.done $0x0;
	(pc) =	sbr.rel .LBB2_11-.Ltmp8, $4  }
0x197: {  	[sflag:s18] =	ssyncadd.s32 $0xFFFFC000  }
0x198: {  	_ =	swait.ge [sflag:s22], $0x4000  }
0x199: {  	s29 =	simm.s32 $0x2F00;
	[sflag:s22] =	ssyncset.done $0x0  }
0x19a: {  	s30 =	simm.s32 $0x1780;
	s28 =	simm.s32 $0x2F80;
	[sflag:s22] =	ssyncadd.s32 $0xFFFFC000  }
.LBB2_12:
0x19b: {  	_ =	sfence.sel $0x180000  }
0x19c: {  	[bflag:$0x0] =	sbarrier.arrive $0xFFFF  }
0x19d: {  	_ =	strace $0x9000004A  }
0x19e: {  	s0 =	stileid.u32;
	[bflag:$0x2] =	sbarrier.arrive $0xFFFF  }
0x19f: {  	p0 =	sne.s32 s0, $0x0;
	s0 =	rddreg [dreg:$0x3]  }
0x1a0: {  	s0 =	sadd.s32 @!p0 $0x100000, s0  }
0x1a1: {  	[sflag:s0] =	ssyncadd.tile.s32 @!p0 $0x1;
	_ =	shalt  }
.Lfunc_end2:
_tile_overlayer_lowered:
.L_overlay_start_2:
0x1a2: {  	(tag) =	ssettag $0x2  }
0x1a3: {  	s0 =	rddreg [dreg:$0x0];
	s2 =	stileid.u32  }
0x1a4: {  	s1 =	rddreg [dreg:$0x1];
	p0 =	sne.s32 s2, $0x0  }
0x1a5: {  	s3 =	rddreg [dreg:$0x2];
	[bflag:$0x3] =	sbarrier.arrive $0xFFFF;
	s2 =	simm.s32 @!p0 $0x1C02  }
0x1a6: {  	[timem:s3], [sflag:s2] =	dma.local @!p0 [hbm:s0], s1  }
0x1a7: {  	s0 =	simm.s32 @!p0 $0x2  }
0x1a8: {  	_ =	swait.ge @!p0 [sflag:s0], s1  }
0x1a9: {  	s1 =	ssub.s32 @!p0 $0x0, s1;
	[sflag:s0] =	ssyncset.done @!p0 $0x0  }
0x1aa: {  	[sflag:s0] =	ssyncadd.s32 @!p0 s1  }
0x1ab: {  	[bflag:$0x3] =	sbarrier.arrive $0xFFFF  }
0x1ac: {  	_ =	shalt  }

// kernel: kernel.14.cloned.1.call-start
scs
__scs_entry_jumppad:
0x0: {  	(pc) =	sbr.rel $0x88, $3  }
0x1: {  	(tag) =	ssettag $0x0;
	lr =	simm.s32 $0x1  }
0x2: {  	[smem:$0x3F9B] =	sst lr;
	_ =	strace $0xD0000000  }
0x3: {  	_ = 	snop  }
0x4: {  	_ = 	snop  }
0x5: {  	_ = 	snop  }
0x6: {  	_ = 	snop  }
0x7: {  	_ = 	snop  }
__scs_overlays_trampoline_lowered:
0x8: {  	[smem:$0x3FAA] =	sst s0  }
0x9: {  	[smem:$0x3FAB] =	sst s1  }
0xa: {  	[smem:$0x3FAC] =	sst s2  }
0xb: {  	[smem:$0x3FAD] =	sst s3  }
0xc: {  	[smem:$0x3FAE] =	sst s4  }
0xd: {  	[smem:$0x3FAF] =	sst s5  }
0xe: {  	[smem:$0x3FB0] =	sst s6  }
0xf: {  	[smem:$0x3FB1] =	sst s7  }
0x10: {  	[smem:$0x3FB2] =	sst s8  }
0x11: {  	[smem:$0x3FB3] =	sst s9;
	s0 =	simm.s32 @!p0 $0x0  }
0x12: {  	s1 =	sld [smem:$0x3F99];
	s0 =	simm.s32 @p0 $0x1  }
0x13: {  	[smem:$0x3FB4] =	sst s0;
	s0 =	simm.s32 @!p1 $0x0  }
0x14: {  	s2 =	sld [smem:$0x3F98];
	s0 =	simm.s32 @p1 $0x1  }
0x15: {  	[smem:$0x3FB5] =	sst s0;
	s0 =	simm.s32 @!p2 $0x0  }
0x16: {  	s3 =	sld [smem:$0x3FDB];
	s0 =	simm.s32 @p2 $0x1  }
0x17: {  	s4 =	simm.s32 $0x1BF5;
	[smem:$0x3FB7] =	sst s0  }
0x18: {  	s0 =	sld [smem:$0x3F9A];
	_ =	swait.ge [sflag:s4], $0x0  }
0x19: {  	s7 =	sld [smem:$0x3F9B]  }
0x1a: {  	s8 =	sadd.s32 $0xFFFFE003, lr  }
0x1b: {  	s9 =	sadd.s32 $0xFFFFFEF7, lr;
	s5 =	simm.s32 $0xFFFFFFFF;
	p2 =	slt.u32 s8, $0xFFFFF086  }
0x1c: {  	p1 =	slt.u32 s9, $0xF7A;
	s5 =	simm.s32 @!p2 $0x0  }
0x1d: {  	s5 =	simm.s32 @p1 $0x1;
	p0 =	seq.s32 s7, s2  }
0x1e: {  	s7 =	smul.u32 @!p0 $0xF7A, s2;
	p2 =	seq.s32 @!p0 s5, $0x0  }
0x1f: {  	s9 =	smul.u32 $0xF7A, s1;
	s8 =	simm.s32 @!p0 $0x1BF5;
	p2 =	por !p2, p0  }
0x20: {  	[sflag:s8] =	ssyncset.s32 @!p0 $0xFFFFF086;
	s6 =	sadd.s32 @!p0 s3, s7;
	s7 =	simm.s32 @!p0 $0x108  }
0x21: {  	s3 =	sadd.s32 s3, s9;
	s6 =	sadd.s32 @!p0 $0x88, s6;
	s7 =	simm.s32 @p2 $0x1082  }
0x22: {  	[simem:s7], [sflag:s8] =	dma.local @!p0 [hbm:s6], $0xF7A  }
0x23: {  	s9 =	sor.u32 $0xD0000000, s2;
	s6 =	simm.s32 $0x108;
	_ =	swait.ge @!p0 [sflag:s8], $0x0  }
0x24: {  	s3 =	sadd.s32 $0x88, s3;
	s6 =	simm.s32 @!p1 $0x1082;
	[sflag:s4] =	ssyncset.s32 $0xFFFFF086  }
0x25: {  	[simem:s6], [sflag:s4] =	dma.local [hbm:s3], $0xF7A  }
0x26: {  	[smem:$0x3F9B] =	sst s1;
	(tag) =	ssettag s2;
	_ =	strace s9  }
0x27: {  	s1 =	sld [smem:$0x3FAB]  }
0x28: {  	s2 =	sld [smem:$0x3FAC]  }
0x29: {  	s4 =	sld [smem:$0x3FAE]  }
0x2a: {  	p0 =	seq.s32 s5, $0x0;
	s5 =	sld [smem:$0x3FAF]  }
0x2b: {  	s6 =	sld [smem:$0x3FB0]  }
0x2c: {  	s7 =	sld [smem:$0x3FB1]  }
0x2d: {  	s3 =	simm.s32 $0x108;
	s8 =	sld [smem:$0x3FB2]  }
0x2e: {  	s3 =	simm.s32 @!p0 $0x1082;
	s9 =	sld [smem:$0x3FB3]  }
0x2f: {  	lr =	sadd.s32 s0, s3;
	s0 =	sld [smem:$0x3FAA]  }
0x30: {  	s3 =	sld [smem:$0x3FAD]  }
0x31: {  	[smem:$0x3FB6] =	sst s10  }
0x32: {  	s10 =	sld [smem:$0x3FB4];
	_ =	sdelay $0x3  }
0x33: {  	p0 =	seq.s32 s10, $0x1;
	s10 =	sld [smem:$0x3FB6];
	_ =	sdelay $0x3  }
0x34: {  	[smem:$0x3FB6] =	sst s10  }
0x35: {  	s10 =	sld [smem:$0x3FB5];
	_ =	sdelay $0x3  }
0x36: {  	p1 =	seq.s32 s10, $0x1;
	s10 =	sld [smem:$0x3FB6];
	_ =	sdelay $0x3  }
0x37: {  	[smem:$0x3FB6] =	sst s10  }
0x38: {  	s10 =	sld [smem:$0x3FB7]  }
0x39: {  	_ = 	snop;
	(pc) =	sbr.ind lr, $3  }
0x3a: {  	_ = 	snop  }
0x3b: {  	_ = 	snop  }
0x3c: {  	p2 =	seq.s32 s10, $0x1;
	s10 =	sld [smem:$0x3FB6]  }
0x3d: {  	_ =	shalt  }
0x3e: {  	_ =	shalt  }
0x3f: {  	_ =	shalt  }
0x40: {  	_ =	shalt  }
0x41: {  	_ =	shalt  }
0x42: {  	_ =	shalt  }
0x43: {  	_ =	shalt  }
0x44: {  	_ =	shalt  }
0x45: {  	_ =	shalt  }
0x46: {  	_ =	shalt  }
0x47: {  	_ =	shalt  }
0x48: {  	_ =	shalt  }
0x49: {  	_ =	shalt  }
0x4a: {  	_ =	shalt  }
0x4b: {  	_ =	shalt  }
0x4c: {  	_ =	shalt  }
0x4d: {  	_ =	shalt  }
0x4e: {  	_ =	shalt  }
0x4f: {  	_ =	shalt  }
0x50: {  	_ =	shalt  }
0x51: {  	_ =	shalt  }
0x52: {  	_ =	shalt  }
0x53: {  	_ =	shalt  }
0x54: {  	_ =	shalt  }
0x55: {  	_ =	shalt  }
0x56: {  	_ =	shalt  }
0x57: {  	_ =	shalt  }
0x58: {  	_ =	shalt  }
0x59: {  	_ =	shalt  }
0x5a: {  	_ =	shalt  }
0x5b: {  	_ =	shalt  }
0x5c: {  	_ =	shalt  }
0x5d: {  	_ =	shalt  }
0x5e: {  	_ =	shalt  }
0x5f: {  	_ =	shalt  }
0x60: {  	_ =	shalt  }
0x61: {  	_ =	shalt  }
0x62: {  	_ =	shalt  }
0x63: {  	_ =	shalt  }
0x64: {  	_ =	shalt  }
0x65: {  	_ =	shalt  }
0x66: {  	_ =	shalt  }
0x67: {  	_ =	shalt  }
0x68: {  	_ =	shalt  }
0x69: {  	_ =	shalt  }
0x6a: {  	_ =	shalt  }
0x6b: {  	_ =	shalt  }
0x6c: {  	_ =	shalt  }
0x6d: {  	_ =	shalt  }
0x6e: {  	_ =	shalt  }
0x6f: {  	_ =	shalt  }
0x70: {  	_ =	shalt  }
0x71: {  	_ =	shalt  }
0x72: {  	_ =	shalt  }
0x73: {  	_ =	shalt  }
0x74: {  	_ =	shalt  }
0x75: {  	_ =	shalt  }
0x76: {  	_ =	shalt  }
0x77: {  	_ =	shalt  }
0x78: {  	_ =	shalt  }
0x79: {  	_ =	shalt  }
0x7a: {  	_ =	shalt  }
0x7b: {  	_ =	shalt  }
0x7c: {  	_ =	shalt  }
0x7d: {  	_ =	shalt  }
0x7e: {  	_ =	shalt  }
0x7f: {  	_ =	shalt  }
0x80: {  	_ =	shalt  }
0x81: {  	_ =	shalt  }
0x82: {  	_ =	shalt  }
0x83: {  	_ =	shalt  }
0x84: {  	_ =	shalt  }
0x85: {  	_ =	shalt  }
0x86: {  	_ =	shalt  }
0x87: {  	_ =	shalt  }
.Lfunc_end0:
.L_simem_size_0:
called_computation.2_lowered:
.L_overlay_start_0:
0x88: {  	s2 =	sld [smem:$0x3FD9]  }
0x89: {  	s3 =	sld [smem:$0x3FFE];
	_ =	sdelay $0x1  }
0x8a: {  	s1 =	srdreg.scid  }
0x8b: {  	s0 =	sand.u32 $0x1, s1  }
0x8c: {  	s17 =	sshll.u32 s0, $0xA;
	s2 =	sadd.s32 s3, s2  }
0x8d: {  	s2 =	sadd.s32 s2, s17  }
0x8e: {  	[smem:$0x3FC2] =	sst s2  }
0x8f: {  	_ = 	snop  }
0x90: {  	s2 =	sld [smem:$0x3FD0];
	(tm) =	ssettm $0x1  }
0x91: {  	s18 =	sld [smem:$0x3FFB];
	_ =	sdelay $0x3  }
0x92: {  	_ =	strace s18  }
0x93: {  	s3 =	sld [smem:$0x3FFC];
	_ =	sdelay $0x3  }
0x94: {  	_ =	strace s3  }
0x95: {  	s3 =	sld [smem:$0x3FFD];
	_ =	sdelay $0x3  }
0x96: {  	_ =	strace s3  }
0x97: {  	_ =	strace $0x8FFFFFFF  }
0x98: {  	s19 =	sld [smem:$0x3FDB];
	_ =	sdelay $0x1  }
0x99: {  	s4 =	simm.s32 $_scs_section_size  }
0x9a: {  	s5 =	simm.s32 $_size__tile_overlayer_lowered;
	s6 =	simm.s32 $_tile_overlayer_lowered  }
0x9b: {  	s22 =	simm.s32 $0x1BFF;
	s21 =	sshll.u32 s6, $0x1;
	s3 =	sadd.s32 s4, s19  }
0x9c: {  	s7 =	simm.s32 $0x0;
	s20 =	sshll.u32 s5, $0x1;
	s5 =	sadd.s32 s21, s3  }
0x9d: {  	[timem:s7], [sflag:s22] =	dma.local [hbm:s5], s20  }
0x9e: {  	_ =	swait.ge [sflag:s22], s20  }
0x9f: {  	s4 =	ssub.s32 $0x0, s20;
	[sflag:s22] =	ssyncset.done $0x0  }
0xa0: {  	[sflag:s22] =	ssyncadd.s32 s4;
	_ =	sdelay $0x1  }
0xa1: {  	s23 =	simm.s32 $0x1B8B  }
0xa2: {  	_ =	swait.ge [sflag:s23], $0x1  }
0xa3: {  	[sflag:s23] =	ssyncset.done $0x0  }
0xa4: {  	s25 =	simm.s32 $0x1B8E;
	s24 =	sld [smem:$0x3FFE];
	[sflag:s23] =	ssyncadd.s32 $0xFFFFFFFF  }
0xa5: {  	s26 =	simm.s32 $execute0_lowered;
	[smem:$0x3FD2] =	sst s25  }
0xa6: {  	s5 =	sshll.u32 s26, $0x1;
	_ =	strace $0x8000004C;
	[dreg:$0x1] =	wrdreg $0xFFFFFFFF  }
0xa7: {  	s28 =	simm.s32 $_size_execute0_lowered;
	s3 =	sadd.s32 s3, s5;
	[dreg:$0x0] =	wrdreg $0x0  }
0xa8: {  	s5 =	sshll.u32 s28, $0x1;
	[dreg:$0x2] =	wrdreg s3  }
0xa9: {  	[dreg:$0x3] =	wrdreg s5  }
0xaa: {  	[dreg:$0x4] =	wrdreg $0xC0  }
0xab: {  	_ =	task [dreg:s7], $0x5FFFF  }
0xac: {  	[dreg:$0x1] =	wrdreg $0xFFFFFFFF  }
0xad: {  	[dreg:$0x0] =	wrdreg $0x60  }
0xae: {  	[dreg:$0x2] =	wrdreg s2  }
0xaf: {  	[dreg:$0x3] =	wrdreg s24  }
0xb0: {  	[dreg:$0x4] =	wrdreg $0xB0000  }
0xb1: {  	[dreg:$0x5] =	wrdreg $0x9  }
0xb2: {  	_ =	task.clear_ibuf [dreg:s7], $0x6FFFF;
	_ =	strace $0x9000004C  }
0xb3: {  	s29 =	simm.s32 $0x9;
	_ =	strace $0x8000004E  }
0xb4: {  	_ =	swait.ge [sflag:s29], $0x1  }
0xb5: {  	[sflag:s29] =	ssyncadd.s32 $0xFFFFFFFF  }
0xb6: {  	_ =	strace $0x9000004E  }
0xb7: {  	_ =	sfence  }
0xb8: {  	s30 =	sld [smem:$0x0];
	_ =	sdelay $0x2  }
0xb9: {  	s31 =	sshll.u32 s1, $0xD;
	s1 =	sshrl.u32 s1, $0x2  }
0xba: {  	s3 =	sand.u32 $0x4000, s31;
	s1 =	sadd.s32 s1, s30  }
0xbb: {  	s0 =	sor.u32 s3, s0;
	s1 =	sshll.u32 s1, $0x11  }
0xbc: {  	s0 =	sor.u32 s1, s0  }
0xbd: {  	s0 =	sadd.s32 $0x8F2B, s0  }
0xbe: {  	[sflag:s0] =	ssyncadd.remote.s32 $0x1  }
0xbf: {  	_ =	sfence.sel $0xFFFF  }
0xc0: {  	[dreg:$0x0] =	wrdreg $0xFFFFFFFF;
	(pc) =	sbr.abs _section_cstart, $3  }
0xc1: {  	[dreg:$0x1] =	wrdreg $0xFFFFFFFF  }
0xc2: {  	_ =	task.clear_ibuf [dreg:s7], $0x2FFFF;
	_ =	strace $0x9FFFFFFF  }
0xc3: {  	(tm) =	ssettm $0x7FFFFFFF  }
tec
execute0_lowered:
.L_overlay_start_1:
0x0: {  	(tag) =	ssettag $0x1  }
0x1: {  	s1 =	rddreg [dreg:$0x0]  }
0x2: {  	s0 =	rddreg [dreg:$0x1]  }
0x3: {  	s2 =	rddreg [dreg:$0x2];
	s3 =	srdreg.scid  }
0x4: {  	s4 =	simm.s32 $0x0;
	s11 =	stileid.u32;
	s18 =	simm.s32 $0x2  }
0x5: {  	s19 =	simm.s32 $0x1800;
	s20 =	simm.s32 $0x80;
	s21 =	simm.s32 $0x3000  }
0x6: {  	s22 =	simm.s32 $0x1;
	s23 =	simm.s32 $0x7000;
	s6 =	smul.u32 $0x13C00, s11  }
0x7: {  	s24 =	simm.s32 $0x2F00;
	s3 =	sand.u32 $0x1, s3;
	s8 =	smul.u32 $0x4F000, s11  }
0x8: {  	[smem:$0x7FF] =	sst s4;
	s13 =	sadd.s32 $0x2E00, s0;
	s28 =	smul.u32 $0x4800, s11  }
0x9: {  	s14 =	sadd.s32 $0xCE00, s0;
	s29 =	sshll.u32 s11, $0x6;
	s30 =	smul.u32 $0x900, s11  }
0xa: {  	s12 =	sshll.u32 s11, $0x8;
	s5 =	smul.u32 $0x13C000, s3;
	_ =	strace $0x8000004D  }
0xb: {  	s7 =	ssub.s32 $0x2, s3;
	p0 =	seq.s32 s3, $0x1;
	s15 =	sor.u32 $0x9000, s12  }
0xc: {  	s25 =	sshrl.u32 s7, $0x1;
	s26 =	sshrl.u32 s8, $0x2;
	s31 =	sshrl.u32 s28, $0x3  }
0xd: {  	s8 =	sadd.s32 s14, s30;
	s5 =	sadd.s32 s6, s5;
	s16 =	ssub.s32 s7, s25  }
0xe: {  	s17 =	sadd.s32 s26, s2;
	s7 =	sadd.s32 s13, s30;
	s10 =	sadd.s32 $0x300, s31  }
0xf: {  	s3 =	sadd.s32 $0x600, s31;
	s25 =	simm.s32 $0x2F80;
	s26 =	simm.s32 $0x0  }
.Ltmp0:
0x10: {  	s6 =	sshrl.u32 s5, $0x3;
	s5 =	sadd.s32 $0x16E00, s0;
	(pc) =	sbr.rel .LBB2_1-.Ltmp0, $4  }
0x11: {  	s9 =	sadd.s32 s13, s10;
	s10 =	sadd.s32 s14, s10;
	s11 =	sadd.s32 s13, s3  }
0x12: {  	s12 =	sadd.s32 s14, s3;
	s13 =	sadd.s32 s13, s15;
	s14 =	sadd.s32 s14, s15  }
0x13: {  	s16 =	smax.u32 s16, $0x1;
	s17 =	sshrl.u32 s17, $0x3;
	s0 =	sadd.s32 s6, s0  }
0x14: {  	s3 =	simm.s32 $0x1780;
	s6 =	sor.u32 $0x1C02, s29;
	s15 =	sadd.s32 $0x40800, s0  }
.LBB2_10:
0x15: {  	[tilespmem:s4], [sflag:$0x2] =	stream.linear.gather [hbm4b:s13+s4], $0x800, $0x38;
	[tilespmem:$0x1EC00] =	vst v63  }
0x16: {  	_ =	swait.ge [sflag:s18], $0x800  }
0x17: {  	[sflag:s18] =	ssyncset.done $0x0  }
0x18: {  	[sflag:s18] =	ssyncadd.s32 $0xFFFFF800  }
0x19: {  	[tilespmem:s19], [sflag:$0x2] =	stream.linear.gather [hbm4b:s14+s4], $0x800, $0x38;
	[tilespmem:$0x1EC00] =	vst v63  }
0x1a: {  	_ =	swait.ge [sflag:s18], $0x800  }
0x1b: {  	[sflag:s18] =	ssyncset.done $0x0  }
0x1c: {  	[sflag:s18] =	ssyncadd.s32 $0xFFFFF800  }
0x1d: {  	[tilespmem:s21], [sflag:$0x1] =	stream.indirect.gather [hbm4b:s1+s20], $0x80, s4, s20, $0xb8;
	[tilespmem:$0x1EC00] =	vst v63  }
0x1e: {  	_ =	swait.ge [sflag:s22], $0x4000  }
0x1f: {  	[sflag:s22] =	ssyncset.done $0x0  }
0x20: {  	[sflag:s22] =	ssyncadd.s32 $0xFFFFC000  }
0x21: {  	[tilespmem:s23], [sflag:$0x1] =	stream.indirect.gather [hbm4b:s1+s20], $0x80, s20, s20, $0xb8;
	[tilespmem:$0x1EC00] =	vst v63  }
0x22: {  	_ = 	snop  }
0x23: {  	[spmem:s2] =	stream.indirect.scatter.add.f32 [tilespmem:s21], [sflag:$0x2], $0x80, s19, s20, $0xb8;
	[tilespmem:$0x1EC00] =	vst v63  }
0x24: {  	_ =	swait.ge [sflag:s18], $0x4000  }
0x25: {  	[sflag:s18] =	ssyncset.done $0x0  }
0x26: {  	[sflag:s18] =	ssyncadd.s32 $0xFFFFC000  }
0x27: {  	_ =	swait.ge [sflag:s22], $0x4000  }
0x28: {  	[sflag:s22] =	ssyncset.done $0x0  }
0x29: {  	s0 =	simm.s32 $0x100;
	[sflag:s22] =	ssyncadd.s32 $0xFFFFC000  }
0x2a: {  	[tilespmem:s21], [sflag:$0x1] =	stream.indirect.gather [hbm4b:s1+s20], $0x80, s0, s20, $0xb8;
	[tilespmem:$0x1EC00] =	vst v63  }
0x2b: {  	s31 =	simm.s32 $0x1880  }
0x2c: {  	[spmem:s2] =	stream.indirect.scatter.add.f32 [tilespmem:s23], [sflag:$0x2], $0x80, s31, s20, $0xb8;
	[tilespmem:$0x1EC00] =	vst v63  }
0x2d: {  	_ =	swait.ge [sflag:s18], $0x4000  }
0x2e: {  	[sflag:s18] =	ssyncset.done $0x0  }
0x2f: {  	[sflag:s18] =	ssyncadd.s32 $0xFFFFC000  }
0x30: {  	_ =	swait.ge [sflag:s22], $0x4000  }
0x31: {  	[sflag:s22] =	ssyncset.done $0x0  }
0x32: {  	s31 =	simm.s32 $0x180;
	[sflag:s22] =	ssyncadd.s32 $0xFFFFC000  }
0x33: {  	[tilespmem:s23], [sflag:$0x1] =	stream.indirect.gather [hbm4b:s1+s20], $0x80, s31, s20, $0xb8;
	[tilespmem:$0x1EC00] =	vst v63  }
0x34: {  	s31 =	simm.s32 $0x1900  }
0x35: {  	[spmem:s2] =	stream.indirect.scatter.add.f32 [tilespmem:s21], [sflag:$0x2], $0x80, s31, s20, $0xb8;
	[tilespmem:$0x1EC00] =	vst v63  }
0x36: {  	_ =	swait.ge [sflag:s18], $0x4000  }
0x37: {  	[sflag:s18] =	ssyncset.done $0x0  }
0x38: {  	[sflag:s18] =	ssyncadd.s32 $0xFFFFC000  }
0x39: {  	_ =	swait.ge [sflag:s22], $0x4000  }
0x3a: {  	[sflag:s22] =	ssyncset.done $0x0  }
0x3b: {  	s31 =	simm.s32 $0x200;
	[sflag:s22] =	ssyncadd.s32 $0xFFFFC000  }
0x3c: {  	[tilespmem:s21], [sflag:$0x1] =	stream.indirect.gather [hbm4b:s1+s20], $0x80, s31, s20, $0xb8;
	[tilespmem:$0x1EC00] =	vst v63  }
0x3d: {  	s31 =	simm.s32 $0x1980  }
0x3e: {  	[spmem:s2] =	stream.indirect.scatter.add.f32 [tilespmem:s23], [sflag:$0x2], $0x80, s31, s20, $0xb8;
	[tilespmem:$0x1EC00] =	vst v63  }
0x3f: {  	_ =	swait.ge [sflag:s18], $0x4000  }
0x40: {  	[sflag:s18] =	ssyncset.done $0x0  }
0x41: {  	[sflag:s18] =	ssyncadd.s32 $0xFFFFC000  }
0x42: {  	_ =	swait.ge [sflag:s22], $0x4000  }
0x43: {  	[sflag:s22] =	ssyncset.done $0x0  }
0x44: {  	s31 =	simm.s32 $0x280;
	[sflag:s22] =	ssyncadd.s32 $0xFFFFC000  }
0x45: {  	[tilespmem:s23], [sflag:$0x1] =	stream.indirect.gather [hbm4b:s1+s20], $0x80, s31, s20, $0xb8;
	[tilespmem:$0x1EC00] =	vst v63  }
0x46: {  	s31 =	simm.s32 $0x1A00  }
0x47: {  	[spmem:s2] =	stream.indirect.scatter.add.f32 [tilespmem:s21], [sflag:$0x2], $0x80, s31, s20, $0xb8;
	[tilespmem:$0x1EC00] =	vst v63  }
0x48: {  	_ =	swait.ge [sflag:s18], $0x4000  }
0x49: {  	[sflag:s18] =	ssyncset.done $0x0  }
0x4a: {  	[sflag:s18] =	ssyncadd.s32 $0xFFFFC000  }
0x4b: {  	_ =	swait.ge [sflag:s22], $0x4000  }
0x4c: {  	[sflag:s22] =	ssyncset.done $0x0  }
0x4d: {  	s31 =	simm.s32 $0x300;
	[sflag:s22] =	ssyncadd.s32 $0xFFFFC000  }
0x4e: {  	[tilespmem:s21], [sflag:$0x1] =	stream.indirect.gather [hbm4b:s1+s20], $0x80, s31, s20, $0xb8;
	[tilespmem:$0x1EC00] =	vst v63  }
0x4f: {  	s31 =	simm.s32 $0x1A80  }
0x50: {  	[spmem:s2] =	stream.indirect.scatter.add.f32 [tilespmem:s23], [sflag:$0x2], $0x80, s31, s20, $0xb8;
	[tilespmem:$0x1EC00] =	vst v63  }
0x51: {  	_ =	swait.ge [sflag:s18], $0x4000  }
0x52: {  	[sflag:s18] =	ssyncset.done $0x0  }
0x53: {  	[sflag:s18] =	ssyncadd.s32 $0xFFFFC000  }
0x54: {  	_ =	swait.ge [sflag:s22], $0x4000  }
0x55: {  	[sflag:s22] =	ssyncset.done $0x0  }
0x56: {  	s31 =	simm.s32 $0x380;
	[sflag:s22] =	ssyncadd.s32 $0xFFFFC000  }
0x57: {  	[tilespmem:s23], [sflag:$0x1] =	stream.indirect.gather [hbm4b:s1+s20], $0x80, s31, s20, $0xb8;
	[tilespmem:$0x1EC00] =	vst v63  }
0x58: {  	s31 =	simm.s32 $0x1B00  }
0x59: {  	[spmem:s2] =	stream.indirect.scatter.add.f32 [tilespmem:s21], [sflag:$0x2], $0x80, s31, s20, $0xb8;
	[tilespmem:$0x1EC00] =	vst v63  }
0x5a: {  	_ =	swait.ge [sflag:s18], $0x4000  }
0x5b: {  	[sflag:s18] =	ssyncset.done $0x0  }
0x5c: {  	[sflag:s18] =	ssyncadd.s32 $0xFFFFC000  }
0x5d: {  	_ =	swait.ge [sflag:s22], $0x4000  }
0x5e: {  	[sflag:s22] =	ssyncset.done $0x0  }
0x5f: {  	s31 =	simm.s32 $0x400;
	[sflag:s22] =	ssyncadd.s32 $0xFFFFC000  }
0x60: {  	[tilespmem:s21], [sflag:$0x1] =	stream.indirect.gather [hbm4b:s1+s20], $0x80, s31, s20, $0xb8;
	[tilespmem:$0x1EC00] =	vst v63  }
0x61: {  	s31 =	simm.s32 $0x1B80  }
0x62: {  	[spmem:s2] =	stream.indirect.scatter.add.f32 [tilespmem:s23], [sflag:$0x2], $0x80, s31, s20, $0xb8;
	[tilespmem:$0x1EC00] =	vst v63  }
0x63: {  	_ =	swait.ge [sflag:s18], $0x4000  }
0x64: {  	[sflag:s18] =	ssyncset.done $0x0  }
0x65: {  	[sflag:s18] =	ssyncadd.s32 $0xFFFFC000  }
0x66: {  	_ =	swait.ge [sflag:s22], $0x4000  }
0x67: {  	[sflag:s22] =	ssyncset.done $0x0  }
0x68: {  	s31 =	simm.s32 $0x480;
	[sflag:s22] =	ssyncadd.s32 $0xFFFFC000  }
0x69: {  	[tilespmem:s23], [sflag:$0x1] =	stream.indirect.gather [hbm4b:s1+s20], $0x80, s31, s20, $0xb8;
	[tilespmem:$0x1EC00] =	vst v63  }
0x6a: {  	s31 =	simm.s32 $0x1C00  }
0x6b: {  	[spmem:s2] =	stream.indirect.scatter.add.f32 [tilespmem:s21], [sflag:$0x2], $0x80, s31, s20, $0xb8;
	[tilespmem:$0x1EC00] =	vst v63  }
0x6c: {  	_ =	swait.ge [sflag:s18], $0x4000  }
0x6d: {  	[sflag:s18] =	ssyncset.done $0x0  }
0x6e: {  	[sflag:s18] =	ssyncadd.s32 $0xFFFFC000  }
0x6f: {  	_ =	swait.ge [sflag:s22], $0x4000  }
0x70: {  	[sflag:s22] =	ssyncset.done $0x0  }
0x71: {  	s31 =	simm.s32 $0x500;
	[sflag:s22] =	ssyncadd.s32 $0xFFFFC000  }
0x72: {  	[tilespmem:s21], [sflag:$0x1] =	stream.indirect.gather [hbm4b:s1+s20], $0x80, s31, s20, $0xb8;
	[tilespmem:$0x1EC00] =	vst v63  }
0x73: {  	s31 =	simm.s32 $0x1C80  }
0x74: {  	[spmem:s2] =	stream.indirect.scatter.add.f32 [tilespmem:s23], [sflag:$0x2], $0x80, s31, s20, $0xb8;
	[tilespmem:$0x1EC00] =	vst v63  }
0x75: {  	_ =	swait.ge [sflag:s18], $0x4000  }
0x76: {  	[sflag:s18] =	ssyncset.done $0x0  }
0x77: {  	[sflag:s18] =	ssyncadd.s32 $0xFFFFC000  }
0x78: {  	_ =	swait.ge [sflag:s22], $0x4000  }
0x79: {  	[sflag:s22] =	ssyncset.done $0x0  }
0x7a: {  	s31 =	simm.s32 $0x580;
	[sflag:s22] =	ssyncadd.s32 $0xFFFFC000  }
0x7b: {  	[tilespmem:s23], [sflag:$0x1] =	stream.indirect.gather [hbm4b:s1+s20], $0x80, s31, s20, $0xb8;
	[tilespmem:$0x1EC00] =	vst v63  }
0x7c: {  	s31 =	simm.s32 $0x1D00  }
0x7d: {  	[spmem:s2] =	stream.indirect.scatter.add.f32 [tilespmem:s21], [sflag:$0x2], $0x80, s31, s20, $0xb8;
	[tilespmem:$0x1EC00] =	vst v63  }
0x7e: {  	_ =	swait.ge [sflag:s18], $0x4000  }
0x7f: {  	[sflag:s18] =	ssyncset.done $0x0  }
0x80: {  	[sflag:s18] =	ssyncadd.s32 $0xFFFFC000  }
0x81: {  	_ =	swait.ge [sflag:s22], $0x4000  }
0x82: {  	[sflag:s22] =	ssyncset.done $0x0  }
0x83: {  	s31 =	simm.s32 $0x600;
	[sflag:s22] =	ssyncadd.s32 $0xFFFFC000  }
0x84: {  	[tilespmem:s21], [sflag:$0x1] =	stream.indirect.gather [hbm4b:s1+s20], $0x80, s31, s20, $0xb8;
	[tilespmem:$0x1EC00] =	vst v63  }
0x85: {  	s31 =	simm.s32 $0x1D80  }
0x86: {  	[spmem:s2] =	stream.indirect.scatter.add.f32 [tilespmem:s23], [sflag:$0x2], $0x80, s31, s20, $0xb8;
	[tilespmem:$0x1EC00] =	vst v63  }
0x87: {  	_ =	swait.ge [sflag:s18], $0x4000  }
0x88: {  	[sflag:s18] =	ssyncset.done $0x0  }
0x89: {  	[sflag:s18] =	ssyncadd.s32 $0xFFFFC000  }
0x8a: {  	_ =	swait.ge [sflag:s22], $0x4000  }
0x8b: {  	[sflag:s22] =	ssyncset.done $0x0  }
0x8c: {  	s31 =	simm.s32 $0x680;
	[sflag:s22] =	ssyncadd.s32 $0xFFFFC000  }
0x8d: {  	[tilespmem:s23], [sflag:$0x1] =	stream.indirect.gather [hbm4b:s1+s20], $0x80, s31, s20, $0xb8;
	[tilespmem:$0x1EC00] =	vst v63  }
0x8e: {  	s31 =	simm.s32 $0x1E00  }
0x8f: {  	[spmem:s2] =	stream.indirect.scatter.add.f32 [tilespmem:s21], [sflag:$0x2], $0x80, s31, s20, $0xb8;
	[tilespmem:$0x1EC00] =	vst v63  }
0x90: {  	_ =	swait.ge [sflag:s18], $0x4000  }
0x91: {  	[sflag:s18] =	ssyncset.done $0x0  }
0x92: {  	[sflag:s18] =	ssyncadd.s32 $0xFFFFC000  }
0x93: {  	_ =	swait.ge [sflag:s22], $0x4000  }
0x94: {  	[sflag:s22] =	ssyncset.done $0x0  }
0x95: {  	s31 =	simm.s32 $0x700;
	[sflag:s22] =	ssyncadd.s32 $0xFFFFC000  }
0x96: {  	[tilespmem:s21], [sflag:$0x1] =	stream.indirect.gather [hbm4b:s1+s20], $0x80, s31, s20, $0xb8;
	[tilespmem:$0x1EC00] =	vst v63  }
0x97: {  	s31 =	simm.s32 $0x1E80  }
0x98: {  	[spmem:s2] =	stream.indirect.scatter.add.f32 [tilespmem:s23], [sflag:$0x2], $0x80, s31, s20, $0xb8;
	[tilespmem:$0x1EC00] =	vst v63  }
0x99: {  	_ =	swait.ge [sflag:s18], $0x4000  }
0x9a: {  	[sflag:s18] =	ssyncset.done $0x0  }
0x9b: {  	[sflag:s18] =	ssyncadd.s32 $0xFFFFC000  }
0x9c: {  	_ =	swait.ge [sflag:s22], $0x4000  }
0x9d: {  	s28 =	simm.s32 $0x1F80;
	[sflag:s22] =	ssyncset.done $0x0  }
0x9e: {  	s29 =	simm.s32 $0x1F00;
	s30 =	simm.s32 $0x780;
	[sflag:s22] =	ssyncadd.s32 $0xFFFFC000  }
.LBB2_11:
0x9f: {  	[tilespmem:s23], [sflag:$0x1] =	stream.indirect.gather [hbm4b:s1+s20], $0x80, s30, s20, $0xb8;
	[tilespmem:$0x1EC00] =	vst v63  }
0xa0: {  	_ = 	snop  }
0xa1: {  	[spmem:s2] =	stream.indirect.scatter.add.f32 [tilespmem:s21], [sflag:$0x2], $0x80, s29, s20, $0xb8;
	[tilespmem:$0x1EC00] =	vst v63  }
0xa2: {  	_ =	swait.ge [sflag:s18], $0x4000  }
0xa3: {  	[sflag:s18] =	ssyncset.done $0x0  }
0xa4: {  	[sflag:s18] =	ssyncadd.s32 $0xFFFFC000  }
0xa5: {  	_ =	swait.ge [sflag:s22], $0x4000  }
0xa6: {  	[sflag:s22] =	ssyncset.done $0x0  }
0xa7: {  	[sflag:s22] =	ssyncadd.s32 $0xFFFFC000  }
0xa8: {  	[spmem:s2] =	stream.indirect.scatter.add.f32 [tilespmem:s23], [sflag:$0x2], $0x80, s28, s20, $0xb8;
	[tilespmem:$0x1EC00] =	vst v63  }
0xa9: {  	_ =	swait.ge [sflag:s18], $0x4000  }
0xaa: {  	s26 =	sadd.s32 $0x1, s26;
	[sflag:s18] =	ssyncset.done $0x0  }
0xab: {  	p1 =	sne.s32 s26, s16;
	[sflag:s18] =	ssyncadd.s32 $0xFFFFC000  }
.Ltmp1:
0xac: {  	[bflag:$0x0] =	sbarrier.arrive $0xFFFF;
	(pc) =	sbr.rel @!p1 .LBB2_12-.Ltmp1, $4  }
0xad: {  	[hbm:s15], [sflag:s6] =	dma.local [spmem:s17], $0x2780  }
0xae: {  	_ =	swait.ge [sflag:s18], $0x2780  }
0xaf: {  	[sflag:s18] =	ssyncset.done $0x0  }
0xb0: {  	[sflag:s18] =	ssyncadd.s32 $0xFFFFD880  }
.LBB2_1:
0xb1: {  	[spmem:s17], [sflag:s6] =	dma.local [hbm:s5], $0x2780  }
.Ltmp2:
0xb2: {  	_ =	swait.ge [sflag:s18], $0x2780;
	(pc) =	sbr.rel @p0 .LBB2_10-.Ltmp2, $3  }
0xb3: {  	[sflag:s18] =	ssyncset.done $0x0  }
0xb4: {  	[sflag:s18] =	ssyncadd.s32 $0xFFFFD880  }
0xb5: {  	[bflag:$0x0] =	sbarrier.arrive $0xFFFF;
	_ =	sdelay $0x1  }
0xb6: {  	s28 =	simm.s32 $0x0  }
0xb7: {  	[tilespmem:s28], [sflag:$0x2] =	stream.linear.gather [hbm4b:s7+s28], $0x1800, $0x38;
	[tilespmem:$0x1EC00] =	vst v63  }
0xb8: {  	_ =	swait.ge [sflag:s18], $0x1800  }
0xb9: {  	[sflag:s18] =	ssyncset.done $0x0  }
0xba: {  	[sflag:s18] =	ssyncadd.s32 $0xFFFFE800  }
0xbb: {  	[tilespmem:s19], [sflag:$0x2] =	stream.linear.gather [hbm4b:s8+s28], $0x1800, $0x38;
	[tilespmem:$0x1EC00] =	vst v63  }
0xbc: {  	_ =	swait.ge [sflag:s18], $0x1800  }
0xbd: {  	[sflag:s18] =	ssyncset.done $0x0  }
0xbe: {  	[sflag:s18] =	ssyncadd.s32 $0xFFFFE800  }
0xbf: {  	[tilespmem:s21], [sflag:$0x1] =	stream.indirect.gather [hbm4b:s1+s20], $0x80, s28, s20, $0xb8;
	[tilespmem:$0x1EC00] =	vst v63  }
0xc0: {  	_ =	swait.ge [sflag:s22], $0x4000  }
0xc1: {  	[sflag:s22] =	ssyncset.done $0x0  }
0xc2: {  	s28 =	simm.s32 $0x80;
	[sflag:s22] =	ssyncadd.s32 $0xFFFFC000  }
0xc3: {  	[tilespmem:s23], [sflag:$0x1] =	stream.indirect.gather [hbm4b:s1+s20], $0x80, s28, s20, $0xb8;
	[tilespmem:$0x1EC00] =	vst v63  }
0xc4: {  	s28 =	simm.s32 $0x1800  }
0xc5: {  	[spmem:s2] =	stream.indirect.scatter.add.f32 [tilespmem:s21], [sflag:$0x2], $0x80, s28, s20, $0xb8;
	[tilespmem:$0x1EC00] =	vst v63  }
0xc6: {  	_ =	swait.ge [sflag:s18], $0x4000  }
0xc7: {  	[sflag:s18] =	ssyncset.done $0x0  }
0xc8: {  	[sflag:s18] =	ssyncadd.s32 $0xFFFFC000  }
0xc9: {  	_ =	swait.ge [sflag:s22], $0x4000  }
0xca: {  	[sflag:s22] =	ssyncset.done $0x0  }
0xcb: {  	s28 =	simm.s32 $0x100;
	[sflag:s22] =	ssyncadd.s32 $0xFFFFC000  }
0xcc: {  	[tilespmem:s21], [sflag:$0x1] =	stream.indirect.gather [hbm4b:s1+s20], $0x80, s28, s20, $0xb8;
	[tilespmem:$0x1EC00] =	vst v63  }
0xcd: {  	s28 =	simm.s32 $0x1880  }
0xce: {  	[spmem:s2] =	stream.indirect.scatter.add.f32 [tilespmem:s23], [sflag:$0x2], $0x80, s28, s20, $0xb8;
	[tilespmem:$0x1EC00] =	vst v63  }
0xcf: {  	_ =	swait.ge [sflag:s18], $0x4000  }
0xd0: {  	[sflag:s18] =	ssyncset.done $0x0  }
0xd1: {  	[sflag:s18] =	ssyncadd.s32 $0xFFFFC000  }
0xd2: {  	_ =	swait.ge [sflag:s22], $0x4000  }
0xd3: {  	s29 =	simm.s32 $0x800;
	s28 =	simm.s32 $0x100;
	[sflag:s22] =	ssyncset.done $0x0  }
.LBB2_3:
0xd4: {  	s30 =	sadd.s32 $0x80, s28  }
0xd5: {  	[sflag:s22] =	ssyncadd.s32 $0xFFFFC000;
	s31 =	smov.u32 s29;
	s0 =	sadd.s32 $0x400, s29  }
0xd6: {  	[tilespmem:s23], [sflag:$0x1] =	stream.indirect.gather [hbm4b:s1+s20], $0x80, s30, s20, $0xb8;
	[tilespmem:$0x1EC00] =	vst v63  }
0xd7: {  	p1 =	sne.s32 s29, $0x5800;
	s29 =	sadd.s32 $0x1800, s28  }
0xd8: {  	[spmem:s2] =	stream.indirect.scatter.add.f32 [tilespmem:s21], [sflag:$0x2], $0x80, s29, s20, $0xb8;
	[tilespmem:$0x1EC00] =	vst v63  }
0xd9: {  	_ =	swait.ge [sflag:s18], $0x4000  }
0xda: {  	[sflag:s18] =	ssyncset.done $0x0  }
0xdb: {  	[sflag:s18] =	ssyncadd.s32 $0xFFFFC000  }
0xdc: {  	_ =	swait.ge [sflag:s22], $0x4000  }
0xdd: {  	[sflag:s22] =	ssyncset.done $0x0  }
0xde: {  	s29 =	sadd.s32 $0x100, s28;
	[sflag:s22] =	ssyncadd.s32 $0xFFFFC000  }
0xdf: {  	[tilespmem:s21], [sflag:$0x1] =	stream.indirect.gather [hbm4b:s1+s20], $0x80, s29, s20, $0xb8;
	[tilespmem:$0x1EC00] =	vst v63  }
0xe0: {  	s28 =	sadd.s32 $0x1880, s28  }
0xe1: {  	[spmem:s2] =	stream.indirect.scatter.add.f32 [tilespmem:s23], [sflag:$0x2], $0x80, s28, s20, $0xb8;
	[tilespmem:$0x1EC00] =	vst v63  }
.Ltmp3:
0xe2: {  	_ =	swait.ge [sflag:s18], $0x4000;
	(pc) =	sbr.rel @p1 .LBB2_3-.Ltmp3, $4  }
0xe3: {  	[sflag:s18] =	ssyncset.done $0x0  }
0xe4: {  	[sflag:s18] =	ssyncadd.s32 $0xFFFFC000  }
0xe5: {  	_ =	swait.ge [sflag:s22], $0x4000  }
0xe6: {  	s29 =	smov.u32 s0;
	s28 =	sshra.s32 s31, $0x2;
	[sflag:s22] =	ssyncset.done $0x0  }
0xe7: {  	s0 =	sadd.s32 $0x80, s28;
	[sflag:s22] =	ssyncadd.s32 $0xFFFFC000  }
0xe8: {  	[tilespmem:s23], [sflag:$0x1] =	stream.indirect.gather [hbm4b:s1+s20], $0x80, s0, s20, $0xb8;
	[tilespmem:$0x1EC00] =	vst v63  }
0xe9: {  	s30 =	sadd.s32 $0x1800, s28  }
0xea: {  	[spmem:s2] =	stream.indirect.scatter.add.f32 [tilespmem:s21], [sflag:$0x2], $0x80, s30, s20, $0xb8;
	[tilespmem:$0x1EC00] =	vst v63  }
0xeb: {  	_ =	swait.ge [sflag:s18], $0x4000  }
0xec: {  	[sflag:s18] =	ssyncset.done $0x0  }
0xed: {  	[sflag:s18] =	ssyncadd.s32 $0xFFFFC000  }
0xee: {  	_ =	swait.ge [sflag:s22], $0x4000  }
0xef: {  	[sflag:s22] =	ssyncset.done $0x0  }
0xf0: {  	s31 =	sadd.s32 $0x100, s28;
	[sflag:s22] =	ssyncadd.s32 $0xFFFFC000  }
0xf1: {  	[tilespmem:s21], [sflag:$0x1] =	stream.indirect.gather [hbm4b:s1+s20], $0x80, s31, s20, $0xb8;
	[tilespmem:$0x1EC00] =	vst v63  }
0xf2: {  	s30 =	sadd.s32 $0x1880, s28  }
0xf3: {  	[spmem:s2] =	stream.indirect.scatter.add.f32 [tilespmem:s23], [sflag:$0x2], $0x80, s30, s20, $0xb8;
	[tilespmem:$0x1EC00] =	vst v63  }
0xf4: {  	_ =	swait.ge [sflag:s18], $0x4000  }
0xf5: {  	[sflag:s18] =	ssyncset.done $0x0  }
0xf6: {  	[sflag:s18] =	ssyncadd.s32 $0xFFFFC000  }
0xf7: {  	_ =	swait.ge [sflag:s22], $0x4000  }
0xf8: {  	[sflag:s22] =	ssyncset.done $0x0  }
0xf9: {  	[sflag:s22] =	ssyncadd.s32 $0xFFFFC000  }
0xfa: {  	[tilespmem:s23], [sflag:$0x1] =	stream.indirect.gather [hbm4b:s1+s20], $0x80, s3, s20, $0xb8;
	[tilespmem:$0x1EC00] =	vst v63  }
0xfb: {  	_ = 	snop  }
0xfc: {  	[spmem:s2] =	stream.indirect.scatter.add.f32 [tilespmem:s21], [sflag:$0x2], $0x80, s24, s20, $0xb8;
	[tilespmem:$0x1EC00] =	vst v63  }
0xfd: {  	_ =	swait.ge [sflag:s18], $0x4000  }
0xfe: {  	[sflag:s18] =	ssyncset.done $0x0  }
0xff: {  	[sflag:s18] =	ssyncadd.s32 $0xFFFFC000  }
0x100: {  	_ =	swait.ge [sflag:s22], $0x4000  }
0x101: {  	[sflag:s22] =	ssyncset.done $0x0  }
0x102: {  	[sflag:s22] =	ssyncadd.s32 $0xFFFFC000  }
0x103: {  	[spmem:s2] =	stream.indirect.scatter.add.f32 [tilespmem:s23], [sflag:$0x2], $0x80, s25, s20, $0xb8;
	[tilespmem:$0x1EC00] =	vst v63  }
0x104: {  	_ =	swait.ge [sflag:s18], $0x4000  }
0x105: {  	[sflag:s18] =	ssyncset.done $0x0  }
0x106: {  	s31 =	simm.s32 $0x0;
	[sflag:s18] =	ssyncadd.s32 $0xFFFFC000  }
0x107: {  	[tilespmem:s31], [sflag:$0x2] =	stream.linear.gather [hbm4b:s9+s31], $0x1800, $0x38;
	[tilespmem:$0x1EC00] =	vst v63  }
0x108: {  	_ =	swait.ge [sflag:s18], $0x1800  }
0x109: {  	[sflag:s18] =	ssyncset.done $0x0  }
0x10a: {  	[sflag:s18] =	ssyncadd.s32 $0xFFFFE800  }
0x10b: {  	[tilespmem:s19], [sflag:$0x2] =	stream.linear.gather [hbm4b:s10+s31], $0x1800, $0x38;
	[tilespmem:$0x1EC00] =	vst v63  }
0x10c: {  	_ =	swait.ge [sflag:s18], $0x1800  }
0x10d: {  	[sflag:s18] =	ssyncset.done $0x0  }
0x10e: {  	[sflag:s18] =	ssyncadd.s32 $0xFFFFE800  }
0x10f: {  	[tilespmem:s21], [sflag:$0x1] =	stream.indirect.gather [hbm4b:s1+s20], $0x80, s31, s20, $0xb8;
	[tilespmem:$0x1EC00] =	vst v63  }
0x110: {  	_ =	swait.ge [sflag:s22], $0x4000  }
0x111: {  	[sflag:s22] =	ssyncset.done $0x0  }
0x112: {  	s30 =	simm.s32 $0x80;
	[sflag:s22] =	ssyncadd.s32 $0xFFFFC000  }
0x113: {  	[tilespmem:s23], [sflag:$0x1] =	stream.indirect.gather [hbm4b:s1+s20], $0x80, s30, s20, $0xb8;
	[tilespmem:$0x1EC00] =	vst v63  }
0x114: {  	s31 =	simm.s32 $0x1800  }
0x115: {  	[spmem:s2] =	stream.indirect.scatter.add.f32 [tilespmem:s21], [sflag:$0x2], $0x80, s31, s20, $0xb8;
	[tilespmem:$0x1EC00] =	vst v63  }
0x116: {  	_ =	swait.ge [sflag:s18], $0x4000  }
0x117: {  	[sflag:s18] =	ssyncset.done $0x0  }
0x118: {  	[sflag:s18] =	ssyncadd.s32 $0xFFFFC000  }
0x119: {  	_ =	swait.ge [sflag:s22], $0x4000  }
0x11a: {  	[sflag:s22] =	ssyncset.done $0x0  }
0x11b: {  	s30 =	simm.s32 $0x100;
	[sflag:s22] =	ssyncadd.s32 $0xFFFFC000  }
0x11c: {  	[tilespmem:s21], [sflag:$0x1] =	stream.indirect.gather [hbm4b:s1+s20], $0x80, s30, s20, $0xb8;
	[tilespmem:$0x1EC00] =	vst v63  }
0x11d: {  	s31 =	simm.s32 $0x1880  }
0x11e: {  	[spmem:s2] =	stream.indirect.scatter.add.f32 [tilespmem:s23], [sflag:$0x2], $0x80, s31, s20, $0xb8;
	[tilespmem:$0x1EC00] =	vst v63  }
0x11f: {  	_ =	swait.ge [sflag:s18], $0x4000  }
0x120: {  	[sflag:s18] =	ssyncset.done $0x0  }
0x121: {  	[sflag:s18] =	ssyncadd.s32 $0xFFFFC000  }
0x122: {  	_ =	swait.ge [sflag:s22], $0x4000  }
0x123: {  	s29 =	simm.s32 $0x800;
	s28 =	simm.s32 $0x100;
	[sflag:s22] =	ssyncset.done $0x0  }
.LBB2_5:
0x124: {  	s0 =	sadd.s32 $0x80, s28  }
0x125: {  	[sflag:s22] =	ssyncadd.s32 $0xFFFFC000;
	s30 =	smov.u32 s29;
	s31 =	sadd.s32 $0x400, s29  }
0x126: {  	[tilespmem:s23], [sflag:$0x1] =	stream.indirect.gather [hbm4b:s1+s20], $0x80, s0, s20, $0xb8;
	[tilespmem:$0x1EC00] =	vst v63  }
0x127: {  	p1 =	sne.s32 s29, $0x5800;
	s0 =	sadd.s32 $0x1800, s28  }
0x128: {  	[spmem:s2] =	stream.indirect.scatter.add.f32 [tilespmem:s21], [sflag:$0x2], $0x80, s0, s20, $0xb8;
	[tilespmem:$0x1EC00] =	vst v63  }
0x129: {  	_ =	swait.ge [sflag:s18], $0x4000  }
0x12a: {  	[sflag:s18] =	ssyncset.done $0x0  }
0x12b: {  	[sflag:s18] =	ssyncadd.s32 $0xFFFFC000  }
0x12c: {  	_ =	swait.ge [sflag:s22], $0x4000  }
0x12d: {  	[sflag:s22] =	ssyncset.done $0x0  }
0x12e: {  	s0 =	sadd.s32 $0x100, s28;
	[sflag:s22] =	ssyncadd.s32 $0xFFFFC000  }
0x12f: {  	[tilespmem:s21], [sflag:$0x1] =	stream.indirect.gather [hbm4b:s1+s20], $0x80, s0, s20, $0xb8;
	[tilespmem:$0x1EC00] =	vst v63  }
0x130: {  	s0 =	sadd.s32 $0x1880, s28  }
0x131: {  	[spmem:s2] =	stream.indirect.scatter.add.f32 [tilespmem:s23], [sflag:$0x2], $0x80, s0, s20, $0xb8;
	[tilespmem:$0x1EC00] =	vst v63  }
.Ltmp4:
0x132: {  	_ =	swait.ge [sflag:s18], $0x4000;
	(pc) =	sbr.rel @p1 .LBB2_5-.Ltmp4, $4  }
0x133: {  	[sflag:s18] =	ssyncset.done $0x0  }
0x134: {  	[sflag:s18] =	ssyncadd.s32 $0xFFFFC000  }
0x135: {  	_ =	swait.ge [sflag:s22], $0x4000  }
0x136: {  	s29 =	smov.u32 s31;
	s28 =	sshra.s32 s30, $0x2;
	[sflag:s22] =	ssyncset.done $0x0  }
0x137: {  	s0 =	sadd.s32 $0x80, s28;
	[sflag:s22] =	ssyncadd.s32 $0xFFFFC000  }
0x138: {  	[tilespmem:s23], [sflag:$0x1] =	stream.indirect.gather [hbm4b:s1+s20], $0x80, s0, s20, $0xb8;
	[tilespmem:$0x1EC00] =	vst v63  }
0x139: {  	s31 =	sadd.s32 $0x1800, s28  }
0x13a: {  	[spmem:s2] =	stream.indirect.scatter.add.f32 [tilespmem:s21], [sflag:$0x2], $0x80, s31, s20, $0xb8;
	[tilespmem:$0x1EC00] =	vst v63  }
0x13b: {  	_ =	swait.ge [sflag:s18], $0x4000  }
0x13c: {  	[sflag:s18] =	ssyncset.done $0x0  }
0x13d: {  	[sflag:s18] =	ssyncadd.s32 $0xFFFFC000  }
0x13e: {  	_ =	swait.ge [sflag:s22], $0x4000  }
0x13f: {  	[sflag:s22] =	ssyncset.done $0x0  }
0x140: {  	s29 =	sadd.s32 $0x100, s28;
	[sflag:s22] =	ssyncadd.s32 $0xFFFFC000  }
0x141: {  	[tilespmem:s21], [sflag:$0x1] =	stream.indirect.gather [hbm4b:s1+s20], $0x80, s29, s20, $0xb8;
	[tilespmem:$0x1EC00] =	vst v63  }
0x142: {  	s30 =	sadd.s32 $0x1880, s28  }
0x143: {  	[spmem:s2] =	stream.indirect.scatter.add.f32 [tilespmem:s23], [sflag:$0x2], $0x80, s30, s20, $0xb8;
	[tilespmem:$0x1EC00] =	vst v63  }
0x144: {  	_ =	swait.ge [sflag:s18], $0x4000  }
0x145: {  	[sflag:s18] =	ssyncset.done $0x0  }
0x146: {  	[sflag:s18] =	ssyncadd.s32 $0xFFFFC000  }
0x147: {  	_ =	swait.ge [sflag:s22], $0x4000  }
0x148: {  	[sflag:s22] =	ssyncset.done $0x0  }
0x149: {  	[sflag:s22] =	ssyncadd.s32 $0xFFFFC000  }
0x14a: {  	[tilespmem:s23], [sflag:$0x1] =	stream.indirect.gather [hbm4b:s1+s20], $0x80, s3, s20, $0xb8;
	[tilespmem:$0x1EC00] =	vst v63  }
0x14b: {  	_ = 	snop  }
0x14c: {  	[spmem:s2] =	stream.indirect.scatter.add.f32 [tilespmem:s21], [sflag:$0x2], $0x80, s24, s20, $0xb8;
	[tilespmem:$0x1EC00] =	vst v63  }
0x14d: {  	_ =	swait.ge [sflag:s18], $0x4000  }
0x14e: {  	[sflag:s18] =	ssyncset.done $0x0  }
0x14f: {  	[sflag:s18] =	ssyncadd.s32 $0xFFFFC000  }
0x150: {  	_ =	swait.ge [sflag:s22], $0x4000  }
0x151: {  	[sflag:s22] =	ssyncset.done $0x0  }
0x152: {  	[sflag:s22] =	ssyncadd.s32 $0xFFFFC000  }
0x153: {  	[spmem:s2] =	stream.indirect.scatter.add.f32 [tilespmem:s23], [sflag:$0x2], $0x80, s25, s20, $0xb8;
	[tilespmem:$0x1EC00] =	vst v63  }
0x154: {  	_ =	swait.ge [sflag:s18], $0x4000  }
0x155: {  	[sflag:s18] =	ssyncset.done $0x0  }
0x156: {  	s31 =	simm.s32 $0x0;
	[sflag:s18] =	ssyncadd.s32 $0xFFFFC000  }
0x157: {  	[tilespmem:s31], [sflag:$0x2] =	stream.linear.gather [hbm4b:s11+s31], $0x1800, $0x38;
	[tilespmem:$0x1EC00] =	vst v63  }
0x158: {  	_ =	swait.ge [sflag:s18], $0x1800  }
0x159: {  	[sflag:s18] =	ssyncset.done $0x0  }
0x15a: {  	[sflag:s18] =	ssyncadd.s32 $0xFFFFE800  }
0x15b: {  	[tilespmem:s19], [sflag:$0x2] =	stream.linear.gather [hbm4b:s12+s31], $0x1800, $0x38;
	[tilespmem:$0x1EC00] =	vst v63  }
0x15c: {  	_ =	swait.ge [sflag:s18], $0x1800  }
0x15d: {  	p2 =	por $0x0, $0x0;
	[sflag:s18] =	ssyncset.done $0x0  }
.Ltmp5:
0x15e: {  	[sflag:s18] =	ssyncadd.s32 $0xFFFFE800;
	(pc) =	sbr.rel @p2 .LBB2_9-.Ltmp5, $4  }
0x15f: {  	[tilespmem:s21], [sflag:$0x1] =	stream.indirect.gather [hbm4b:s1+s20], $0x80, s31, s20, $0xb8;
	[tilespmem:$0x1EC00] =	vst v63  }
0x160: {  	_ =	swait.ge [sflag:s22], $0x4000  }
0x161: {  	[sflag:s22] =	ssyncset.done $0x0  }
0x162: {  	s28 =	simm.s32 $0x0;
	p1 =	por $0x0, $0x0;
	[sflag:s22] =	ssyncadd.s32 $0xFFFFC000  }
0x163: {  	s0 =	simm.s32 $0x80  }
0x164: {  	[tilespmem:s23], [sflag:$0x1] =	stream.indirect.gather [hbm4b:s1+s20], $0x80, s0, s20, $0xb8;
	[tilespmem:$0x1EC00] =	vst v63  }
0x165: {  	s31 =	simm.s32 $0x1800  }
0x166: {  	[spmem:s2] =	stream.indirect.scatter.add.f32 [tilespmem:s21], [sflag:$0x2], $0x80, s31, s20, $0xb8;
	[tilespmem:$0x1EC00] =	vst v63  }
0x167: {  	_ =	swait.ge [sflag:s18], $0x4000  }
0x168: {  	[sflag:s18] =	ssyncset.done $0x0  }
0x169: {  	[sflag:s18] =	ssyncadd.s32 $0xFFFFC000  }
0x16a: {  	_ =	swait.ge [sflag:s22], $0x4000  }
0x16b: {  	[sflag:s22] =	ssyncset.done $0x0  }
0x16c: {  	s30 =	simm.s32 $0x100;
	[sflag:s22] =	ssyncadd.s32 $0xFFFFC000  }
0x16d: {  	[tilespmem:s21], [sflag:$0x1] =	stream.indirect.gather [hbm4b:s1+s20], $0x80, s30, s20, $0xb8;
	[tilespmem:$0x1EC00] =	vst v63  }
0x16e: {  	p2 =	por $0x0, $0x0;
	s31 =	simm.s32 $0x1880  }
0x16f: {  	[spmem:s2] =	stream.indirect.scatter.add.f32 [tilespmem:s23], [sflag:$0x2], $0x80, s31, s20, $0xb8;
	[tilespmem:$0x1EC00] =	vst v63  }
.Ltmp6:
0x170: {  	_ =	swait.ge [sflag:s18], $0x4000;
	(pc) =	sbr.rel @p2 .LBB2_9-.Ltmp6, $4  }
0x171: {  	[sflag:s18] =	ssyncset.done $0x0  }
0x172: {  	[sflag:s18] =	ssyncadd.s32 $0xFFFFC000  }
0x173: {  	s29 =	simm.s32 $0x800;
	_ =	swait.ge [sflag:s22], $0x4000  }
0x174: {  	s28 =	simm.s32 $0x100;
	p1 =	por $0x1, $0x1;
	[sflag:s22] =	ssyncset.done $0x0  }
.LBB2_8:
0x175: {  	s0 =	sadd.s32 $0x80, s28  }
0x176: {  	[sflag:s22] =	ssyncadd.s32 $0xFFFFC000;
	s30 =	smov.u32 s29;
	s31 =	sadd.s32 $0x400, s29  }
0x177: {  	[tilespmem:s23], [sflag:$0x1] =	stream.indirect.gather [hbm4b:s1+s20], $0x80, s0, s20, $0xb8;
	[tilespmem:$0x1EC00] =	vst v63  }
0x178: {  	p2 =	seq.s32 s29, $0x5800;
	s0 =	sadd.s32 $0x1800, s28  }
0x179: {  	[spmem:s2] =	stream.indirect.scatter.add.f32 [tilespmem:s21], [sflag:$0x2], $0x80, s0, s20, $0xb8;
	[tilespmem:$0x1EC00] =	vst v63  }
0x17a: {  	_ =	swait.ge [sflag:s18], $0x4000  }
0x17b: {  	[sflag:s18] =	ssyncset.done $0x0  }
0x17c: {  	[sflag:s18] =	ssyncadd.s32 $0xFFFFC000  }
0x17d: {  	_ =	swait.ge [sflag:s22], $0x4000  }
0x17e: {  	[sflag:s22] =	ssyncset.done $0x0  }
0x17f: {  	s0 =	sadd.s32 $0x100, s28;
	[sflag:s22] =	ssyncadd.s32 $0xFFFFC000  }
0x180: {  	[tilespmem:s21], [sflag:$0x1] =	stream.indirect.gather [hbm4b:s1+s20], $0x80, s0, s20, $0xb8;
	[tilespmem:$0x1EC00] =	vst v63  }
0x181: {  	s0 =	sadd.s32 $0x1880, s28  }
0x182: {  	[spmem:s2] =	stream.indirect.scatter.add.f32 [tilespmem:s23], [sflag:$0x2], $0x80, s0, s20, $0xb8;
	[tilespmem:$0x1EC00] =	vst v63  }
.Ltmp7:
0x183: {  	_ =	swait.ge [sflag:s18], $0x4000;
	(pc) =	sbr.rel @!p2 .LBB2_8-.Ltmp7, $4  }
0x184: {  	[sflag:s18] =	ssyncset.done $0x0  }
0x185: {  	[sflag:s18] =	ssyncadd.s32 $0xFFFFC000  }
0x186: {  	_ =	swait.ge [sflag:s22], $0x4000  }
0x187: {  	s29 =	smov.u32 s31;
	s28 =	sshra.s32 s30, $0x2;
	[sflag:s22] =	ssyncset.done $0x0  }
.LBB2_9:
0x188: {  	s0 =	sadd.s32 $0x80, s28;
	[sflag:s22] =	ssyncadd.s32 @p1 $0xFFFFC000  }
0x189: {  	[tilespmem:s23], [sflag:$0x1] =	stream.indirect.gather [hbm4b:s1+s20], $0x80, s0, s20, $0xb8;
	[tilespmem:$0x1EC00] =	vst v63  }
0x18a: {  	s31 =	sadd.s32 $0x1800, s28  }
0x18b: {  	[spmem:s2] =	stream.indirect.scatter.add.f32 [tilespmem:s21], [sflag:$0x2], $0x80, s31, s20, $0xb8;
	[tilespmem:$0x1EC00] =	vst v63  }
0x18c: {  	_ =	swait.ge [sflag:s18], $0x4000  }
0x18d: {  	[sflag:s18] =	ssyncset.done $0x0  }
0x18e: {  	[sflag:s18] =	ssyncadd.s32 $0xFFFFC000  }
0x18f: {  	_ =	swait.ge [sflag:s22], $0x4000  }
0x190: {  	[sflag:s22] =	ssyncset.done $0x0  }
0x191: {  	s31 =	sadd.s32 $0x100, s28;
	[sflag:s22] =	ssyncadd.s32 $0xFFFFC000  }
0x192: {  	[tilespmem:s21], [sflag:$0x1] =	stream.indirect.gather [hbm4b:s1+s20], $0x80, s31, s20, $0xb8;
	[tilespmem:$0x1EC00] =	vst v63  }
0x193: {  	s31 =	sadd.s32 $0x1880, s28  }
0x194: {  	[spmem:s2] =	stream.indirect.scatter.add.f32 [tilespmem:s23], [sflag:$0x2], $0x80, s31, s20, $0xb8;
	[tilespmem:$0x1EC00] =	vst v63  }
0x195: {  	_ =	swait.ge [sflag:s18], $0x4000  }
.Ltmp8:
0x196: {  	[sflag:s18] =	ssyncset.done $0x0;
	(pc) =	sbr.rel .LBB2_11-.Ltmp8, $4  }
0x197: {  	[sflag:s18] =	ssyncadd.s32 $0xFFFFC000  }
0x198: {  	_ =	swait.ge [sflag:s22], $0x4000  }
0x199: {  	s29 =	simm.s32 $0x2F00;
	[sflag:s22] =	ssyncset.done $0x0  }
0x19a: {  	s30 =	simm.s32 $0x1780;
	s28 =	simm.s32 $0x2F80;
	[sflag:s22] =	ssyncadd.s32 $0xFFFFC000  }
.LBB2_12:
0x19b: {  	_ =	sfence.sel $0x180000  }
0x19c: {  	[bflag:$0x0] =	sbarrier.arrive $0xFFFF  }
0x19d: {  	_ =	strace $0x9000004D  }
0x19e: {  	s0 =	stileid.u32;
	[bflag:$0x2] =	sbarrier.arrive $0xFFFF  }
0x19f: {  	p0 =	sne.s32 s0, $0x0;
	s0 =	rddreg [dreg:$0x3]  }
0x1a0: {  	s0 =	sadd.s32 @!p0 $0x100000, s0  }
0x1a1: {  	[sflag:s0] =	ssyncadd.tile.s32 @!p0 $0x1;
	_ =	shalt  }
.Lfunc_end2:
_tile_overlayer_lowered:
.L_overlay_start_2:
0x1a2: {  	(tag) =	ssettag $0x2  }
0x1a3: {  	s0 =	rddreg [dreg:$0x0];
	s2 =	stileid.u32  }
0x1a4: {  	s1 =	rddreg [dreg:$0x1];
	p0 =	sne.s32 s2, $0x0  }
0x1a5: {  	s3 =	rddreg [dreg:$0x2];
	[bflag:$0x3] =	sbarrier.arrive $0xFFFF;
	s2 =	simm.s32 @!p0 $0x1C02  }
0x1a6: {  	[timem:s3], [sflag:s2] =	dma.local @!p0 [hbm:s0], s1  }
0x1a7: {  	s0 =	simm.s32 @!p0 $0x2  }
0x1a8: {  	_ =	swait.ge @!p0 [sflag:s0], s1  }
0x1a9: {  	s1 =	ssub.s32 @!p0 $0x0, s1;
	[sflag:s0] =	ssyncset.done @!p0 $0x0  }
0x1aa: {  	[sflag:s0] =	ssyncadd.s32 @!p0 s1  }
0x1ab: {  	[bflag:$0x3] =	sbarrier.arrive $0xFFFF  }
0x1ac: {  	_ =	shalt  }

// kernel: kernel.8.cloned.1.call-start
scs
__scs_entry_jumppad:
0x0: {  	(pc) =	sbr.rel $0x88, $3  }
0x1: {  	(tag) =	ssettag $0x0;
	lr =	simm.s32 $0x1  }
0x2: {  	[smem:$0x3F9B] =	sst lr;
	_ =	strace $0xD0000000  }
0x3: {  	_ = 	snop  }
0x4: {  	_ = 	snop  }
0x5: {  	_ = 	snop  }
0x6: {  	_ = 	snop  }
0x7: {  	_ = 	snop  }
__scs_overlays_trampoline_lowered:
0x8: {  	[smem:$0x3FAA] =	sst s0  }
0x9: {  	[smem:$0x3FAB] =	sst s1  }
0xa: {  	[smem:$0x3FAC] =	sst s2  }
0xb: {  	[smem:$0x3FAD] =	sst s3  }
0xc: {  	[smem:$0x3FAE] =	sst s4  }
0xd: {  	[smem:$0x3FAF] =	sst s5  }
0xe: {  	[smem:$0x3FB0] =	sst s6  }
0xf: {  	[smem:$0x3FB1] =	sst s7  }
0x10: {  	[smem:$0x3FB2] =	sst s8  }
0x11: {  	[smem:$0x3FB3] =	sst s9;
	s0 =	simm.s32 @!p0 $0x0  }
0x12: {  	s1 =	sld [smem:$0x3F99];
	s0 =	simm.s32 @p0 $0x1  }
0x13: {  	[smem:$0x3FB4] =	sst s0;
	s0 =	simm.s32 @!p1 $0x0  }
0x14: {  	s2 =	sld [smem:$0x3F98];
	s0 =	simm.s32 @p1 $0x1  }
0x15: {  	[smem:$0x3FB5] =	sst s0;
	s0 =	simm.s32 @!p2 $0x0  }
0x16: {  	s3 =	sld [smem:$0x3FDB];
	s0 =	simm.s32 @p2 $0x1  }
0x17: {  	s4 =	simm.s32 $0x1BF5;
	[smem:$0x3FB7] =	sst s0  }
0x18: {  	s0 =	sld [smem:$0x3F9A];
	_ =	swait.ge [sflag:s4], $0x0  }
0x19: {  	s7 =	sld [smem:$0x3F9B]  }
0x1a: {  	s8 =	sadd.s32 $0xFFFFE003, lr  }
0x1b: {  	s9 =	sadd.s32 $0xFFFFFEF7, lr;
	s5 =	simm.s32 $0xFFFFFFFF;
	p2 =	slt.u32 s8, $0xFFFFF086  }
0x1c: {  	p1 =	slt.u32 s9, $0xF7A;
	s5 =	simm.s32 @!p2 $0x0  }
0x1d: {  	s5 =	simm.s32 @p1 $0x1;
	p0 =	seq.s32 s7, s2  }
0x1e: {  	s7 =	smul.u32 @!p0 $0xF7A, s2;
	p2 =	seq.s32 @!p0 s5, $0x0  }
0x1f: {  	s9 =	smul.u32 $0xF7A, s1;
	s8 =	simm.s32 @!p0 $0x1BF5;
	p2 =	por !p2, p0  }
0x20: {  	[sflag:s8] =	ssyncset.s32 @!p0 $0xFFFFF086;
	s6 =	sadd.s32 @!p0 s3, s7;
	s7 =	simm.s32 @!p0 $0x108  }
0x21: {  	s3 =	sadd.s32 s3, s9;
	s6 =	sadd.s32 @!p0 $0x88, s6;
	s7 =	simm.s32 @p2 $0x1082  }
0x22: {  	[simem:s7], [sflag:s8] =	dma.local @!p0 [hbm:s6], $0xF7A  }
0x23: {  	s9 =	sor.u32 $0xD0000000, s2;
	s6 =	simm.s32 $0x108;
	_ =	swait.ge @!p0 [sflag:s8], $0x0  }
0x24: {  	s3 =	sadd.s32 $0x88, s3;
	s6 =	simm.s32 @!p1 $0x1082;
	[sflag:s4] =	ssyncset.s32 $0xFFFFF086  }
0x25: {  	[simem:s6], [sflag:s4] =	dma.local [hbm:s3], $0xF7A  }
0x26: {  	[smem:$0x3F9B] =	sst s1;
	(tag) =	ssettag s2;
	_ =	strace s9  }
0x27: {  	s1 =	sld [smem:$0x3FAB]  }
0x28: {  	s2 =	sld [smem:$0x3FAC]  }
0x29: {  	s4 =	sld [smem:$0x3FAE]  }
0x2a: {  	p0 =	seq.s32 s5, $0x0;
	s5 =	sld [smem:$0x3FAF]  }
0x2b: {  	s6 =	sld [smem:$0x3FB0]  }
0x2c: {  	s7 =	sld [smem:$0x3FB1]  }
0x2d: {  	s3 =	simm.s32 $0x108;
	s8 =	sld [smem:$0x3FB2]  }
0x2e: {  	s3 =	simm.s32 @!p0 $0x1082;
	s9 =	sld [smem:$0x3FB3]  }
0x2f: {  	lr =	sadd.s32 s0, s3;
	s0 =	sld [smem:$0x3FAA]  }
0x30: {  	s3 =	sld [smem:$0x3FAD]  }
0x31: {  	[smem:$0x3FB6] =	sst s10  }
0x32: {  	s10 =	sld [smem:$0x3FB4];
	_ =	sdelay $0x3  }
0x33: {  	p0 =	seq.s32 s10, $0x1;
	s10 =	sld [smem:$0x3FB6];
	_ =	sdelay $0x3  }
0x34: {  	[smem:$0x3FB6] =	sst s10  }
0x35: {  	s10 =	sld [smem:$0x3FB5];
	_ =	sdelay $0x3  }
0x36: {  	p1 =	seq.s32 s10, $0x1;
	s10 =	sld [smem:$0x3FB6];
	_ =	sdelay $0x3  }
0x37: {  	[smem:$0x3FB6] =	sst s10  }
0x38: {  	s10 =	sld [smem:$0x3FB7]  }
0x39: {  	_ = 	snop;
	(pc) =	sbr.ind lr, $3  }
0x3a: {  	_ = 	snop  }
0x3b: {  	_ = 	snop  }
0x3c: {  	p2 =	seq.s32 s10, $0x1;
	s10 =	sld [smem:$0x3FB6]  }
0x3d: {  	_ =	shalt  }
0x3e: {  	_ =	shalt  }
0x3f: {  	_ =	shalt  }
0x40: {  	_ =	shalt  }
0x41: {  	_ =	shalt  }
0x42: {  	_ =	shalt  }
0x43: {  	_ =	shalt  }
0x44: {  	_ =	shalt  }
0x45: {  	_ =	shalt  }
0x46: {  	_ =	shalt  }
0x47: {  	_ =	shalt  }
0x48: {  	_ =	shalt  }
0x49: {  	_ =	shalt  }
0x4a: {  	_ =	shalt  }
0x4b: {  	_ =	shalt  }
0x4c: {  	_ =	shalt  }
0x4d: {  	_ =	shalt  }
0x4e: {  	_ =	shalt  }
0x4f: {  	_ =	shalt  }
0x50: {  	_ =	shalt  }
0x51: {  	_ =	shalt  }
0x52: {  	_ =	shalt  }
0x53: {  	_ =	shalt  }
0x54: {  	_ =	shalt  }
0x55: {  	_ =	shalt  }
0x56: {  	_ =	shalt  }
0x57: {  	_ =	shalt  }
0x58: {  	_ =	shalt  }
0x59: {  	_ =	shalt  }
0x5a: {  	_ =	shalt  }
0x5b: {  	_ =	shalt  }
0x5c: {  	_ =	shalt  }
0x5d: {  	_ =	shalt  }
0x5e: {  	_ =	shalt  }
0x5f: {  	_ =	shalt  }
0x60: {  	_ =	shalt  }
0x61: {  	_ =	shalt  }
0x62: {  	_ =	shalt  }
0x63: {  	_ =	shalt  }
0x64: {  	_ =	shalt  }
0x65: {  	_ =	shalt  }
0x66: {  	_ =	shalt  }
0x67: {  	_ =	shalt  }
0x68: {  	_ =	shalt  }
0x69: {  	_ =	shalt  }
0x6a: {  	_ =	shalt  }
0x6b: {  	_ =	shalt  }
0x6c: {  	_ =	shalt  }
0x6d: {  	_ =	shalt  }
0x6e: {  	_ =	shalt  }
0x6f: {  	_ =	shalt  }
0x70: {  	_ =	shalt  }
0x71: {  	_ =	shalt  }
0x72: {  	_ =	shalt  }
0x73: {  	_ =	shalt  }
0x74: {  	_ =	shalt  }
0x75: {  	_ =	shalt  }
0x76: {  	_ =	shalt  }
0x77: {  	_ =	shalt  }
0x78: {  	_ =	shalt  }
0x79: {  	_ =	shalt  }
0x7a: {  	_ =	shalt  }
0x7b: {  	_ =	shalt  }
0x7c: {  	_ =	shalt  }
0x7d: {  	_ =	shalt  }
0x7e: {  	_ =	shalt  }
0x7f: {  	_ =	shalt  }
0x80: {  	_ =	shalt  }
0x81: {  	_ =	shalt  }
0x82: {  	_ =	shalt  }
0x83: {  	_ =	shalt  }
0x84: {  	_ =	shalt  }
0x85: {  	_ =	shalt  }
0x86: {  	_ =	shalt  }
0x87: {  	_ =	shalt  }
.Lfunc_end0:
.L_simem_size_0:
called_computation_lowered:
.L_overlay_start_0:
0x88: {  	s2 =	sld [smem:$0x3FD9]  }
0x89: {  	s3 =	sld [smem:$0x3FFE];
	_ =	sdelay $0x1  }
0x8a: {  	s1 =	srdreg.scid  }
0x8b: {  	s0 =	sand.u32 $0x1, s1  }
0x8c: {  	s17 =	sshll.u32 s0, $0xA;
	s2 =	sadd.s32 s3, s2  }
0x8d: {  	s2 =	sadd.s32 s2, s17  }
0x8e: {  	[smem:$0x3FC2] =	sst s2  }
0x8f: {  	_ = 	snop  }
0x90: {  	s2 =	sld [smem:$0x3FD0];
	(tm) =	ssettm $0x1  }
0x91: {  	s18 =	sld [smem:$0x3FFB];
	_ =	sdelay $0x3  }
0x92: {  	_ =	strace s18  }
0x93: {  	s3 =	sld [smem:$0x3FFC];
	_ =	sdelay $0x3  }
0x94: {  	_ =	strace s3  }
0x95: {  	s3 =	sld [smem:$0x3FFD];
	_ =	sdelay $0x3  }
0x96: {  	_ =	strace s3  }
0x97: {  	_ =	strace $0x8FFFFFFF  }
0x98: {  	s19 =	sld [smem:$0x3FDB];
	_ =	sdelay $0x1  }
0x99: {  	s4 =	simm.s32 $_scs_section_size  }
0x9a: {  	s5 =	simm.s32 $_size__tile_overlayer_lowered;
	s6 =	simm.s32 $_tile_overlayer_lowered  }
0x9b: {  	s22 =	simm.s32 $0x1BFF;
	s21 =	sshll.u32 s6, $0x1;
	s3 =	sadd.s32 s4, s19  }
0x9c: {  	s7 =	simm.s32 $0x0;
	s20 =	sshll.u32 s5, $0x1;
	s5 =	sadd.s32 s21, s3  }
0x9d: {  	[timem:s7], [sflag:s22] =	dma.local [hbm:s5], s20  }
0x9e: {  	_ =	swait.ge [sflag:s22], s20  }
0x9f: {  	s4 =	ssub.s32 $0x0, s20;
	[sflag:s22] =	ssyncset.done $0x0  }
0xa0: {  	[sflag:s22] =	ssyncadd.s32 s4;
	_ =	sdelay $0x1  }
0xa1: {  	s23 =	simm.s32 $0x1B8B  }
0xa2: {  	_ =	swait.ge [sflag:s23], $0x1  }
0xa3: {  	[sflag:s23] =	ssyncset.done $0x0  }
0xa4: {  	s25 =	simm.s32 $0x1B8E;
	s24 =	sld [smem:$0x3FFE];
	[sflag:s23] =	ssyncadd.s32 $0xFFFFFFFF  }
0xa5: {  	s26 =	simm.s32 $execute0_lowered;
	[smem:$0x3FD2] =	sst s25  }
0xa6: {  	s5 =	sshll.u32 s26, $0x1;
	_ =	strace $0x80000046;
	[dreg:$0x1] =	wrdreg $0xFFFFFFFF  }
0xa7: {  	s28 =	simm.s32 $_size_execute0_lowered;
	s3 =	sadd.s32 s3, s5;
	[dreg:$0x0] =	wrdreg $0x0  }
0xa8: {  	s5 =	sshll.u32 s28, $0x1;
	[dreg:$0x2] =	wrdreg s3  }
0xa9: {  	[dreg:$0x3] =	wrdreg s5  }
0xaa: {  	[dreg:$0x4] =	wrdreg $0xC0  }
0xab: {  	_ =	task [dreg:s7], $0x5FFFF  }
0xac: {  	[dreg:$0x1] =	wrdreg $0xFFFFFFFF  }
0xad: {  	[dreg:$0x0] =	wrdreg $0x60  }
0xae: {  	[dreg:$0x2] =	wrdreg s24  }
0xaf: {  	[dreg:$0x3] =	wrdreg s2  }
0xb0: {  	[dreg:$0x4] =	wrdreg $0x68000  }
0xb1: {  	[dreg:$0x5] =	wrdreg $0x9  }
0xb2: {  	_ =	task.clear_ibuf [dreg:s7], $0x6FFFF;
	_ =	strace $0x90000046  }
0xb3: {  	s29 =	simm.s32 $0x9;
	_ =	strace $0x80000048  }
0xb4: {  	_ =	swait.ge [sflag:s29], $0x1  }
0xb5: {  	[sflag:s29] =	ssyncadd.s32 $0xFFFFFFFF  }
0xb6: {  	_ =	strace $0x90000048  }
0xb7: {  	_ =	sfence  }
0xb8: {  	s30 =	sld [smem:$0x0];
	_ =	sdelay $0x2  }
0xb9: {  	s31 =	sshll.u32 s1, $0xD;
	s1 =	sshrl.u32 s1, $0x2  }
0xba: {  	s3 =	sand.u32 $0x4000, s31;
	s1 =	sadd.s32 s1, s30  }
0xbb: {  	s0 =	sor.u32 s3, s0;
	s1 =	sshll.u32 s1, $0x11  }
0xbc: {  	s0 =	sor.u32 s1, s0  }
0xbd: {  	s0 =	sadd.s32 $0x8F2B, s0  }
0xbe: {  	[sflag:s0] =	ssyncadd.remote.s32 $0x1  }
0xbf: {  	_ =	sfence.sel $0xFFFF  }
0xc0: {  	[dreg:$0x0] =	wrdreg $0xFFFFFFFF;
	(pc) =	sbr.abs _section_cstart, $3  }
0xc1: {  	[dreg:$0x1] =	wrdreg $0xFFFFFFFF  }
0xc2: {  	_ =	task.clear_ibuf [dreg:s7], $0x2FFFF;
	_ =	strace $0x9FFFFFFF  }
0xc3: {  	(tm) =	ssettm $0x7FFFFFFF  }
tec
execute0_lowered:
.L_overlay_start_1:
0x0: {  	(tag) =	ssettag $0x1  }
0x1: {  	s7 =	rddreg [dreg:$0x0]  }
0x2: {  	s0 =	srdreg.scid;
	s2 =	rddreg [dreg:$0x1]  }
0x3: {  	s3 =	rddreg [dreg:$0x2];
	s4 =	simm.s32 $0x0;
	s6 =	sand.u32 $0x1, s0  }
0x4: {  	s13 =	simm.s32 $0x80;
	s0 =	stileid.u32;
	s8 =	smul.u32 $0x13C000, s6  }
0x5: {  	s14 =	simm.s32 $0x0;
	[smem:$0x7FF] =	sst s4;
	s9 =	smul.u32 $0x13C00, s0  }
0x6: {  	s1 =	sshll.u32 s6, $0x4;
	s29 =	smul.u32 $0x4F000, s0;
	s6 =	ssub.s32 $0x2, s6  }
0x7: {  	s31 =	sshll.u32 s0, $0x6;
	s1 =	sor.u32 s0, s1;
	s30 =	sshrl.u32 s6, $0x1  }
0x8: {  	s5 =	smul.u32 $0x500, s1;
	s1 =	rddreg [dreg:$0x3];
	_ =	strace $0x80000047  }
0x9: {  	s8 =	sadd.s32 s9, s8;
	s9 =	sshrl.u32 s29, $0x2;
	s11 =	ssub.s32 s6, s30  }
0xa: {  	s6 =	sor.u32 $0x1C01, s31;
	s8 =	sshrl.u32 s8, $0x3;
	s12 =	sadd.s32 s9, s3  }
0xb: {  	s9 =	smax.u32 s11, $0x1;
	s11 =	simm.s32 $0x1;
	s10 =	sadd.s32 s5, s7  }
0xc: {  	s5 =	sadd.s32 $0x16E00, s7;
	s8 =	sadd.s32 s8, s7;
	s7 =	sadd.s32 $0xCE00, s10  }
0xd: {  	s8 =	sadd.s32 $0x19600, s8;
	s10 =	sshrl.u32 s12, $0x3;
	s12 =	simm.s32 $0x2800  }
.LBB2_1:
0xe: {  	[spmem:s10], [sflag:s6] =	dma.local [hbm:s5], $0x2780  }
0xf: {  	_ =	swait.ge [sflag:s11], $0x2780  }
0x10: {  	[sflag:s11] =	ssyncset.done $0x0  }
0x11: {  	[sflag:s11] =	ssyncadd.s32 $0xFFFFD880  }
0x12: {  	[tilespmem:s12], [sflag:$0x1] =	stream.linear.gather [hbm4b:s2+s4], $0x4000, $0x38;
	[tilespmem:$0x1A400] =	vst v63  }
0x13: {  	_ =	swait.ge [sflag:s11], $0x4000  }
0x14: {  	[sflag:s11] =	ssyncset.done $0x0  }
0x15: {  	[sflag:s11] =	ssyncadd.s32 $0xFFFFC000  }
0x16: {  	[tilespmem:s4], [sflag:$0x1] =	stream.linear.gather [hbm4b:s7+s4], $0x2800, $0x38;
	[tilespmem:$0x1A400] =	vst v63  }
0x17: {  	_ =	swait.ge [sflag:s11], $0x2800  }
0x18: {  	[sflag:s11] =	ssyncset.done $0x0  }
0x19: {  	[sflag:s11] =	ssyncadd.s32 $0xFFFFD800  }
0x1a: {  	s15 =	simm.s32 $0x0;
	[bflag:$0x0] =	sbarrier.arrive $0xFFFF  }
0x1b: {  	[spmem:s3] =	stream.indirect.scatter.add.f32 [tilespmem:s12], [sflag:$0x1], $0x80, s15, s13, $0xb8;
	[tilespmem:$0x1A400] =	vst v63  }
0x1c: {  	_ =	swait.ge [sflag:s11], $0x4000  }
0x1d: {  	s15 =	simm.s32 $0x200;
	[sflag:s11] =	ssyncset.done $0x0  }
.LBB2_2:
0x1e: {  	s16 =	sshra.s32 s15, $0x2;
	[sflag:s11] =	ssyncadd.s32 $0xFFFFC000;
	p0 =	sne.s32 s15, $0x9E00  }
0x1f: {  	[spmem:s3] =	stream.indirect.scatter.add.f32 [tilespmem:s12], [sflag:$0x1], $0x80, s16, s13, $0xb8;
	[tilespmem:$0x1A400] =	vst v63  }
.Ltmp0:
0x20: {  	_ = 	snop;
	(pc) =	sbr.rel @p0 .LBB2_2-.Ltmp0, $4  }
0x21: {  	_ = 	snop  }
0x22: {  	s15 =	sadd.s32 $0x200, s15  }
0x23: {  	_ =	swait.ge [sflag:s11], $0x4000  }
0x24: {  	[sflag:s11] =	ssyncset.done $0x0  }
0x25: {  	s14 =	sadd.s32 $0x1, s14  }
0x26: {  	[sflag:s11] =	ssyncadd.s32 $0xFFFFC000;
	p0 =	sne.s32 s14, s9  }
.Ltmp1:
0x27: {  	[bflag:$0x0] =	sbarrier.arrive $0xFFFF;
	(pc) =	sbr.rel @p0 .LBB2_1-.Ltmp1, $4  }
0x28: {  	[hbm:s8], [sflag:s6] =	dma.local [spmem:s10], $0x2780  }
0x29: {  	_ =	swait.ge [sflag:s11], $0x2780  }
0x2a: {  	[sflag:s11] =	ssyncset.done $0x0  }
0x2b: {  	[sflag:s11] =	ssyncadd.s32 $0xFFFFD880  }
0x2c: {  	_ =	sfence.sel $0x180000  }
0x2d: {  	[bflag:$0x0] =	sbarrier.arrive $0xFFFF  }
0x2e: {  	p0 =	sne.s32 s0, $0x0;
	_ =	strace $0x90000047  }
0x2f: {  	s0 =	sadd.s32 @!p0 $0x100000, s1;
	[bflag:$0x2] =	sbarrier.arrive $0xFFFF  }
0x30: {  	[sflag:s0] =	ssyncadd.tile.s32 @!p0 $0x1;
	_ =	shalt  }
.Lfunc_end2:
_tile_overlayer_lowered:
.L_overlay_start_2:
0x31: {  	(tag) =	ssettag $0x2  }
0x32: {  	s0 =	rddreg [dreg:$0x0];
	s2 =	stileid.u32  }
0x33: {  	s1 =	rddreg [dreg:$0x1];
	p0 =	sne.s32 s2, $0x0  }
0x34: {  	s3 =	rddreg [dreg:$0x2];
	[bflag:$0x3] =	sbarrier.arrive $0xFFFF;
	s2 =	simm.s32 @!p0 $0x1C01  }
0x35: {  	[timem:s3], [sflag:s2] =	dma.local @!p0 [hbm:s0], s1  }
0x36: {  	s0 =	simm.s32 @!p0 $0x1  }
0x37: {  	_ =	swait.ge @!p0 [sflag:s0], s1  }
0x38: {  	s1 =	ssub.s32 @!p0 $0x0, s1;
	[sflag:s0] =	ssyncset.done @!p0 $0x0  }
0x39: {  	[sflag:s0] =	ssyncadd.s32 @!p0 s1  }
0x3a: {  	[bflag:$0x3] =	sbarrier.arrive $0xFFFF  }
0x3b: {  	_ =	shalt  }

</sc_bundles>
